<compile_context>
chip_gen: v7x
topology: tpu7x:2x2x1
jax: 0.10.2.dev20260603
libtpu: 0.0.44.dev20260713+nightly
codegen_flags: <defaults>
</compile_context>

<pallas_src>
import functools

import jax
import jax.numpy as jnp
from jax import lax
from jax.experimental import pallas as pl
from jax.experimental.pallas import tpu as pltpu
from jax.experimental.pallas import tpu_sc as plsc

N, E, D_IN, D_H, D_OUT = 10000, 320000, 128, 128, 64
NC, NS = 2, 16
NW = NC * NS
N_PAD = 10240
RPT = N_PAD // NS
C = 400
DEG_W = 16
DF = 64


def _mesh():
    return plsc.VectorSubcoreMesh(core_axis_name="c", subcore_axis_name="s")


_SC_PARAMS = pltpu.CompilerParams(use_tc_tiling_on_sc=False)


def _sc_degree(dst, ones_c, zeros16):
    ept = E // NW

    @functools.partial(
        pl.kernel,
        out_type=jax.ShapeDtypeStruct((NC, N_PAD, DEG_W), jnp.float32),
        mesh=_mesh(),
        scratch_types=[
            pltpu.VMEM((C,), jnp.int32),
            pltpu.VMEM((C,), jnp.int32),
            pltpu.VMEM((C, DEG_W), jnp.float32),
            pltpu.VMEM_SHARED((N_PAD, DEG_W), jnp.float32),
            pltpu.SemaphoreType.DMA,
        ],
        compiler_params=_SC_PARAMS,
    )
    def k(dst_h, ones_h, zeros_h, out_h, idx_a, idx_b, ones_v, acc, sem):
        c = lax.axis_index("c")
        s = lax.axis_index("s")
        gwid = c * NS + s
        r0 = s * RPT
        nk = ept // C
        pltpu.sync_copy(zeros_h.at[pl.ds(r0, RPT)], acc.at[pl.ds(r0, RPT)])
        pltpu.sync_copy(ones_h, ones_v)
        plsc.subcore_barrier()

        def load(kk, idx):
            base = pl.multiple_of(gwid * ept + kk * C, 8)
            pltpu.async_copy(dst_h.at[pl.ds(base, C)], idx, sem)

        def wait_load(kk, idx):
            base = pl.multiple_of(gwid * ept + kk * C, 8)
            pltpu.make_async_copy(dst_h.at[pl.ds(base, C)], idx, sem).wait()

        load(0, idx_a)

        def step(kk, cur, nxt):
            wait_load(kk, cur)

            @pl.when(kk + 1 < nk)
            def _():
                load(kk + 1, nxt)

            pltpu.sync_copy(ones_v, acc.at[cur], add=True)

        def body(kk, carry):
            @pl.when(kk % 2 == 0)
            def _():
                step(kk, idx_a, idx_b)

            @pl.when(kk % 2 == 1)
            def _():
                step(kk, idx_b, idx_a)

            return carry

        lax.fori_loop(0, nk, body, 0)
        plsc.subcore_barrier()
        pltpu.sync_copy(acc.at[pl.ds(r0, RPT)], out_h.at[c, pl.ds(r0, RPT)])

    return k(dst, ones_c, zeros16)


def _sc_aggregate(table, src, dst, zeros, feature_split):
    ept = (E // NS) if feature_split else (E // NW)
    nk = ept // C

    @functools.partial(
        pl.kernel,
        out_type=jax.ShapeDtypeStruct((NC, N_PAD, DF), jnp.float32),
        mesh=_mesh(),
        scratch_types=[
            pltpu.VMEM((C,), jnp.int32),
            pltpu.VMEM((C,), jnp.int32),
            pltpu.VMEM((C,), jnp.int32),
            pltpu.VMEM((C,), jnp.int32),
            pltpu.VMEM((C, DF), jnp.float32),
            pltpu.VMEM((C, DF), jnp.float32),
            pltpu.VMEM_SHARED((N_PAD, DF), jnp.float32),
            pltpu.SemaphoreType.DMA,
            pltpu.SemaphoreType.DMA,
        ],
        compiler_params=_SC_PARAMS,
    )
    def k(table_h, src_h, dst_h, zeros_h, out_h, src_a, src_b, dst_a,
          dst_b, rows_a, rows_b, acc, sem_g, sem_s):
        c = lax.axis_index("c")
        s = lax.axis_index("s")
        gwid = s if feature_split else c * NS + s
        r0 = s * RPT
        pltpu.sync_copy(zeros_h.at[pl.ds(r0, RPT)], acc.at[pl.ds(r0, RPT)])
        plsc.subcore_barrier()

        def load_gather(kk, idx, rows):
            base = pl.multiple_of(gwid * ept + kk * C, 8)
            pltpu.sync_copy(src_h.at[pl.ds(base, C)], idx)
            if feature_split:
                off = jnp.broadcast_to(c * N, (16,)).astype(jnp.int32)
                for j in range(C // 16):
                    sl = pl.ds(j * 16, 16)
                    idx[sl] = idx[sl] + off
            pltpu.async_copy(table_h.at[idx], rows, sem_g)

        def wait_gather(idx, rows):
            pltpu.make_async_copy(table_h.at[idx], rows, sem_g).wait()

        def scatter(kk, dstb, rows):
            base = pl.multiple_of(gwid * ept + kk * C, 8)
            pltpu.sync_copy(dst_h.at[pl.ds(base, C)], dstb)
            pltpu.async_copy(rows, acc.at[dstb], sem_s, add=True)

        def wait_scatter(dstb, rows):
            pltpu.make_async_copy(rows, acc.at[dstb], sem_s).wait()

        load_gather(0, src_a, rows_a)

        def step(kk, idx_c, dst_c, rows_c, idx_n, dst_n, rows_n):
            @pl.when(kk >= 1)
            def _():
                wait_scatter(dst_n, rows_n)

            @pl.when(kk + 1 < nk)
            def _():
                load_gather(kk + 1, idx_n, rows_n)

            wait_gather(idx_c, rows_c)
            scatter(kk, dst_c, rows_c)

        def body(kk, carry):
            @pl.when(kk % 2 == 0)
            def _():
                step(kk, src_a, dst_a, rows_a, src_b, dst_b, rows_b)

            @pl.when(kk % 2 == 1)
            def _():
                step(kk, src_b, dst_b, rows_b, src_a, dst_a, rows_a)

            return carry

        lax.fori_loop(0, nk, body, 0)
        if (nk - 1) % 2 == 0:
            wait_scatter(dst_a, rows_a)
        else:
            wait_scatter(dst_b, rows_b)
        plsc.subcore_barrier()
        pltpu.sync_copy(acc.at[pl.ds(r0, RPT)], out_h.at[c, pl.ds(r0, RPT)])

    return k(table, src, dst, zeros)


BN = 1000


def _tc_mm(x, W1):
    grid = (N // BN,)

    def body(x_ref, w_ref, h_ref):
        h_ref[...] = jnp.dot(x_ref[...], w_ref[...],
                             preferred_element_type=jnp.float32)

    return pl.pallas_call(
        body,
        grid=grid,
        in_specs=[
            pl.BlockSpec((BN, D_IN), lambda i: (i, 0)),
            pl.BlockSpec((D_IN, D_H), lambda i: (0, 0)),
        ],
        out_specs=pl.BlockSpec((BN, D_H), lambda i: (i, 0)),
        out_shape=jax.ShapeDtypeStruct((N, D_H), jnp.float32),
    )(x, W1)


def _tc_scale(h1, deg16):
    grid = (N // BN,)

    def body(h_ref, d_ref, t_ref, dinv_ref):
        d = d_ref[0] + d_ref[1]
        deg = jnp.sum(d, axis=1, keepdims=True) + 1.0
        dinv = jax.lax.rsqrt(deg)
        hs = h_ref[...] * jnp.broadcast_to(dinv, (BN, D_H))
        t_ref[0] = hs[:, :DF]
        t_ref[1] = hs[:, DF:]
        dinv_ref[...] = jnp.broadcast_to(dinv, (BN, DEG_W))

    return pl.pallas_call(
        body,
        grid=grid,
        in_specs=[
            pl.BlockSpec((BN, D_H), lambda i: (i, 0)),
            pl.BlockSpec((NC, BN, DEG_W), lambda i: (0, i, 0)),
        ],
        out_specs=[
            pl.BlockSpec((2, BN, DF), lambda i: (0, i, 0)),
            pl.BlockSpec((BN, DEG_W), lambda i: (i, 0)),
        ],
        out_shape=[
            jax.ShapeDtypeStruct((2, N, DF), jnp.float32),
            jax.ShapeDtypeStruct((N, DEG_W), jnp.float32),
        ],
    )(h1, deg16)


def _tc_layer2(agg1, h1p, dinv16, b1, W2):
    grid = (N // BN,)

    def body(a_ref, h_ref, d_ref, b_ref, w_ref, out_ref):
        dinv = jnp.broadcast_to(d_ref[...][:, :1], (BN, D_H))
        full = jnp.concatenate([a_ref[0] + h_ref[0], a_ref[1] + h_ref[1]],
                               axis=1)
        z = full * dinv + b_ref[...]
        z = jnp.maximum(z, 0.0)
        h2 = jnp.dot(z, w_ref[...], preferred_element_type=jnp.float32)
        out_ref[...] = h2 * dinv[:, :D_OUT]

    return pl.pallas_call(
        body,
        grid=grid,
        in_specs=[
            pl.BlockSpec((NC, BN, DF), lambda i: (0, i, 0)),
            pl.BlockSpec((NC, BN, DF), lambda i: (0, i, 0)),
            pl.BlockSpec((BN, DEG_W), lambda i: (i, 0)),
            pl.BlockSpec((1, D_H), lambda i: (0, 0)),
            pl.BlockSpec((D_H, D_OUT), lambda i: (0, 0)),
        ],
        out_specs=pl.BlockSpec((BN, D_OUT), lambda i: (i, 0)),
        out_shape=jax.ShapeDtypeStruct((N, D_OUT), jnp.float32),
    )(agg1, h1p, dinv16, b1, W2)


def _tc_head(agg2, h2p, dinv16, b2):
    grid = (N // BN,)

    def body(a_ref, h_ref, d_ref, b_ref, out_ref):
        dinv = jnp.broadcast_to(d_ref[...][:, :1], (BN, D_OUT))
        y = (a_ref[0] + a_ref[1] + h_ref[...]) * dinv + b_ref[...]
        m = jnp.max(y, axis=1, keepdims=True)
        lse = jnp.log(jnp.sum(jnp.exp(y - m), axis=1, keepdims=True)) + m
        out_ref[...] = y - lse

    return pl.pallas_call(
        body,
        grid=grid,
        in_specs=[
            pl.BlockSpec((NC, BN, D_OUT), lambda i: (0, i, 0)),
            pl.BlockSpec((BN, D_OUT), lambda i: (i, 0)),
            pl.BlockSpec((BN, DEG_W), lambda i: (i, 0)),
            pl.BlockSpec((1, D_OUT), lambda i: (0, 0)),
        ],
        out_specs=pl.BlockSpec((BN, D_OUT), lambda i: (i, 0)),
        out_shape=jax.ShapeDtypeStruct((N, D_OUT), jnp.float32),
    )(agg2, h2p, dinv16, b2)


def kernel(x, edge_index, W1, b1, W2, b2):
    src = edge_index[0]
    dst = edge_index[1]
    ones_c = jnp.full((C, DEG_W), 1.0 / DEG_W, jnp.float32)
    zeros16 = jnp.zeros((N_PAD, DEG_W), jnp.float32)
    zeros_f = jnp.zeros((N_PAD, DF), jnp.float32)

    h1 = _tc_mm(x, W1)
    deg16 = _sc_degree(dst, ones_c, zeros16)
    h1p, dinv16 = _tc_scale(h1, deg16)
    table1 = h1p.reshape(2 * N, DF)
    agg1 = _sc_aggregate(table1, src, dst, zeros_f, True)
    h2p = _tc_layer2(agg1, h1p, dinv16, b1.reshape(1, D_H), W2)
    agg2 = _sc_aggregate(h2p, src, dst, zeros_f, False)
    return _tc_head(agg2, h2p, dinv16, b2.reshape(1, D_OUT))

# --- scband reference (transcript-rebuilt; emitter-appended) ---
"""Pipeline reference for scband-gcn-49289044689250 (READ-ONLY COPY).

The authoritative reference and input builder live on the scoring server;
editing this copy changes nothing except your own understanding.
"""

import jax, jax.numpy as jnp
import numpy as np

N, E, D_IN, D_H, D_OUT = 10000, 320000, 128, 128, 64


def gcn_conv(x, edge_index, W, b):
    n = x.shape[0]
    loop = jnp.arange(n, dtype=edge_index.dtype)
    src = jnp.concatenate([edge_index[0], loop])
    dst = jnp.concatenate([edge_index[1], loop])
    # symmetric normalization with self-loops (PyG GCNConv, normalize=True)
    deg = jnp.zeros((n,), x.dtype).at[dst].add(jnp.ones((src.shape[0],), x.dtype))
    dinv = jnp.where(deg > 0, jax.lax.rsqrt(deg), 0.0)
    norm = dinv[src] * dinv[dst]
    h = x @ W
    msg = jnp.take(h, src, axis=0) * norm[:, None]
    out = jnp.zeros((n, W.shape[1]), x.dtype).at[dst].add(msg)
    return out + b


def setup_inputs(seed: int = 0) -> dict:
    key = jax.random.key(seed)
    ks = jax.random.split(key, 6)
    x = jax.random.normal(ks[0], (N, D_IN), jnp.float32)
    edge_index = jax.random.randint(ks[1], (2, E), 0, N, jnp.int32)
    W1 = jax.random.normal(ks[2], (D_IN, D_H), jnp.float32) * (1.0 / np.sqrt(D_IN))
    b1 = jnp.zeros((D_H,), jnp.float32)
    W2 = jax.random.normal(ks[3], (D_H, D_OUT), jnp.float32) * (1.0 / np.sqrt(D_H))
    b2 = jnp.zeros((D_OUT,), jnp.float32)
    return {"x": x, "edge_index": edge_index, "W1": W1, "b1": b1, "W2": W2, "b2": b2}


def reference(x, edge_index, W1, b1, W2, b2):
    # dropout is identity in eval mode (training=False)
    h = jax.nn.relu(gcn_conv(x, edge_index, W1, b1))
    h = gcn_conv(h, edge_index, W2, b2)
    return jax.nn.log_softmax(h, axis=1)

if __name__ == "__main__":
    import jax
    _d = setup_inputs()
    print(jax.jit(kernel)(*tuple(_d.values())))

</pallas_src>

<mosaic_0001>
#map = affine_map<(d0, d1) -> (0, 0)>
#map1 = affine_map<(d0, d1) -> (0)>
#map2 = affine_map<(d0, d1) -> (0, 0, 0)>
module attributes {stable_mosaic.version = 14 : i64} {
  func.func @k(%arg0: i32, %arg1: i32, %arg2: memref<20000x64xf32, #tpu.memory_space<hbm>>, %arg3: memref<320000xi32, #tpu.memory_space<hbm>>, %arg4: memref<320000xi32, #tpu.memory_space<hbm>>, %arg5: memref<10240x64xf32, #tpu.memory_space<hbm>>, %arg6: memref<2x10240x64xf32, #tpu.memory_space<hbm>>, %arg7: memref<400xi32, #tpu.memory_space<vmem>>, %arg8: memref<400xi32, #tpu.memory_space<vmem>>, %arg9: memref<400xi32, #tpu.memory_space<vmem>>, %arg10: memref<400xi32, #tpu.memory_space<vmem>>, %arg11: memref<400x64xf32, #tpu.memory_space<vmem>>, %arg12: memref<400x64xf32, #tpu.memory_space<vmem>>, %arg13: memref<10240x64xf32, #tpu.memory_space<vmem_shared>>, %arg14: memref<!tpu.dma_semaphore, #tpu.memory_space<semaphore_mem>>, %arg15: memref<!tpu.dma_semaphore, #tpu.memory_space<semaphore_mem>>) attributes {dimension_semantics = [#tpu.dimension_semantics<core_parallel>, #tpu.dimension_semantics<subcore_parallel>], iteration_bounds = array<i64: 2, 16>, scalar_prefetch = 0 : i64, scratch_operands = 9 : i64, tpu.core_type = #tpu.core_type<sc_vector_subcore>, window_params = [{transform_indices = #map}, {transform_indices = #map1}, {transform_indices = #map1}, {transform_indices = #map}, {transform_indices = #map2}]} {
    %mul3A = arith.constant 640 : i32
    %mul3A_0 = arith.muli %arg1, %mul3A : i32
    "tpu.region"() ({
      %run_scoped3A = tpu.sem_alloc : memref<!tpu.dma_semaphore, #tpu.memory_space<semaphore_mem>>
      %dma_start3A_214 = arith.constant 0 : i32
      %dma_start3A_215 = tpu.memref_slice %arg13[%mul3A_0, %dma_start3A_214] : memref<10240x64xf32, #tpu.memory_space<vmem_shared>> -> memref<640x64xf32, #tpu.memory_space<vmem_shared>>
      %dma_start3A_216 = arith.constant 0 : i32
      %dma_start3A_217 = tpu.memref_slice %arg5[%mul3A_0, %dma_start3A_216] : memref<10240x64xf32, #tpu.memory_space<hbm>> -> memref<640x64xf32, #tpu.memory_space<hbm>>
      tpu.enqueue_dma source(%dma_start3A_217 : memref<640x64xf32, #tpu.memory_space<hbm>>) target(%dma_start3A_215 : memref<640x64xf32, #tpu.memory_space<vmem_shared>>) target_semaphore(%run_scoped3A : memref<!tpu.dma_semaphore, #tpu.memory_space<semaphore_mem>>)
      %dma_wait3A_218 = arith.constant 0 : i32
      %dma_wait3A_219 = tpu.memref_slice %arg13[%mul3A_0, %dma_wait3A_218] : memref<10240x64xf32, #tpu.memory_space<vmem_shared>> -> memref<640x64xf32, #tpu.memory_space<vmem_shared>>
      %dma_wait3A_220 = arith.constant 0 : i32
      %dma_wait3A_221 = tpu.memref_slice %arg5[%mul3A_0, %dma_wait3A_220] : memref<10240x64xf32, #tpu.memory_space<hbm>> -> memref<640x64xf32, #tpu.memory_space<hbm>>
      tpu.wait_dma2 semaphore(%run_scoped3A : memref<!tpu.dma_semaphore, #tpu.memory_space<semaphore_mem>>) src(%dma_wait3A_221 : memref<640x64xf32, #tpu.memory_space<hbm>>) dst(%dma_wait3A_219 : memref<640x64xf32, #tpu.memory_space<vmem_shared>>)
      tpu.yield
    }) : () -> ()
    %barrier3A = arith.constant 0 : index
    tpu.barrier barrier_id(%barrier3A)
    %mul3A_1 = arith.constant 20000 : i32
    %mul3A_2 = arith.muli %arg1, %mul3A_1 : i32
    %add3A = arith.constant 0 : i32
    %add3A_3 = arith.addi %mul3A_2, %add3A : i32
    %multiple_of3A = tpu.assume_multiple %add3A_3, 8 : i32
    "tpu.region"() ({
      %run_scoped3A = tpu.sem_alloc : memref<!tpu.dma_semaphore, #tpu.memory_space<semaphore_mem>>
      %dma_start3A_214 = tpu.memref_slice %arg3[%multiple_of3A] : memref<320000xi32, #tpu.memory_space<hbm>> -> memref<400xi32, #tpu.memory_space<hbm>>
      %dma_start3A_215 = tpu.memref_slice %arg3[%multiple_of3A] : memref<320000xi32, #tpu.memory_space<hbm>> -> memref<400xi32, #tpu.memory_space<hbm>>
      tpu.enqueue_dma source(%dma_start3A_215 : memref<400xi32, #tpu.memory_space<hbm>>) target(%arg7 : memref<400xi32, #tpu.memory_space<vmem>>) target_semaphore(%run_scoped3A : memref<!tpu.dma_semaphore, #tpu.memory_space<semaphore_mem>>)
      %dma_wait3A_216 = tpu.memref_slice %arg3[%multiple_of3A] : memref<320000xi32, #tpu.memory_space<hbm>> -> memref<400xi32, #tpu.memory_space<hbm>>
      %dma_wait3A_217 = tpu.memref_slice %arg3[%multiple_of3A] : memref<320000xi32, #tpu.memory_space<hbm>> -> memref<400xi32, #tpu.memory_space<hbm>>
      tpu.wait_dma2 semaphore(%run_scoped3A : memref<!tpu.dma_semaphore, #tpu.memory_space<semaphore_mem>>) src(%dma_wait3A_217 : memref<400xi32, #tpu.memory_space<hbm>>) dst(%arg7 : memref<400xi32, #tpu.memory_space<vmem>>)
      tpu.yield
    }) : () -> ()
    %mul3A_4 = arith.constant 10000 : i32
    %mul3A_5 = arith.muli %arg0, %mul3A_4 : i32
    %broadcast_in_dim3A = vector.broadcast %mul3A_5 : i32 to vector<16xi32>
    %get3A = arith.constant 0 : index
    %get3A_6 = tpu.vector_load %arg7[%get3A] {strides = array<i32>} : memref<400xi32, #tpu.memory_space<vmem>>, vector<16xi32>,
    %get3A_7 = vector.shape_cast %get3A_6 : vector<16xi32> to vector<16xi32>
    %add3A_8 = arith.addi %get3A_7, %broadcast_in_dim3A : vector<16xi32>
    %swap3A = arith.constant 0 : index
    %swap3A_9 = tpu.vector_load %arg7[%swap3A] {strides = array<i32>} : memref<400xi32, #tpu.memory_space<vmem>>, vector<16xi32>,
    %swap3A_10 = vector.shape_cast %swap3A_9 : vector<16xi32> to vector<16xi32>
    %swap3A_11 = vector.shape_cast %add3A_8 : vector<16xi32> to vector<16xi32>
    tpu.vector_store %arg7[%swap3A], %swap3A_11 {strides = array<i32>} : memref<400xi32, #tpu.memory_space<vmem>>, vector<16xi32>,
    %get3A_12 = arith.constant 16 : index
    %get3A_13 = tpu.vector_load %arg7[%get3A_12] {strides = array<i32>} : memref<400xi32, #tpu.memory_space<vmem>>, vector<16xi32>,
    %get3A_14 = vector.shape_cast %get3A_13 : vector<16xi32> to vector<16xi32>
    %add3A_15 = arith.addi %get3A_14, %broadcast_in_dim3A : vector<16xi32>
    %swap3A_16 = arith.constant 16 : index
    %swap3A_17 = tpu.vector_load %arg7[%swap3A_16] {strides = array<i32>} : memref<400xi32, #tpu.memory_space<vmem>>, vector<16xi32>,
    %swap3A_18 = vector.shape_cast %swap3A_17 : vector<16xi32> to vector<16xi32>
    %swap3A_19 = vector.shape_cast %add3A_15 : vector<16xi32> to vector<16xi32>
    tpu.vector_store %arg7[%swap3A_16], %swap3A_19 {strides = array<i32>} : memref<400xi32, #tpu.memory_space<vmem>>, vector<16xi32>,
    %get3A_20 = arith.constant 32 : index
    %get3A_21 = tpu.vector_load %arg7[%get3A_20] {strides = array<i32>} : memref<400xi32, #tpu.memory_space<vmem>>, vector<16xi32>,
    %get3A_22 = vector.shape_cast %get3A_21 : vector<16xi32> to vector<16xi32>
    %add3A_23 = arith.addi %get3A_22, %broadcast_in_dim3A : vector<16xi32>
    %swap3A_24 = arith.constant 32 : index
    %swap3A_25 = tpu.vector_load %arg7[%swap3A_24] {strides = array<i32>} : memref<400xi32, #tpu.memory_space<vmem>>, vector<16xi32>,
    %swap3A_26 = vector.shape_cast %swap3A_25 : vector<16xi32> to vector<16xi32>
    %swap3A_27 = vector.shape_cast %add3A_23 : vector<16xi32> to vector<16xi32>
    tpu.vector_store %arg7[%swap3A_24], %swap3A_27 {strides = array<i32>} : memref<400xi32, #tpu.memory_space<vmem>>, vector<16xi32>,
    %get3A_28 = arith.constant 48 : index
    %get3A_29 = tpu.vector_load %arg7[%get3A_28] {strides = array<i32>} : memref<400xi32, #tpu.memory_space<vmem>>, vector<16xi32>,
    %get3A_30 = vector.shape_cast %get3A_29 : vector<16xi32> to vector<16xi32>
    %add3A_31 = arith.addi %get3A_30, %broadcast_in_dim3A : vector<16xi32>
    %swap3A_32 = arith.constant 48 : index
    %swap3A_33 = tpu.vector_load %arg7[%swap3A_32] {strides = array<i32>} : memref<400xi32, #tpu.memory_space<vmem>>, vector<16xi32>,
    %swap3A_34 = vector.shape_cast %swap3A_33 : vector<16xi32> to vector<16xi32>
    %swap3A_35 = vector.shape_cast %add3A_31 : vector<16xi32> to vector<16xi32>
    tpu.vector_store %arg7[%swap3A_32], %swap3A_35 {strides = array<i32>} : memref<400xi32, #tpu.memory_space<vmem>>, vector<16xi32>,
    %get3A_36 = arith.constant 64 : index
    %get3A_37 = tpu.vector_load %arg7[%get3A_36] {strides = array<i32>} : memref<400xi32, #tpu.memory_space<vmem>>, vector<16xi32>,
    %get3A_38 = vector.shape_cast %get3A_37 : vector<16xi32> to vector<16xi32>
    %add3A_39 = arith.addi %get3A_38, %broadcast_in_dim3A : vector<16xi32>
    %swap3A_40 = arith.constant 64 : index
    %swap3A_41 = tpu.vector_load %arg7[%swap3A_40] {strides = array<i32>} : memref<400xi32, #tpu.memory_space<vmem>>, vector<16xi32>,
    %swap3A_42 = vector.shape_cast %swap3A_41 : vector<16xi32> to vector<16xi32>
    %swap3A_43 = vector.shape_cast %add3A_39 : vector<16xi32> to vector<16xi32>
    tpu.vector_store %arg7[%swap3A_40], %swap3A_43 {strides = array<i32>} : memref<400xi32, #tpu.memory_space<vmem>>, vector<16xi32>,
    %get3A_44 = arith.constant 80 : index
    %get3A_45 = tpu.vector_load %arg7[%get3A_44] {strides = array<i32>} : memref<400xi32, #tpu.memory_space<vmem>>, vector<16xi32>,
    %get3A_46 = vector.shape_cast %get3A_45 : vector<16xi32> to vector<16xi32>
    %add3A_47 = arith.addi %get3A_46, %broadcast_in_dim3A : vector<16xi32>
    %swap3A_48 = arith.constant 80 : index
    %swap3A_49 = tpu.vector_load %arg7[%swap3A_48] {strides = array<i32>} : memref<400xi32, #tpu.memory_space<vmem>>, vector<16xi32>,
    %swap3A_50 = vector.shape_cast %swap3A_49 : vector<16xi32> to vector<16xi32>
    %swap3A_51 = vector.shape_cast %add3A_47 : vector<16xi32> to vector<16xi32>
    tpu.vector_store %arg7[%swap3A_48], %swap3A_51 {strides = array<i32>} : memref<400xi32, #tpu.memory_space<vmem>>, vector<16xi32>,
    %get3A_52 = arith.constant 96 : index
    %get3A_53 = tpu.vector_load %arg7[%get3A_52] {strides = array<i32>} : memref<400xi32, #tpu.memory_space<vmem>>, vector<16xi32>,
    %get3A_54 = vector.shape_cast %get3A_53 : vector<16xi32> to vector<16xi32>
    %add3A_55 = arith.addi %get3A_54, %broadcast_in_dim3A : vector<16xi32>
    %swap3A_56 = arith.constant 96 : index
    %swap3A_57 = tpu.vector_load %arg7[%swap3A_56] {strides = array<i32>} : memref<400xi32, #tpu.memory_space<vmem>>, vector<16xi32>,
    %swap3A_58 = vector.shape_cast %swap3A_57 : vector<16xi32> to vector<16xi32>
    %swap3A_59 = vector.shape_cast %add3A_55 : vector<16xi32> to vector<16xi32>
    tpu.vector_store %arg7[%swap3A_56], %swap3A_59 {strides = array<i32>} : memref<400xi32, #tpu.memory_space<vmem>>, vector<16xi32>,
    %get3A_60 = arith.constant 112 : index
    %get3A_61 = tpu.vector_load %arg7[%get3A_60] {strides = array<i32>} : memref<400xi32, #tpu.memory_space<vmem>>, vector<16xi32>,
    %get3A_62 = vector.shape_cast %get3A_61 : vector<16xi32> to vector<16xi32>
    %add3A_63 = arith.addi %get3A_62, %broadcast_in_dim3A : vector<16xi32>
    %swap3A_64 = arith.constant 112 : index
    %swap3A_65 = tpu.vector_load %arg7[%swap3A_64] {strides = array<i32>} : memref<400xi32, #tpu.memory_space<vmem>>, vector<16xi32>,
    %swap3A_66 = vector.shape_cast %swap3A_65 : vector<16xi32> to vector<16xi32>
    %swap3A_67 = vector.shape_cast %add3A_63 : vector<16xi32> to vector<16xi32>
    tpu.vector_store %arg7[%swap3A_64], %swap3A_67 {strides = array<i32>} : memref<400xi32, #tpu.memory_space<vmem>>, vector<16xi32>,
    %get3A_68 = arith.constant 128 : index
    %get3A_69 = tpu.vector_load %arg7[%get3A_68] {strides = array<i32>} : memref<400xi32, #tpu.memory_space<vmem>>, vector<16xi32>,
    %get3A_70 = vector.shape_cast %get3A_69 : vector<16xi32> to vector<16xi32>
    %add3A_71 = arith.addi %get3A_70, %broadcast_in_dim3A : vector<16xi32>
    %swap3A_72 = arith.constant 128 : index
    %swap3A_73 = tpu.vector_load %arg7[%swap3A_72] {strides = array<i32>} : memref<400xi32, #tpu.memory_space<vmem>>, vector<16xi32>,
    %swap3A_74 = vector.shape_cast %swap3A_73 : vector<16xi32> to vector<16xi32>
    %swap3A_75 = vector.shape_cast %add3A_71 : vector<16xi32> to vector<16xi32>
    tpu.vector_store %arg7[%swap3A_72], %swap3A_75 {strides = array<i32>} : memref<400xi32, #tpu.memory_space<vmem>>, vector<16xi32>,
    %get3A_76 = arith.constant 144 : index
    %get3A_77 = tpu.vector_load %arg7[%get3A_76] {strides = array<i32>} : memref<400xi32, #tpu.memory_space<vmem>>, vector<16xi32>,
    %get3A_78 = vector.shape_cast %get3A_77 : vector<16xi32> to vector<16xi32>
    %add3A_79 = arith.addi %get3A_78, %broadcast_in_dim3A : vector<16xi32>
    %swap3A_80 = arith.constant 144 : index
    %swap3A_81 = tpu.vector_load %arg7[%swap3A_80] {strides = array<i32>} : memref<400xi32, #tpu.memory_space<vmem>>, vector<16xi32>,
    %swap3A_82 = vector.shape_cast %swap3A_81 : vector<16xi32> to vector<16xi32>
    %swap3A_83 = vector.shape_cast %add3A_79 : vector<16xi32> to vector<16xi32>
    tpu.vector_store %arg7[%swap3A_80], %swap3A_83 {strides = array<i32>} : memref<400xi32, #tpu.memory_space<vmem>>, vector<16xi32>,
    %get3A_84 = arith.constant 160 : index
    %get3A_85 = tpu.vector_load %arg7[%get3A_84] {strides = array<i32>} : memref<400xi32, #tpu.memory_space<vmem>>, vector<16xi32>,
    %get3A_86 = vector.shape_cast %get3A_85 : vector<16xi32> to vector<16xi32>
    %add3A_87 = arith.addi %get3A_86, %broadcast_in_dim3A : vector<16xi32>
    %swap3A_88 = arith.constant 160 : index
    %swap3A_89 = tpu.vector_load %arg7[%swap3A_88] {strides = array<i32>} : memref<400xi32, #tpu.memory_space<vmem>>, vector<16xi32>,
    %swap3A_90 = vector.shape_cast %swap3A_89 : vector<16xi32> to vector<16xi32>
    %swap3A_91 = vector.shape_cast %add3A_87 : vector<16xi32> to vector<16xi32>
    tpu.vector_store %arg7[%swap3A_88], %swap3A_91 {strides = array<i32>} : memref<400xi32, #tpu.memory_space<vmem>>, vector<16xi32>,
    %get3A_92 = arith.constant 176 : index
    %get3A_93 = tpu.vector_load %arg7[%get3A_92] {strides = array<i32>} : memref<400xi32, #tpu.memory_space<vmem>>, vector<16xi32>,
    %get3A_94 = vector.shape_cast %get3A_93 : vector<16xi32> to vector<16xi32>
    %add3A_95 = arith.addi %get3A_94, %broadcast_in_dim3A : vector<16xi32>
    %swap3A_96 = arith.constant 176 : index
    %swap3A_97 = tpu.vector_load %arg7[%swap3A_96] {strides = array<i32>} : memref<400xi32, #tpu.memory_space<vmem>>, vector<16xi32>,
    %swap3A_98 = vector.shape_cast %swap3A_97 : vector<16xi32> to vector<16xi32>
    %swap3A_99 = vector.shape_cast %add3A_95 : vector<16xi32> to vector<16xi32>
    tpu.vector_store %arg7[%swap3A_96], %swap3A_99 {strides = array<i32>} : memref<400xi32, #tpu.memory_space<vmem>>, vector<16xi32>,
    %get3A_100 = arith.constant 192 : index
    %get3A_101 = tpu.vector_load %arg7[%get3A_100] {strides = array<i32>} : memref<400xi32, #tpu.memory_space<vmem>>, vector<16xi32>,
    %get3A_102 = vector.shape_cast %get3A_101 : vector<16xi32> to vector<16xi32>
    %add3A_103 = arith.addi %get3A_102, %broadcast_in_dim3A : vector<16xi32>
    %swap3A_104 = arith.constant 192 : index
    %swap3A_105 = tpu.vector_load %arg7[%swap3A_104] {strides = array<i32>} : memref<400xi32, #tpu.memory_space<vmem>>, vector<16xi32>,
    %swap3A_106 = vector.shape_cast %swap3A_105 : vector<16xi32> to vector<16xi32>
    %swap3A_107 = vector.shape_cast %add3A_103 : vector<16xi32> to vector<16xi32>
    tpu.vector_store %arg7[%swap3A_104], %swap3A_107 {strides = array<i32>} : memref<400xi32, #tpu.memory_space<vmem>>, vector<16xi32>,
    %get3A_108 = arith.constant 208 : index
    %get3A_109 = tpu.vector_load %arg7[%get3A_108] {strides = array<i32>} : memref<400xi32, #tpu.memory_space<vmem>>, vector<16xi32>,
    %get3A_110 = vector.shape_cast %get3A_109 : vector<16xi32> to vector<16xi32>
    %add3A_111 = arith.addi %get3A_110, %broadcast_in_dim3A : vector<16xi32>
    %swap3A_112 = arith.constant 208 : index
    %swap3A_113 = tpu.vector_load %arg7[%swap3A_112] {strides = array<i32>} : memref<400xi32, #tpu.memory_space<vmem>>, vector<16xi32>,
    %swap3A_114 = vector.shape_cast %swap3A_113 : vector<16xi32> to vector<16xi32>
    %swap3A_115 = vector.shape_cast %add3A_111 : vector<16xi32> to vector<16xi32>
    tpu.vector_store %arg7[%swap3A_112], %swap3A_115 {strides = array<i32>} : memref<400xi32, #tpu.memory_space<vmem>>, vector<16xi32>,
    %get3A_116 = arith.constant 224 : index
    %get3A_117 = tpu.vector_load %arg7[%get3A_116] {strides = array<i32>} : memref<400xi32, #tpu.memory_space<vmem>>, vector<16xi32>,
    %get3A_118 = vector.shape_cast %get3A_117 : vector<16xi32> to vector<16xi32>
    %add3A_119 = arith.addi %get3A_118, %broadcast_in_dim3A : vector<16xi32>
    %swap3A_120 = arith.constant 224 : index
    %swap3A_121 = tpu.vector_load %arg7[%swap3A_120] {strides = array<i32>} : memref<400xi32, #tpu.memory_space<vmem>>, vector<16xi32>,
    %swap3A_122 = vector.shape_cast %swap3A_121 : vector<16xi32> to vector<16xi32>
    %swap3A_123 = vector.shape_cast %add3A_119 : vector<16xi32> to vector<16xi32>
    tpu.vector_store %arg7[%swap3A_120], %swap3A_123 {strides = array<i32>} : memref<400xi32, #tpu.memory_space<vmem>>, vector<16xi32>,
    %get3A_124 = arith.constant 240 : index
    %get3A_125 = tpu.vector_load %arg7[%get3A_124] {strides = array<i32>} : memref<400xi32, #tpu.memory_space<vmem>>, vector<16xi32>,
    %get3A_126 = vector.shape_cast %get3A_125 : vector<16xi32> to vector<16xi32>
    %add3A_127 = arith.addi %get3A_126, %broadcast_in_dim3A : vector<16xi32>
    %swap3A_128 = arith.constant 240 : index
    %swap3A_129 = tpu.vector_load %arg7[%swap3A_128] {strides = array<i32>} : memref<400xi32, #tpu.memory_space<vmem>>, vector<16xi32>,
    %swap3A_130 = vector.shape_cast %swap3A_129 : vector<16xi32> to vector<16xi32>
    %swap3A_131 = vector.shape_cast %add3A_127 : vector<16xi32> to vector<16xi32>
    tpu.vector_store %arg7[%swap3A_128], %swap3A_131 {strides = array<i32>} : memref<400xi32, #tpu.memory_space<vmem>>, vector<16xi32>,
    %get3A_132 = arith.constant 256 : index
    %get3A_133 = tpu.vector_load %arg7[%get3A_132] {strides = array<i32>} : memref<400xi32, #tpu.memory_space<vmem>>, vector<16xi32>,
    %get3A_134 = vector.shape_cast %get3A_133 : vector<16xi32> to vector<16xi32>
    %add3A_135 = arith.addi %get3A_134, %broadcast_in_dim3A : vector<16xi32>
    %swap3A_136 = arith.constant 256 : index
    %swap3A_137 = tpu.vector_load %arg7[%swap3A_136] {strides = array<i32>} : memref<400xi32, #tpu.memory_space<vmem>>, vector<16xi32>,
    %swap3A_138 = vector.shape_cast %swap3A_137 : vector<16xi32> to vector<16xi32>
    %swap3A_139 = vector.shape_cast %add3A_135 : vector<16xi32> to vector<16xi32>
    tpu.vector_store %arg7[%swap3A_136], %swap3A_139 {strides = array<i32>} : memref<400xi32, #tpu.memory_space<vmem>>, vector<16xi32>,
    %get3A_140 = arith.constant 272 : index
    %get3A_141 = tpu.vector_load %arg7[%get3A_140] {strides = array<i32>} : memref<400xi32, #tpu.memory_space<vmem>>, vector<16xi32>,
    %get3A_142 = vector.shape_cast %get3A_141 : vector<16xi32> to vector<16xi32>
    %add3A_143 = arith.addi %get3A_142, %broadcast_in_dim3A : vector<16xi32>
    %swap3A_144 = arith.constant 272 : index
    %swap3A_145 = tpu.vector_load %arg7[%swap3A_144] {strides = array<i32>} : memref<400xi32, #tpu.memory_space<vmem>>, vector<16xi32>,
    %swap3A_146 = vector.shape_cast %swap3A_145 : vector<16xi32> to vector<16xi32>
    %swap3A_147 = vector.shape_cast %add3A_143 : vector<16xi32> to vector<16xi32>
    tpu.vector_store %arg7[%swap3A_144], %swap3A_147 {strides = array<i32>} : memref<400xi32, #tpu.memory_space<vmem>>, vector<16xi32>,
    %get3A_148 = arith.constant 288 : index
    %get3A_149 = tpu.vector_load %arg7[%get3A_148] {strides = array<i32>} : memref<400xi32, #tpu.memory_space<vmem>>, vector<16xi32>,
    %get3A_150 = vector.shape_cast %get3A_149 : vector<16xi32> to vector<16xi32>
    %add3A_151 = arith.addi %get3A_150, %broadcast_in_dim3A : vector<16xi32>
    %swap3A_152 = arith.constant 288 : index
    %swap3A_153 = tpu.vector_load %arg7[%swap3A_152] {strides = array<i32>} : memref<400xi32, #tpu.memory_space<vmem>>, vector<16xi32>,
    %swap3A_154 = vector.shape_cast %swap3A_153 : vector<16xi32> to vector<16xi32>
    %swap3A_155 = vector.shape_cast %add3A_151 : vector<16xi32> to vector<16xi32>
    tpu.vector_store %arg7[%swap3A_152], %swap3A_155 {strides = array<i32>} : memref<400xi32, #tpu.memory_space<vmem>>, vector<16xi32>,
    %get3A_156 = arith.constant 304 : index
    %get3A_157 = tpu.vector_load %arg7[%get3A_156] {strides = array<i32>} : memref<400xi32, #tpu.memory_space<vmem>>, vector<16xi32>,
    %get3A_158 = vector.shape_cast %get3A_157 : vector<16xi32> to vector<16xi32>
    %add3A_159 = arith.addi %get3A_158, %broadcast_in_dim3A : vector<16xi32>
    %swap3A_160 = arith.constant 304 : index
    %swap3A_161 = tpu.vector_load %arg7[%swap3A_160] {strides = array<i32>} : memref<400xi32, #tpu.memory_space<vmem>>, vector<16xi32>,
    %swap3A_162 = vector.shape_cast %swap3A_161 : vector<16xi32> to vector<16xi32>
    %swap3A_163 = vector.shape_cast %add3A_159 : vector<16xi32> to vector<16xi32>
    tpu.vector_store %arg7[%swap3A_160], %swap3A_163 {strides = array<i32>} : memref<400xi32, #tpu.memory_space<vmem>>, vector<16xi32>,
    %get3A_164 = arith.constant 320 : index
    %get3A_165 = tpu.vector_load %arg7[%get3A_164] {strides = array<i32>} : memref<400xi32, #tpu.memory_space<vmem>>, vector<16xi32>,
    %get3A_166 = vector.shape_cast %get3A_165 : vector<16xi32> to vector<16xi32>
    %add3A_167 = arith.addi %get3A_166, %broadcast_in_dim3A : vector<16xi32>
    %swap3A_168 = arith.constant 320 : index
    %swap3A_169 = tpu.vector_load %arg7[%swap3A_168] {strides = array<i32>} : memref<400xi32, #tpu.memory_space<vmem>>, vector<16xi32>,
    %swap3A_170 = vector.shape_cast %swap3A_169 : vector<16xi32> to vector<16xi32>
    %swap3A_171 = vector.shape_cast %add3A_167 : vector<16xi32> to vector<16xi32>
    tpu.vector_store %arg7[%swap3A_168], %swap3A_171 {strides = array<i32>} : memref<400xi32, #tpu.memory_space<vmem>>, vector<16xi32>,
    %get3A_172 = arith.constant 336 : index
    %get3A_173 = tpu.vector_load %arg7[%get3A_172] {strides = array<i32>} : memref<400xi32, #tpu.memory_space<vmem>>, vector<16xi32>,
    %get3A_174 = vector.shape_cast %get3A_173 : vector<16xi32> to vector<16xi32>
    %add3A_175 = arith.addi %get3A_174, %broadcast_in_dim3A : vector<16xi32>
    %swap3A_176 = arith.constant 336 : index
    %swap3A_177 = tpu.vector_load %arg7[%swap3A_176] {strides = array<i32>} : memref<400xi32, #tpu.memory_space<vmem>>, vector<16xi32>,
    %swap3A_178 = vector.shape_cast %swap3A_177 : vector<16xi32> to vector<16xi32>
    %swap3A_179 = vector.shape_cast %add3A_175 : vector<16xi32> to vector<16xi32>
    tpu.vector_store %arg7[%swap3A_176], %swap3A_179 {strides = array<i32>} : memref<400xi32, #tpu.memory_space<vmem>>, vector<16xi32>,
    %get3A_180 = arith.constant 352 : index
    %get3A_181 = tpu.vector_load %arg7[%get3A_180] {strides = array<i32>} : memref<400xi32, #tpu.memory_space<vmem>>, vector<16xi32>,
    %get3A_182 = vector.shape_cast %get3A_181 : vector<16xi32> to vector<16xi32>
    %add3A_183 = arith.addi %get3A_182, %broadcast_in_dim3A : vector<16xi32>
    %swap3A_184 = arith.constant 352 : index
    %swap3A_185 = tpu.vector_load %arg7[%swap3A_184] {strides = array<i32>} : memref<400xi32, #tpu.memory_space<vmem>>, vector<16xi32>,
    %swap3A_186 = vector.shape_cast %swap3A_185 : vector<16xi32> to vector<16xi32>
    %swap3A_187 = vector.shape_cast %add3A_183 : vector<16xi32> to vector<16xi32>
    tpu.vector_store %arg7[%swap3A_184], %swap3A_187 {strides = array<i32>} : memref<400xi32, #tpu.memory_space<vmem>>, vector<16xi32>,
    %get3A_188 = arith.constant 368 : index
    %get3A_189 = tpu.vector_load %arg7[%get3A_188] {strides = array<i32>} : memref<400xi32, #tpu.memory_space<vmem>>, vector<16xi32>,
    %get3A_190 = vector.shape_cast %get3A_189 : vector<16xi32> to vector<16xi32>
    %add3A_191 = arith.addi %get3A_190, %broadcast_in_dim3A : vector<16xi32>
    %swap3A_192 = arith.constant 368 : index
    %swap3A_193 = tpu.vector_load %arg7[%swap3A_192] {strides = array<i32>} : memref<400xi32, #tpu.memory_space<vmem>>, vector<16xi32>,
    %swap3A_194 = vector.shape_cast %swap3A_193 : vector<16xi32> to vector<16xi32>
    %swap3A_195 = vector.shape_cast %add3A_191 : vector<16xi32> to vector<16xi32>
    tpu.vector_store %arg7[%swap3A_192], %swap3A_195 {strides = array<i32>} : memref<400xi32, #tpu.memory_space<vmem>>, vector<16xi32>,
    %get3A_196 = arith.constant 384 : index
    %get3A_197 = tpu.vector_load %arg7[%get3A_196] {strides = array<i32>} : memref<400xi32, #tpu.memory_space<vmem>>, vector<16xi32>,
    %get3A_198 = vector.shape_cast %get3A_197 : vector<16xi32> to vector<16xi32>
    %add3A_199 = arith.addi %get3A_198, %broadcast_in_dim3A : vector<16xi32>
    %swap3A_200 = arith.constant 384 : index
    %swap3A_201 = tpu.vector_load %arg7[%swap3A_200] {strides = array<i32>} : memref<400xi32, #tpu.memory_space<vmem>>, vector<16xi32>,
    %swap3A_202 = vector.shape_cast %swap3A_201 : vector<16xi32> to vector<16xi32>
    %swap3A_203 = vector.shape_cast %add3A_199 : vector<16xi32> to vector<16xi32>
    tpu.vector_store %arg7[%swap3A_200], %swap3A_203 {strides = array<i32>} : memref<400xi32, #tpu.memory_space<vmem>>, vector<16xi32>,
    %dma_start3A = arith.constant 0 : i32
    %dma_start3A_204 = arith.constant 0 : i32
    %dma_start3A_205 = tpu.memref_slice %arg2[%dma_start3A, %dma_start3A_204] : memref<20000x64xf32, #tpu.memory_space<hbm>> -> memref<20000x64xf32, #tpu.memory_space<hbm>>
    tpu.enqueue_indirect_dma source(%dma_start3A_205 : memref<20000x64xf32, #tpu.memory_space<hbm>>) target(%arg11 : memref<400x64xf32, #tpu.memory_space<vmem>>) offsets(%arg7 : memref<400xi32, #tpu.memory_space<vmem>>) semaphore(%arg14 : memref<!tpu.dma_semaphore, #tpu.memory_space<semaphore_mem>>)
    %scan3A = arith.constant 0 : i32
    %scan3A_206 = arith.constant 0 : i32
    %scan3A_207 = arith.constant 50 : i32
    %scan3A_208 = arith.addi %scan3A_206, %scan3A_207 : i32
    %scan3A_209 = arith.constant 1 : i32
    scf.for %scan3A_214 = %scan3A_206 to %scan3A_208 step %scan3A_209  : i32 {
      %jit3A = arith.constant 2 : i32
      %eq3A = arith.constant 0 : i32
      %eq3A_215 = arith.cmpi eq, %jit3A, %eq3A : i32
      %jit3A_216 = arith.constant 1 : i32
      %select_n3A = arith.select %eq3A_215, %jit3A_216, %jit3A : i32
      %rem3A = arith.remsi %scan3A_214, %select_n3A : i32
      %ne3A = arith.constant 0 : i32
      %ne3A_217 = arith.cmpi ne, %rem3A, %ne3A : i32
      %lt3A = arith.constant 0 : i32
      %lt3A_218 = arith.cmpi slt, %rem3A, %lt3A : i32
      %lt3A_219 = arith.constant 0 : i32
      %lt3A_220 = arith.cmpi slt, %select_n3A, %lt3A_219 : i32
      %ne3A_221 = arith.xori %lt3A_218, %lt3A_220 : i1
      %and3A = arith.andi %ne3A_221, %ne3A_217 : i1
      %add3A_222 = arith.addi %rem3A, %select_n3A : i32
      %select_n3A_223 = arith.select %and3A, %add3A_222, %rem3A : i32
      %eq3A_224 = arith.constant 0 : i32
      %eq3A_225 = arith.cmpi eq, %select_n3A_223, %eq3A_224 : i32
      %convert_element_type3A = arith.extui %eq3A_225 : i1 to i32
      %cond3A = arith.constant 0 : i32
      %cond3A_226 = arith.cmpi ne, %convert_element_type3A, %cond3A : i32
      scf.if %cond3A_226 {
        %ge3A = arith.constant 1 : i32
        %ge3A_248 = arith.cmpi sge, %scan3A_214, %ge3A : i32
        %convert_element_type3A_249 = arith.extui %ge3A_248 : i1 to i32
        %cond3A_250 = arith.constant 0 : i32
        %cond3A_251 = arith.cmpi ne, %convert_element_type3A_249, %cond3A_250 : i32
        scf.if %cond3A_251 {
          %dma_wait3A_271 = arith.constant 0 : i32
          %dma_wait3A_272 = arith.constant 0 : i32
          %dma_wait3A_273 = tpu.memref_slice %arg13[%dma_wait3A_271, %dma_wait3A_272] : memref<10240x64xf32, #tpu.memory_space<vmem_shared>> -> memref<10240x64xf32, #tpu.memory_space<vmem_shared>>
          tpu.wait_indirect_dma semaphore(%arg15 : memref<!tpu.dma_semaphore, #tpu.memory_space<semaphore_mem>>) src(%arg12 : memref<400x64xf32, #tpu.memory_space<vmem>>) dst(%dma_wait3A_273 : memref<10240x64xf32, #tpu.memory_space<vmem_shared>>)
        } else {
        }
        %add3A_252 = arith.constant 1 : i32
        %add3A_253 = arith.addi %scan3A_214, %add3A_252 : i32
        %lt3A_254 = arith.constant 50 : i32
        %lt3A_255 = arith.cmpi slt, %add3A_253, %lt3A_254 : i32
        %convert_element_type3A_256 = arith.extui %lt3A_255 : i1 to i32
        %cond3A_257 = arith.constant 0 : i32
        %cond3A_258 = arith.cmpi ne, %convert_element_type3A_256, %cond3A_257 : i32
        scf.if %cond3A_258 {
          %add3A_271 = arith.constant 1 : i32
          %add3A_272 = arith.addi %scan3A_214, %add3A_271 : i32
          %mul3A_273 = arith.constant 20000 : i32
          %mul3A_274 = arith.muli %arg1, %mul3A_273 : i32
          %mul3A_275 = arith.constant 400 : i32
          %mul3A_276 = arith.muli %add3A_272, %mul3A_275 : i32
          %add3A_277 = arith.addi %mul3A_274, %mul3A_276 : i32
          %multiple_of3A_278 = tpu.assume_multiple %add3A_277, 8 : i32
          "tpu.region"() ({
            %run_scoped3A = tpu.sem_alloc : memref<!tpu.dma_semaphore, #tpu.memory_space<semaphore_mem>>
            %dma_start3A_485 = tpu.memref_slice %arg3[%multiple_of3A_278] : memref<320000xi32, #tpu.memory_space<hbm>> -> memref<400xi32, #tpu.memory_space<hbm>>
            %dma_start3A_486 = tpu.memref_slice %arg3[%multiple_of3A_278] : memref<320000xi32, #tpu.memory_space<hbm>> -> memref<400xi32, #tpu.memory_space<hbm>>
            tpu.enqueue_dma source(%dma_start3A_486 : memref<400xi32, #tpu.memory_space<hbm>>) target(%arg8 : memref<400xi32, #tpu.memory_space<vmem>>) target_semaphore(%run_scoped3A : memref<!tpu.dma_semaphore, #tpu.memory_space<semaphore_mem>>)
            %dma_wait3A_487 = tpu.memref_slice %arg3[%multiple_of3A_278] : memref<320000xi32, #tpu.memory_space<hbm>> -> memref<400xi32, #tpu.memory_space<hbm>>
            %dma_wait3A_488 = tpu.memref_slice %arg3[%multiple_of3A_278] : memref<320000xi32, #tpu.memory_space<hbm>> -> memref<400xi32, #tpu.memory_space<hbm>>
            tpu.wait_dma2 semaphore(%run_scoped3A : memref<!tpu.dma_semaphore, #tpu.memory_space<semaphore_mem>>) src(%dma_wait3A_488 : memref<400xi32, #tpu.memory_space<hbm>>) dst(%arg8 : memref<400xi32, #tpu.memory_space<vmem>>)
            tpu.yield
          }) : () -> ()
          %mul3A_279 = arith.constant 10000 : i32
          %mul3A_280 = arith.muli %arg0, %mul3A_279 : i32
          %broadcast_in_dim3A_281 = vector.broadcast %mul3A_280 : i32 to vector<16xi32>
          %get3A_282 = arith.constant 0 : index
          %get3A_283 = tpu.vector_load %arg8[%get3A_282] {strides = array<i32>} : memref<400xi32, #tpu.memory_space<vmem>>, vector<16xi32>,
          %get3A_284 = vector.shape_cast %get3A_283 : vector<16xi32> to vector<16xi32>
          %add3A_285 = arith.addi %get3A_284, %broadcast_in_dim3A_281 : vector<16xi32>
          %swap3A_286 = arith.constant 0 : index
          %swap3A_287 = tpu.vector_load %arg8[%swap3A_286] {strides = array<i32>} : memref<400xi32, #tpu.memory_space<vmem>>, vector<16xi32>,
          %swap3A_288 = vector.shape_cast %swap3A_287 : vector<16xi32> to vector<16xi32>
          %swap3A_289 = vector.shape_cast %add3A_285 : vector<16xi32> to vector<16xi32>
          tpu.vector_store %arg8[%swap3A_286], %swap3A_289 {strides = array<i32>} : memref<400xi32, #tpu.memory_space<vmem>>, vector<16xi32>,
          %get3A_290 = arith.constant 16 : index
          %get3A_291 = tpu.vector_load %arg8[%get3A_290] {strides = array<i32>} : memref<400xi32, #tpu.memory_space<vmem>>, vector<16xi32>,
          %get3A_292 = vector.shape_cast %get3A_291 : vector<16xi32> to vector<16xi32>
          %add3A_293 = arith.addi %get3A_292, %broadcast_in_dim3A_281 : vector<16xi32>
          %swap3A_294 = arith.constant 16 : index
          %swap3A_295 = tpu.vector_load %arg8[%swap3A_294] {strides = array<i32>} : memref<400xi32, #tpu.memory_space<vmem>>, vector<16xi32>,
          %swap3A_296 = vector.shape_cast %swap3A_295 : vector<16xi32> to vector<16xi32>
          %swap3A_297 = vector.shape_cast %add3A_293 : vector<16xi32> to vector<16xi32>
          tpu.vector_store %arg8[%swap3A_294], %swap3A_297 {strides = array<i32>} : memref<400xi32, #tpu.memory_space<vmem>>, vector<16xi32>,
          %get3A_298 = arith.constant 32 : index
          %get3A_299 = tpu.vector_load %arg8[%get3A_298] {strides = array<i32>} : memref<400xi32, #tpu.memory_space<vmem>>, vector<16xi32>,
          %get3A_300 = vector.shape_cast %get3A_299 : vector<16xi32> to vector<16xi32>
          %add3A_301 = arith.addi %get3A_300, %broadcast_in_dim3A_281 : vector<16xi32>
          %swap3A_302 = arith.constant 32 : index
          %swap3A_303 = tpu.vector_load %arg8[%swap3A_302] {strides = array<i32>} : memref<400xi32, #tpu.memory_space<vmem>>, vector<16xi32>,
          %swap3A_304 = vector.shape_cast %swap3A_303 : vector<16xi32> to vector<16xi32>
          %swap3A_305 = vector.shape_cast %add3A_301 : vector<16xi32> to vector<16xi32>
          tpu.vector_store %arg8[%swap3A_302], %swap3A_305 {strides = array<i32>} : memref<400xi32, #tpu.memory_space<vmem>>, vector<16xi32>,
          %get3A_306 = arith.constant 48 : index
          %get3A_307 = tpu.vector_load %arg8[%get3A_306] {strides = array<i32>} : memref<400xi32, #tpu.memory_space<vmem>>, vector<16xi32>,
          %get3A_308 = vector.shape_cast %get3A_307 : vector<16xi32> to vector<16xi32>
          %add3A_309 = arith.addi %get3A_308, %broadcast_in_dim3A_281 : vector<16xi32>
          %swap3A_310 = arith.constant 48 : index
          %swap3A_311 = tpu.vector_load %arg8[%swap3A_310] {strides = array<i32>} : memref<400xi32, #tpu.memory_space<vmem>>, vector<16xi32>,
          %swap3A_312 = vector.shape_cast %swap3A_311 : vector<16xi32> to vector<16xi32>
          %swap3A_313 = vector.shape_cast %add3A_309 : vector<16xi32> to vector<16xi32>
          tpu.vector_store %arg8[%swap3A_310], %swap3A_313 {strides = array<i32>} : memref<400xi32, #tpu.memory_space<vmem>>, vector<16xi32>,
          %get3A_314 = arith.constant 64 : index
          %get3A_315 = tpu.vector_load %arg8[%get3A_314] {strides = array<i32>} : memref<400xi32, #tpu.memory_space<vmem>>, vector<16xi32>,
          %get3A_316 = vector.shape_cast %get3A_315 : vector<16xi32> to vector<16xi32>
          %add3A_317 = arith.addi %get3A_316, %broadcast_in_dim3A_281 : vector<16xi32>
          %swap3A_318 = arith.constant 64 : index
          %swap3A_319 = tpu.vector_load %arg8[%swap3A_318] {strides = array<i32>} : memref<400xi32, #tpu.memory_space<vmem>>, vector<16xi32>,
          %swap3A_320 = vector.shape_cast %swap3A_319 : vector<16xi32> to vector<16xi32>
          %swap3A_321 = vector.shape_cast %add3A_317 : vector<16xi32> to vector<16xi32>
          tpu.vector_store %arg8[%swap3A_318], %swap3A_321 {strides = array<i32>} : memref<400xi32, #tpu.memory_space<vmem>>, vector<16xi32>,
          %get3A_322 = arith.constant 80 : index
          %get3A_323 = tpu.vector_load %arg8[%get3A_322] {strides = array<i32>} : memref<400xi32, #tpu.memory_space<vmem>>, vector<16xi32>,
          %get3A_324 = vector.shape_cast %get3A_323 : vector<16xi32> to vector<16xi32>
          %add3A_325 = arith.addi %get3A_324, %broadcast_in_dim3A_281 : vector<16xi32>
          %swap3A_326 = arith.constant 80 : index
          %swap3A_327 = tpu.vector_load %arg8[%swap3A_326] {strides = array<i32>} : memref<400xi32, #tpu.memory_space<vmem>>, vector<16xi32>,
          %swap3A_328 = vector.shape_cast %swap3A_327 : vector<16xi32> to vector<16xi32>
          %swap3A_329 = vector.shape_cast %add3A_325 : vector<16xi32> to vector<16xi32>
          tpu.vector_store %arg8[%swap3A_326], %swap3A_329 {strides = array<i32>} : memref<400xi32, #tpu.memory_space<vmem>>, vector<16xi32>,
          %get3A_330 = arith.constant 96 : index
          %get3A_331 = tpu.vector_load %arg8[%get3A_330] {strides = array<i32>} : memref<400xi32, #tpu.memory_space<vmem>>, vector<16xi32>,
          %get3A_332 = vector.shape_cast %get3A_331 : vector<16xi32> to vector<16xi32>
          %add3A_333 = arith.addi %get3A_332, %broadcast_in_dim3A_281 : vector<16xi32>
          %swap3A_334 = arith.constant 96 : index
          %swap3A_335 = tpu.vector_load %arg8[%swap3A_334] {strides = array<i32>} : memref<400xi32, #tpu.memory_space<vmem>>, vector<16xi32>,
          %swap3A_336 = vector.shape_cast %swap3A_335 : vector<16xi32> to vector<16xi32>
          %swap3A_337 = vector.shape_cast %add3A_333 : vector<16xi32> to vector<16xi32>
          tpu.vector_store %arg8[%swap3A_334], %swap3A_337 {strides = array<i32>} : memref<400xi32, #tpu.memory_space<vmem>>, vector<16xi32>,
          %get3A_338 = arith.constant 112 : index
          %get3A_339 = tpu.vector_load %arg8[%get3A_338] {strides = array<i32>} : memref<400xi32, #tpu.memory_space<vmem>>, vector<16xi32>,
          %get3A_340 = vector.shape_cast %get3A_339 : vector<16xi32> to vector<16xi32>
          %add3A_341 = arith.addi %get3A_340, %broadcast_in_dim3A_281 : vector<16xi32>
          %swap3A_342 = arith.constant 112 : index
          %swap3A_343 = tpu.vector_load %arg8[%swap3A_342] {strides = array<i32>} : memref<400xi32, #tpu.memory_space<vmem>>, vector<16xi32>,
          %swap3A_344 = vector.shape_cast %swap3A_343 : vector<16xi32> to vector<16xi32>
          %swap3A_345 = vector.shape_cast %add3A_341 : vector<16xi32> to vector<16xi32>
          tpu.vector_store %arg8[%swap3A_342], %swap3A_345 {strides = array<i32>} : memref<400xi32, #tpu.memory_space<vmem>>, vector<16xi32>,
          %get3A_346 = arith.constant 128 : index
          %get3A_347 = tpu.vector_load %arg8[%get3A_346] {strides = array<i32>} : memref<400xi32, #tpu.memory_space<vmem>>, vector<16xi32>,
          %get3A_348 = vector.shape_cast %get3A_347 : vector<16xi32> to vector<16xi32>
          %add3A_349 = arith.addi %get3A_348, %broadcast_in_dim3A_281 : vector<16xi32>
          %swap3A_350 = arith.constant 128 : index
          %swap3A_351 = tpu.vector_load %arg8[%swap3A_350] {strides = array<i32>} : memref<400xi32, #tpu.memory_space<vmem>>, vector<16xi32>,
          %swap3A_352 = vector.shape_cast %swap3A_351 : vector<16xi32> to vector<16xi32>
          %swap3A_353 = vector.shape_cast %add3A_349 : vector<16xi32> to vector<16xi32>
          tpu.vector_store %arg8[%swap3A_350], %swap3A_353 {strides = array<i32>} : memref<400xi32, #tpu.memory_space<vmem>>, vector<16xi32>,
          %get3A_354 = arith.constant 144 : index
          %get3A_355 = tpu.vector_load %arg8[%get3A_354] {strides = array<i32>} : memref<400xi32, #tpu.memory_space<vmem>>, vector<16xi32>,
          %get3A_356 = vector.shape_cast %get3A_355 : vector<16xi32> to vector<16xi32>
          %add3A_357 = arith.addi %get3A_356, %broadcast_in_dim3A_281 : vector<16xi32>
          %swap3A_358 = arith.constant 144 : index
          %swap3A_359 = tpu.vector_load %arg8[%swap3A_358] {strides = array<i32>} : memref<400xi32, #tpu.memory_space<vmem>>, vector<16xi32>,
          %swap3A_360 = vector.shape_cast %swap3A_359 : vector<16xi32> to vector<16xi32>
          %swap3A_361 = vector.shape_cast %add3A_357 : vector<16xi32> to vector<16xi32>
          tpu.vector_store %arg8[%swap3A_358], %swap3A_361 {strides = array<i32>} : memref<400xi32, #tpu.memory_space<vmem>>, vector<16xi32>,
          %get3A_362 = arith.constant 160 : index
          %get3A_363 = tpu.vector_load %arg8[%get3A_362] {strides = array<i32>} : memref<400xi32, #tpu.memory_space<vmem>>, vector<16xi32>,
          %get3A_364 = vector.shape_cast %get3A_363 : vector<16xi32> to vector<16xi32>
          %add3A_365 = arith.addi %get3A_364, %broadcast_in_dim3A_281 : vector<16xi32>
          %swap3A_366 = arith.constant 160 : index
          %swap3A_367 = tpu.vector_load %arg8[%swap3A_366] {strides = array<i32>} : memref<400xi32, #tpu.memory_space<vmem>>, vector<16xi32>,
          %swap3A_368 = vector.shape_cast %swap3A_367 : vector<16xi32> to vector<16xi32>
          %swap3A_369 = vector.shape_cast %add3A_365 : vector<16xi32> to vector<16xi32>
          tpu.vector_store %arg8[%swap3A_366], %swap3A_369 {strides = array<i32>} : memref<400xi32, #tpu.memory_space<vmem>>, vector<16xi32>,
          %get3A_370 = arith.constant 176 : index
          %get3A_371 = tpu.vector_load %arg8[%get3A_370] {strides = array<i32>} : memref<400xi32, #tpu.memory_space<vmem>>, vector<16xi32>,
          %get3A_372 = vector.shape_cast %get3A_371 : vector<16xi32> to vector<16xi32>
          %add3A_373 = arith.addi %get3A_372, %broadcast_in_dim3A_281 : vector<16xi32>
          %swap3A_374 = arith.constant 176 : index
          %swap3A_375 = tpu.vector_load %arg8[%swap3A_374] {strides = array<i32>} : memref<400xi32, #tpu.memory_space<vmem>>, vector<16xi32>,
          %swap3A_376 = vector.shape_cast %swap3A_375 : vector<16xi32> to vector<16xi32>
          %swap3A_377 = vector.shape_cast %add3A_373 : vector<16xi32> to vector<16xi32>
          tpu.vector_store %arg8[%swap3A_374], %swap3A_377 {strides = array<i32>} : memref<400xi32, #tpu.memory_space<vmem>>, vector<16xi32>,
          %get3A_378 = arith.constant 192 : index
          %get3A_379 = tpu.vector_load %arg8[%get3A_378] {strides = array<i32>} : memref<400xi32, #tpu.memory_space<vmem>>, vector<16xi32>,
          %get3A_380 = vector.shape_cast %get3A_379 : vector<16xi32> to vector<16xi32>
          %add3A_381 = arith.addi %get3A_380, %broadcast_in_dim3A_281 : vector<16xi32>
          %swap3A_382 = arith.constant 192 : index
          %swap3A_383 = tpu.vector_load %arg8[%swap3A_382] {strides = array<i32>} : memref<400xi32, #tpu.memory_space<vmem>>, vector<16xi32>,
          %swap3A_384 = vector.shape_cast %swap3A_383 : vector<16xi32> to vector<16xi32>
          %swap3A_385 = vector.shape_cast %add3A_381 : vector<16xi32> to vector<16xi32>
          tpu.vector_store %arg8[%swap3A_382], %swap3A_385 {strides = array<i32>} : memref<400xi32, #tpu.memory_space<vmem>>, vector<16xi32>,
          %get3A_386 = arith.constant 208 : index
          %get3A_387 = tpu.vector_load %arg8[%get3A_386] {strides = array<i32>} : memref<400xi32, #tpu.memory_space<vmem>>, vector<16xi32>,
          %get3A_388 = vector.shape_cast %get3A_387 : vector<16xi32> to vector<16xi32>
          %add3A_389 = arith.addi %get3A_388, %broadcast_in_dim3A_281 : vector<16xi32>
          %swap3A_390 = arith.constant 208 : index
          %swap3A_391 = tpu.vector_load %arg8[%swap3A_390] {strides = array<i32>} : memref<400xi32, #tpu.memory_space<vmem>>, vector<16xi32>,
          %swap3A_392 = vector.shape_cast %swap3A_391 : vector<16xi32> to vector<16xi32>
          %swap3A_393 = vector.shape_cast %add3A_389 : vector<16xi32> to vector<16xi32>
          tpu.vector_store %arg8[%swap3A_390], %swap3A_393 {strides = array<i32>} : memref<400xi32, #tpu.memory_space<vmem>>, vector<16xi32>,
          %get3A_394 = arith.constant 224 : index
          %get3A_395 = tpu.vector_load %arg8[%get3A_394] {strides = array<i32>} : memref<400xi32, #tpu.memory_space<vmem>>, vector<16xi32>,
          %get3A_396 = vector.shape_cast %get3A_395 : vector<16xi32> to vector<16xi32>
          %add3A_397 = arith.addi %get3A_396, %broadcast_in_dim3A_281 : vector<16xi32>
          %swap3A_398 = arith.constant 224 : index
          %swap3A_399 = tpu.vector_load %arg8[%swap3A_398] {strides = array<i32>} : memref<400xi32, #tpu.memory_space<vmem>>, vector<16xi32>,
          %swap3A_400 = vector.shape_cast %swap3A_399 : vector<16xi32> to vector<16xi32>
          %swap3A_401 = vector.shape_cast %add3A_397 : vector<16xi32> to vector<16xi32>
          tpu.vector_store %arg8[%swap3A_398], %swap3A_401 {strides = array<i32>} : memref<400xi32, #tpu.memory_space<vmem>>, vector<16xi32>,
          %get3A_402 = arith.constant 240 : index
          %get3A_403 = tpu.vector_load %arg8[%get3A_402] {strides = array<i32>} : memref<400xi32, #tpu.memory_space<vmem>>, vector<16xi32>,
          %get3A_404 = vector.shape_cast %get3A_403 : vector<16xi32> to vector<16xi32>
          %add3A_405 = arith.addi %get3A_404, %broadcast_in_dim3A_281 : vector<16xi32>
          %swap3A_406 = arith.constant 240 : index
          %swap3A_407 = tpu.vector_load %arg8[%swap3A_406] {strides = array<i32>} : memref<400xi32, #tpu.memory_space<vmem>>, vector<16xi32>,
          %swap3A_408 = vector.shape_cast %swap3A_407 : vector<16xi32> to vector<16xi32>
          %swap3A_409 = vector.shape_cast %add3A_405 : vector<16xi32> to vector<16xi32>
          tpu.vector_store %arg8[%swap3A_406], %swap3A_409 {strides = array<i32>} : memref<400xi32, #tpu.memory_space<vmem>>, vector<16xi32>,
          %get3A_410 = arith.constant 256 : index
          %get3A_411 = tpu.vector_load %arg8[%get3A_410] {strides = array<i32>} : memref<400xi32, #tpu.memory_space<vmem>>, vector<16xi32>,
          %get3A_412 = vector.shape_cast %get3A_411 : vector<16xi32> to vector<16xi32>
          %add3A_413 = arith.addi %get3A_412, %broadcast_in_dim3A_281 : vector<16xi32>
          %swap3A_414 = arith.constant 256 : index
          %swap3A_415 = tpu.vector_load %arg8[%swap3A_414] {strides = array<i32>} : memref<400xi32, #tpu.memory_space<vmem>>, vector<16xi32>,
          %swap3A_416 = vector.shape_cast %swap3A_415 : vector<16xi32> to vector<16xi32>
          %swap3A_417 = vector.shape_cast %add3A_413 : vector<16xi32> to vector<16xi32>
          tpu.vector_store %arg8[%swap3A_414], %swap3A_417 {strides = array<i32>} : memref<400xi32, #tpu.memory_space<vmem>>, vector<16xi32>,
          %get3A_418 = arith.constant 272 : index
          %get3A_419 = tpu.vector_load %arg8[%get3A_418] {strides = array<i32>} : memref<400xi32, #tpu.memory_space<vmem>>, vector<16xi32>,
          %get3A_420 = vector.shape_cast %get3A_419 : vector<16xi32> to vector<16xi32>
          %add3A_421 = arith.addi %get3A_420, %broadcast_in_dim3A_281 : vector<16xi32>
          %swap3A_422 = arith.constant 272 : index
          %swap3A_423 = tpu.vector_load %arg8[%swap3A_422] {strides = array<i32>} : memref<400xi32, #tpu.memory_space<vmem>>, vector<16xi32>,
          %swap3A_424 = vector.shape_cast %swap3A_423 : vector<16xi32> to vector<16xi32>
          %swap3A_425 = vector.shape_cast %add3A_421 : vector<16xi32> to vector<16xi32>
          tpu.vector_store %arg8[%swap3A_422], %swap3A_425 {strides = array<i32>} : memref<400xi32, #tpu.memory_space<vmem>>, vector<16xi32>,
          %get3A_426 = arith.constant 288 : index
          %get3A_427 = tpu.vector_load %arg8[%get3A_426] {strides = array<i32>} : memref<400xi32, #tpu.memory_space<vmem>>, vector<16xi32>,
          %get3A_428 = vector.shape_cast %get3A_427 : vector<16xi32> to vector<16xi32>
          %add3A_429 = arith.addi %get3A_428, %broadcast_in_dim3A_281 : vector<16xi32>
          %swap3A_430 = arith.constant 288 : index
          %swap3A_431 = tpu.vector_load %arg8[%swap3A_430] {strides = array<i32>} : memref<400xi32, #tpu.memory_space<vmem>>, vector<16xi32>,
          %swap3A_432 = vector.shape_cast %swap3A_431 : vector<16xi32> to vector<16xi32>
          %swap3A_433 = vector.shape_cast %add3A_429 : vector<16xi32> to vector<16xi32>
          tpu.vector_store %arg8[%swap3A_430], %swap3A_433 {strides = array<i32>} : memref<400xi32, #tpu.memory_space<vmem>>, vector<16xi32>,
          %get3A_434 = arith.constant 304 : index
          %get3A_435 = tpu.vector_load %arg8[%get3A_434] {strides = array<i32>} : memref<400xi32, #tpu.memory_space<vmem>>, vector<16xi32>,
          %get3A_436 = vector.shape_cast %get3A_435 : vector<16xi32> to vector<16xi32>
          %add3A_437 = arith.addi %get3A_436, %broadcast_in_dim3A_281 : vector<16xi32>
          %swap3A_438 = arith.constant 304 : index
          %swap3A_439 = tpu.vector_load %arg8[%swap3A_438] {strides = array<i32>} : memref<400xi32, #tpu.memory_space<vmem>>, vector<16xi32>,
          %swap3A_440 = vector.shape_cast %swap3A_439 : vector<16xi32> to vector<16xi32>
          %swap3A_441 = vector.shape_cast %add3A_437 : vector<16xi32> to vector<16xi32>
          tpu.vector_store %arg8[%swap3A_438], %swap3A_441 {strides = array<i32>} : memref<400xi32, #tpu.memory_space<vmem>>, vector<16xi32>,
          %get3A_442 = arith.constant 320 : index
          %get3A_443 = tpu.vector_load %arg8[%get3A_442] {strides = array<i32>} : memref<400xi32, #tpu.memory_space<vmem>>, vector<16xi32>,
          %get3A_444 = vector.shape_cast %get3A_443 : vector<16xi32> to vector<16xi32>
          %add3A_445 = arith.addi %get3A_444, %broadcast_in_dim3A_281 : vector<16xi32>
          %swap3A_446 = arith.constant 320 : index
          %swap3A_447 = tpu.vector_load %arg8[%swap3A_446] {strides = array<i32>} : memref<400xi32, #tpu.memory_space<vmem>>, vector<16xi32>,
          %swap3A_448 = vector.shape_cast %swap3A_447 : vector<16xi32> to vector<16xi32>
          %swap3A_449 = vector.shape_cast %add3A_445 : vector<16xi32> to vector<16xi32>
          tpu.vector_store %arg8[%swap3A_446], %swap3A_449 {strides = array<i32>} : memref<400xi32, #tpu.memory_space<vmem>>, vector<16xi32>,
          %get3A_450 = arith.constant 336 : index
          %get3A_451 = tpu.vector_load %arg8[%get3A_450] {strides = array<i32>} : memref<400xi32, #tpu.memory_space<vmem>>, vector<16xi32>,
          %get3A_452 = vector.shape_cast %get3A_451 : vector<16xi32> to vector<16xi32>
          %add3A_453 = arith.addi %get3A_452, %broadcast_in_dim3A_281 : vector<16xi32>
          %swap3A_454 = arith.constant 336 : index
          %swap3A_455 = tpu.vector_load %arg8[%swap3A_454] {strides = array<i32>} : memref<400xi32, #tpu.memory_space<vmem>>, vector<16xi32>,
          %swap3A_456 = vector.shape_cast %swap3A_455 : vector<16xi32> to vector<16xi32>
          %swap3A_457 = vector.shape_cast %add3A_453 : vector<16xi32> to vector<16xi32>
          tpu.vector_store %arg8[%swap3A_454], %swap3A_457 {strides = array<i32>} : memref<400xi32, #tpu.memory_space<vmem>>, vector<16xi32>,
          %get3A_458 = arith.constant 352 : index
          %get3A_459 = tpu.vector_load %arg8[%get3A_458] {strides = array<i32>} : memref<400xi32, #tpu.memory_space<vmem>>, vector<16xi32>,
          %get3A_460 = vector.shape_cast %get3A_459 : vector<16xi32> to vector<16xi32>
          %add3A_461 = arith.addi %get3A_460, %broadcast_in_dim3A_281 : vector<16xi32>
          %swap3A_462 = arith.constant 352 : index
          %swap3A_463 = tpu.vector_load %arg8[%swap3A_462] {strides = array<i32>} : memref<400xi32, #tpu.memory_space<vmem>>, vector<16xi32>,
          %swap3A_464 = vector.shape_cast %swap3A_463 : vector<16xi32> to vector<16xi32>
          %swap3A_465 = vector.shape_cast %add3A_461 : vector<16xi32> to vector<16xi32>
          tpu.vector_store %arg8[%swap3A_462], %swap3A_465 {strides = array<i32>} : memref<400xi32, #tpu.memory_space<vmem>>, vector<16xi32>,
          %get3A_466 = arith.constant 368 : index
          %get3A_467 = tpu.vector_load %arg8[%get3A_466] {strides = array<i32>} : memref<400xi32, #tpu.memory_space<vmem>>, vector<16xi32>,
          %get3A_468 = vector.shape_cast %get3A_467 : vector<16xi32> to vector<16xi32>
          %add3A_469 = arith.addi %get3A_468, %broadcast_in_dim3A_281 : vector<16xi32>
          %swap3A_470 = arith.constant 368 : index
          %swap3A_471 = tpu.vector_load %arg8[%swap3A_470] {strides = array<i32>} : memref<400xi32, #tpu.memory_space<vmem>>, vector<16xi32>,
          %swap3A_472 = vector.shape_cast %swap3A_471 : vector<16xi32> to vector<16xi32>
          %swap3A_473 = vector.shape_cast %add3A_469 : vector<16xi32> to vector<16xi32>
          tpu.vector_store %arg8[%swap3A_470], %swap3A_473 {strides = array<i32>} : memref<400xi32, #tpu.memory_space<vmem>>, vector<16xi32>,
          %get3A_474 = arith.constant 384 : index
          %get3A_475 = tpu.vector_load %arg8[%get3A_474] {strides = array<i32>} : memref<400xi32, #tpu.memory_space<vmem>>, vector<16xi32>,
          %get3A_476 = vector.shape_cast %get3A_475 : vector<16xi32> to vector<16xi32>
          %add3A_477 = arith.addi %get3A_476, %broadcast_in_dim3A_281 : vector<16xi32>
          %swap3A_478 = arith.constant 384 : index
          %swap3A_479 = tpu.vector_load %arg8[%swap3A_478] {strides = array<i32>} : memref<400xi32, #tpu.memory_space<vmem>>, vector<16xi32>,
          %swap3A_480 = vector.shape_cast %swap3A_479 : vector<16xi32> to vector<16xi32>
          %swap3A_481 = vector.shape_cast %add3A_477 : vector<16xi32> to vector<16xi32>
          tpu.vector_store %arg8[%swap3A_478], %swap3A_481 {strides = array<i32>} : memref<400xi32, #tpu.memory_space<vmem>>, vector<16xi32>,
          %dma_start3A_482 = arith.constant 0 : i32
          %dma_start3A_483 = arith.constant 0 : i32
          %dma_start3A_484 = tpu.memref_slice %arg2[%dma_start3A_482, %dma_start3A_483] : memref<20000x64xf32, #tpu.memory_space<hbm>> -> memref<20000x64xf32, #tpu.memory_space<hbm>>
          tpu.enqueue_indirect_dma source(%dma_start3A_484 : memref<20000x64xf32, #tpu.memory_space<hbm>>) target(%arg12 : memref<400x64xf32, #tpu.memory_space<vmem>>) offsets(%arg8 : memref<400xi32, #tpu.memory_space<vmem>>) semaphore(%arg14 : memref<!tpu.dma_semaphore, #tpu.memory_space<semaphore_mem>>)
        } else {
        }
        %dma_wait3A_259 = arith.constant 0 : i32
        %dma_wait3A_260 = arith.constant 0 : i32
        %dma_wait3A_261 = tpu.memref_slice %arg2[%dma_wait3A_259, %dma_wait3A_260] : memref<20000x64xf32, #tpu.memory_space<hbm>> -> memref<20000x64xf32, #tpu.memory_space<hbm>>
        tpu.wait_indirect_dma semaphore(%arg14 : memref<!tpu.dma_semaphore, #tpu.memory_space<semaphore_mem>>) src(%dma_wait3A_261 : memref<20000x64xf32, #tpu.memory_space<hbm>>) dst(%arg11 : memref<400x64xf32, #tpu.memory_space<vmem>>)
        %mul3A_262 = arith.constant 20000 : i32
        %mul3A_263 = arith.muli %arg1, %mul3A_262 : i32
        %mul3A_264 = arith.constant 400 : i32
        %mul3A_265 = arith.muli %scan3A_214, %mul3A_264 : i32
        %add3A_266 = arith.addi %mul3A_263, %mul3A_265 : i32
        %multiple_of3A_267 = tpu.assume_multiple %add3A_266, 8 : i32
        "tpu.region"() ({
          %run_scoped3A = tpu.sem_alloc : memref<!tpu.dma_semaphore, #tpu.memory_space<semaphore_mem>>
          %dma_start3A_271 = tpu.memref_slice %arg4[%multiple_of3A_267] : memref<320000xi32, #tpu.memory_space<hbm>> -> memref<400xi32, #tpu.memory_space<hbm>>
          %dma_start3A_272 = tpu.memref_slice %arg4[%multiple_of3A_267] : memref<320000xi32, #tpu.memory_space<hbm>> -> memref<400xi32, #tpu.memory_space<hbm>>
          tpu.enqueue_dma source(%dma_start3A_272 : memref<400xi32, #tpu.memory_space<hbm>>) target(%arg9 : memref<400xi32, #tpu.memory_space<vmem>>) target_semaphore(%run_scoped3A : memref<!tpu.dma_semaphore, #tpu.memory_space<semaphore_mem>>)
          %dma_wait3A_273 = tpu.memref_slice %arg4[%multiple_of3A_267] : memref<320000xi32, #tpu.memory_space<hbm>> -> memref<400xi32, #tpu.memory_space<hbm>>
          %dma_wait3A_274 = tpu.memref_slice %arg4[%multiple_of3A_267] : memref<320000xi32, #tpu.memory_space<hbm>> -> memref<400xi32, #tpu.memory_space<hbm>>
          tpu.wait_dma2 semaphore(%run_scoped3A : memref<!tpu.dma_semaphore, #tpu.memory_space<semaphore_mem>>) src(%dma_wait3A_274 : memref<400xi32, #tpu.memory_space<hbm>>) dst(%arg9 : memref<400xi32, #tpu.memory_space<vmem>>)
          tpu.yield
        }) : () -> ()
        %dma_start3A_268 = arith.constant 0 : i32
        %dma_start3A_269 = arith.constant 0 : i32
        %dma_start3A_270 = tpu.memref_slice %arg13[%dma_start3A_268, %dma_start3A_269] : memref<10240x64xf32, #tpu.memory_space<vmem_shared>> -> memref<10240x64xf32, #tpu.memory_space<vmem_shared>>
        tpu.enqueue_indirect_dma source(%arg11 : memref<400x64xf32, #tpu.memory_space<vmem>>) target(%dma_start3A_270 : memref<10240x64xf32, #tpu.memory_space<vmem_shared>>) offsets(%arg9 : memref<400xi32, #tpu.memory_space<vmem>>) semaphore(%arg15 : memref<!tpu.dma_semaphore, #tpu.memory_space<semaphore_mem>>) {add = true}
      } else {
      }
      %jit3A_227 = arith.constant 2 : i32
      %eq3A_228 = arith.constant 0 : i32
      %eq3A_229 = arith.cmpi eq, %jit3A_227, %eq3A_228 : i32
      %jit3A_230 = arith.constant 1 : i32
      %select_n3A_231 = arith.select %eq3A_229, %jit3A_230, %jit3A_227 : i32
      %rem3A_232 = arith.remsi %scan3A_214, %select_n3A_231 : i32
      %ne3A_233 = arith.constant 0 : i32
      %ne3A_234 = arith.cmpi ne, %rem3A_232, %ne3A_233 : i32
      %lt3A_235 = arith.constant 0 : i32
      %lt3A_236 = arith.cmpi slt, %rem3A_232, %lt3A_235 : i32
      %lt3A_237 = arith.constant 0 : i32
      %lt3A_238 = arith.cmpi slt, %select_n3A_231, %lt3A_237 : i32
      %ne3A_239 = arith.xori %lt3A_236, %lt3A_238 : i1
      %and3A_240 = arith.andi %ne3A_239, %ne3A_234 : i1
      %add3A_241 = arith.addi %rem3A_232, %select_n3A_231 : i32
      %select_n3A_242 = arith.select %and3A_240, %add3A_241, %rem3A_232 : i32
      %eq3A_243 = arith.constant 1 : i32
      %eq3A_244 = arith.cmpi eq, %select_n3A_242, %eq3A_243 : i32
      %convert_element_type3A_245 = arith.extui %eq3A_244 : i1 to i32
      %cond3A_246 = arith.constant 0 : i32
      %cond3A_247 = arith.cmpi ne, %convert_element_type3A_245, %cond3A_246 : i32
      scf.if %cond3A_247 {
        %ge3A = arith.constant 1 : i32
        %ge3A_248 = arith.cmpi sge, %scan3A_214, %ge3A : i32
        %convert_element_type3A_249 = arith.extui %ge3A_248 : i1 to i32
        %cond3A_250 = arith.constant 0 : i32
        %cond3A_251 = arith.cmpi ne, %convert_element_type3A_249, %cond3A_250 : i32
        scf.if %cond3A_251 {
          %dma_wait3A_271 = arith.constant 0 : i32
          %dma_wait3A_272 = arith.constant 0 : i32
          %dma_wait3A_273 = tpu.memref_slice %arg13[%dma_wait3A_271, %dma_wait3A_272] : memref<10240x64xf32, #tpu.memory_space<vmem_shared>> -> memref<10240x64xf32, #tpu.memory_space<vmem_shared>>
          tpu.wait_indirect_dma semaphore(%arg15 : memref<!tpu.dma_semaphore, #tpu.memory_space<semaphore_mem>>) src(%arg11 : memref<400x64xf32, #tpu.memory_space<vmem>>) dst(%dma_wait3A_273 : memref<10240x64xf32, #tpu.memory_space<vmem_shared>>)
        } else {
        }
        %add3A_252 = arith.constant 1 : i32
        %add3A_253 = arith.addi %scan3A_214, %add3A_252 : i32
        %lt3A_254 = arith.constant 50 : i32
        %lt3A_255 = arith.cmpi slt, %add3A_253, %lt3A_254 : i32
        %convert_element_type3A_256 = arith.extui %lt3A_255 : i1 to i32
        %cond3A_257 = arith.constant 0 : i32
        %cond3A_258 = arith.cmpi ne, %convert_element_type3A_256, %cond3A_257 : i32
        scf.if %cond3A_258 {
          %add3A_271 = arith.constant 1 : i32
          %add3A_272 = arith.addi %scan3A_214, %add3A_271 : i32
          %mul3A_273 = arith.constant 20000 : i32
          %mul3A_274 = arith.muli %arg1, %mul3A_273 : i32
          %mul3A_275 = arith.constant 400 : i32
          %mul3A_276 = arith.muli %add3A_272, %mul3A_275 : i32
          %add3A_277 = arith.addi %mul3A_274, %mul3A_276 : i32
          %multiple_of3A_278 = tpu.assume_multiple %add3A_277, 8 : i32
          "tpu.region"() ({
            %run_scoped3A = tpu.sem_alloc : memref<!tpu.dma_semaphore, #tpu.memory_space<semaphore_mem>>
            %dma_start3A_485 = tpu.memref_slice %arg3[%multiple_of3A_278] : memref<320000xi32, #tpu.memory_space<hbm>> -> memref<400xi32, #tpu.memory_space<hbm>>
            %dma_start3A_486 = tpu.memref_slice %arg3[%multiple_of3A_278] : memref<320000xi32, #tpu.memory_space<hbm>> -> memref<400xi32, #tpu.memory_space<hbm>>
            tpu.enqueue_dma source(%dma_start3A_486 : memref<400xi32, #tpu.memory_space<hbm>>) target(%arg7 : memref<400xi32, #tpu.memory_space<vmem>>) target_semaphore(%run_scoped3A : memref<!tpu.dma_semaphore, #tpu.memory_space<semaphore_mem>>)
            %dma_wait3A_487 = tpu.memref_slice %arg3[%multiple_of3A_278] : memref<320000xi32, #tpu.memory_space<hbm>> -> memref<400xi32, #tpu.memory_space<hbm>>
            %dma_wait3A_488 = tpu.memref_slice %arg3[%multiple_of3A_278] : memref<320000xi32, #tpu.memory_space<hbm>> -> memref<400xi32, #tpu.memory_space<hbm>>
            tpu.wait_dma2 semaphore(%run_scoped3A : memref<!tpu.dma_semaphore, #tpu.memory_space<semaphore_mem>>) src(%dma_wait3A_488 : memref<400xi32, #tpu.memory_space<hbm>>) dst(%arg7 : memref<400xi32, #tpu.memory_space<vmem>>)
            tpu.yield
          }) : () -> ()
          %mul3A_279 = arith.constant 10000 : i32
          %mul3A_280 = arith.muli %arg0, %mul3A_279 : i32
          %broadcast_in_dim3A_281 = vector.broadcast %mul3A_280 : i32 to vector<16xi32>
          %get3A_282 = arith.constant 0 : index
          %get3A_283 = tpu.vector_load %arg7[%get3A_282] {strides = array<i32>} : memref<400xi32, #tpu.memory_space<vmem>>, vector<16xi32>,
          %get3A_284 = vector.shape_cast %get3A_283 : vector<16xi32> to vector<16xi32>
          %add3A_285 = arith.addi %get3A_284, %broadcast_in_dim3A_281 : vector<16xi32>
          %swap3A_286 = arith.constant 0 : index
          %swap3A_287 = tpu.vector_load %arg7[%swap3A_286] {strides = array<i32>} : memref<400xi32, #tpu.memory_space<vmem>>, vector<16xi32>,
          %swap3A_288 = vector.shape_cast %swap3A_287 : vector<16xi32> to vector<16xi32>
          %swap3A_289 = vector.shape_cast %add3A_285 : vector<16xi32> to vector<16xi32>
          tpu.vector_store %arg7[%swap3A_286], %swap3A_289 {strides = array<i32>} : memref<400xi32, #tpu.memory_space<vmem>>, vector<16xi32>,
          %get3A_290 = arith.constant 16 : index
          %get3A_291 = tpu.vector_load %arg7[%get3A_290] {strides = array<i32>} : memref<400xi32, #tpu.memory_space<vmem>>, vector<16xi32>,
          %get3A_292 = vector.shape_cast %get3A_291 : vector<16xi32> to vector<16xi32>
          %add3A_293 = arith.addi %get3A_292, %broadcast_in_dim3A_281 : vector<16xi32>
          %swap3A_294 = arith.constant 16 : index
          %swap3A_295 = tpu.vector_load %arg7[%swap3A_294] {strides = array<i32>} : memref<400xi32, #tpu.memory_space<vmem>>, vector<16xi32>,
          %swap3A_296 = vector.shape_cast %swap3A_295 : vector<16xi32> to vector<16xi32>
          %swap3A_297 = vector.shape_cast %add3A_293 : vector<16xi32> to vector<16xi32>
          tpu.vector_store %arg7[%swap3A_294], %swap3A_297 {strides = array<i32>} : memref<400xi32, #tpu.memory_space<vmem>>, vector<16xi32>,
          %get3A_298 = arith.constant 32 : index
          %get3A_299 = tpu.vector_load %arg7[%get3A_298] {strides = array<i32>} : memref<400xi32, #tpu.memory_space<vmem>>, vector<16xi32>,
          %get3A_300 = vector.shape_cast %get3A_299 : vector<16xi32> to vector<16xi32>
          %add3A_301 = arith.addi %get3A_300, %broadcast_in_dim3A_281 : vector<16xi32>
          %swap3A_302 = arith.constant 32 : index
          %swap3A_303 = tpu.vector_load %arg7[%swap3A_302] {strides = array<i32>} : memref<400xi32, #tpu.memory_space<vmem>>, vector<16xi32>,
          %swap3A_304 = vector.shape_cast %swap3A_303 : vector<16xi32> to vector<16xi32>
          %swap3A_305 = vector.shape_cast %add3A_301 : vector<16xi32> to vector<16xi32>
          tpu.vector_store %arg7[%swap3A_302], %swap3A_305 {strides = array<i32>} : memref<400xi32, #tpu.memory_space<vmem>>, vector<16xi32>,
          %get3A_306 = arith.constant 48 : index
          %get3A_307 = tpu.vector_load %arg7[%get3A_306] {strides = array<i32>} : memref<400xi32, #tpu.memory_space<vmem>>, vector<16xi32>,
          %get3A_308 = vector.shape_cast %get3A_307 : vector<16xi32> to vector<16xi32>
          %add3A_309 = arith.addi %get3A_308, %broadcast_in_dim3A_281 : vector<16xi32>
          %swap3A_310 = arith.constant 48 : index
          %swap3A_311 = tpu.vector_load %arg7[%swap3A_310] {strides = array<i32>} : memref<400xi32, #tpu.memory_space<vmem>>, vector<16xi32>,
          %swap3A_312 = vector.shape_cast %swap3A_311 : vector<16xi32> to vector<16xi32>
          %swap3A_313 = vector.shape_cast %add3A_309 : vector<16xi32> to vector<16xi32>
          tpu.vector_store %arg7[%swap3A_310], %swap3A_313 {strides = array<i32>} : memref<400xi32, #tpu.memory_space<vmem>>, vector<16xi32>,
          %get3A_314 = arith.constant 64 : index
          %get3A_315 = tpu.vector_load %arg7[%get3A_314] {strides = array<i32>} : memref<400xi32, #tpu.memory_space<vmem>>, vector<16xi32>,
          %get3A_316 = vector.shape_cast %get3A_315 : vector<16xi32> to vector<16xi32>
          %add3A_317 = arith.addi %get3A_316, %broadcast_in_dim3A_281 : vector<16xi32>
          %swap3A_318 = arith.constant 64 : index
          %swap3A_319 = tpu.vector_load %arg7[%swap3A_318] {strides = array<i32>} : memref<400xi32, #tpu.memory_space<vmem>>, vector<16xi32>,
          %swap3A_320 = vector.shape_cast %swap3A_319 : vector<16xi32> to vector<16xi32>
          %swap3A_321 = vector.shape_cast %add3A_317 : vector<16xi32> to vector<16xi32>
          tpu.vector_store %arg7[%swap3A_318], %swap3A_321 {strides = array<i32>} : memref<400xi32, #tpu.memory_space<vmem>>, vector<16xi32>,
          %get3A_322 = arith.constant 80 : index
          %get3A_323 = tpu.vector_load %arg7[%get3A_322] {strides = array<i32>} : memref<400xi32, #tpu.memory_space<vmem>>, vector<16xi32>,
          %get3A_324 = vector.shape_cast %get3A_323 : vector<16xi32> to vector<16xi32>
          %add3A_325 = arith.addi %get3A_324, %broadcast_in_dim3A_281 : vector<16xi32>
          %swap3A_326 = arith.constant 80 : index
          %swap3A_327 = tpu.vector_load %arg7[%swap3A_326] {strides = array<i32>} : memref<400xi32, #tpu.memory_space<vmem>>, vector<16xi32>,
          %swap3A_328 = vector.shape_cast %swap3A_327 : vector<16xi32> to vector<16xi32>
          %swap3A_329 = vector.shape_cast %add3A_325 : vector<16xi32> to vector<16xi32>
          tpu.vector_store %arg7[%swap3A_326], %swap3A_329 {strides = array<i32>} : memref<400xi32, #tpu.memory_space<vmem>>, vector<16xi32>,
          %get3A_330 = arith.constant 96 : index
          %get3A_331 = tpu.vector_load %arg7[%get3A_330] {strides = array<i32>} : memref<400xi32, #tpu.memory_space<vmem>>, vector<16xi32>,
          %get3A_332 = vector.shape_cast %get3A_331 : vector<16xi32> to vector<16xi32>
          %add3A_333 = arith.addi %get3A_332, %broadcast_in_dim3A_281 : vector<16xi32>
          %swap3A_334 = arith.constant 96 : index
          %swap3A_335 = tpu.vector_load %arg7[%swap3A_334] {strides = array<i32>} : memref<400xi32, #tpu.memory_space<vmem>>, vector<16xi32>,
          %swap3A_336 = vector.shape_cast %swap3A_335 : vector<16xi32> to vector<16xi32>
          %swap3A_337 = vector.shape_cast %add3A_333 : vector<16xi32> to vector<16xi32>
          tpu.vector_store %arg7[%swap3A_334], %swap3A_337 {strides = array<i32>} : memref<400xi32, #tpu.memory_space<vmem>>, vector<16xi32>,
          %get3A_338 = arith.constant 112 : index
          %get3A_339 = tpu.vector_load %arg7[%get3A_338] {strides = array<i32>} : memref<400xi32, #tpu.memory_space<vmem>>, vector<16xi32>,
          %get3A_340 = vector.shape_cast %get3A_339 : vector<16xi32> to vector<16xi32>
          %add3A_341 = arith.addi %get3A_340, %broadcast_in_dim3A_281 : vector<16xi32>
          %swap3A_342 = arith.constant 112 : index
          %swap3A_343 = tpu.vector_load %arg7[%swap3A_342] {strides = array<i32>} : memref<400xi32, #tpu.memory_space<vmem>>, vector<16xi32>,
          %swap3A_344 = vector.shape_cast %swap3A_343 : vector<16xi32> to vector<16xi32>
          %swap3A_345 = vector.shape_cast %add3A_341 : vector<16xi32> to vector<16xi32>
          tpu.vector_store %arg7[%swap3A_342], %swap3A_345 {strides = array<i32>} : memref<400xi32, #tpu.memory_space<vmem>>, vector<16xi32>,
          %get3A_346 = arith.constant 128 : index
          %get3A_347 = tpu.vector_load %arg7[%get3A_346] {strides = array<i32>} : memref<400xi32, #tpu.memory_space<vmem>>, vector<16xi32>,
          %get3A_348 = vector.shape_cast %get3A_347 : vector<16xi32> to vector<16xi32>
          %add3A_349 = arith.addi %get3A_348, %broadcast_in_dim3A_281 : vector<16xi32>
          %swap3A_350 = arith.constant 128 : index
          %swap3A_351 = tpu.vector_load %arg7[%swap3A_350] {strides = array<i32>} : memref<400xi32, #tpu.memory_space<vmem>>, vector<16xi32>,
          %swap3A_352 = vector.shape_cast %swap3A_351 : vector<16xi32> to vector<16xi32>
          %swap3A_353 = vector.shape_cast %add3A_349 : vector<16xi32> to vector<16xi32>
          tpu.vector_store %arg7[%swap3A_350], %swap3A_353 {strides = array<i32>} : memref<400xi32, #tpu.memory_space<vmem>>, vector<16xi32>,
          %get3A_354 = arith.constant 144 : index
          %get3A_355 = tpu.vector_load %arg7[%get3A_354] {strides = array<i32>} : memref<400xi32, #tpu.memory_space<vmem>>, vector<16xi32>,
          %get3A_356 = vector.shape_cast %get3A_355 : vector<16xi32> to vector<16xi32>
          %add3A_357 = arith.addi %get3A_356, %broadcast_in_dim3A_281 : vector<16xi32>
          %swap3A_358 = arith.constant 144 : index
          %swap3A_359 = tpu.vector_load %arg7[%swap3A_358] {strides = array<i32>} : memref<400xi32, #tpu.memory_space<vmem>>, vector<16xi32>,
          %swap3A_360 = vector.shape_cast %swap3A_359 : vector<16xi32> to vector<16xi32>
          %swap3A_361 = vector.shape_cast %add3A_357 : vector<16xi32> to vector<16xi32>
          tpu.vector_store %arg7[%swap3A_358], %swap3A_361 {strides = array<i32>} : memref<400xi32, #tpu.memory_space<vmem>>, vector<16xi32>,
          %get3A_362 = arith.constant 160 : index
          %get3A_363 = tpu.vector_load %arg7[%get3A_362] {strides = array<i32>} : memref<400xi32, #tpu.memory_space<vmem>>, vector<16xi32>,
          %get3A_364 = vector.shape_cast %get3A_363 : vector<16xi32> to vector<16xi32>
          %add3A_365 = arith.addi %get3A_364, %broadcast_in_dim3A_281 : vector<16xi32>
          %swap3A_366 = arith.constant 160 : index
          %swap3A_367 = tpu.vector_load %arg7[%swap3A_366] {strides = array<i32>} : memref<400xi32, #tpu.memory_space<vmem>>, vector<16xi32>,
          %swap3A_368 = vector.shape_cast %swap3A_367 : vector<16xi32> to vector<16xi32>
          %swap3A_369 = vector.shape_cast %add3A_365 : vector<16xi32> to vector<16xi32>
          tpu.vector_store %arg7[%swap3A_366], %swap3A_369 {strides = array<i32>} : memref<400xi32, #tpu.memory_space<vmem>>, vector<16xi32>,
          %get3A_370 = arith.constant 176 : index
          %get3A_371 = tpu.vector_load %arg7[%get3A_370] {strides = array<i32>} : memref<400xi32, #tpu.memory_space<vmem>>, vector<16xi32>,
          %get3A_372 = vector.shape_cast %get3A_371 : vector<16xi32> to vector<16xi32>
          %add3A_373 = arith.addi %get3A_372, %broadcast_in_dim3A_281 : vector<16xi32>
          %swap3A_374 = arith.constant 176 : index
          %swap3A_375 = tpu.vector_load %arg7[%swap3A_374] {strides = array<i32>} : memref<400xi32, #tpu.memory_space<vmem>>, vector<16xi32>,
          %swap3A_376 = vector.shape_cast %swap3A_375 : vector<16xi32> to vector<16xi32>
          %swap3A_377 = vector.shape_cast %add3A_373 : vector<16xi32> to vector<16xi32>
          tpu.vector_store %arg7[%swap3A_374], %swap3A_377 {strides = array<i32>} : memref<400xi32, #tpu.memory_space<vmem>>, vector<16xi32>,
          %get3A_378 = arith.constant 192 : index
          %get3A_379 = tpu.vector_load %arg7[%get3A_378] {strides = array<i32>} : memref<400xi32, #tpu.memory_space<vmem>>, vector<16xi32>,
          %get3A_380 = vector.shape_cast %get3A_379 : vector<16xi32> to vector<16xi32>
          %add3A_381 = arith.addi %get3A_380, %broadcast_in_dim3A_281 : vector<16xi32>
          %swap3A_382 = arith.constant 192 : index
          %swap3A_383 = tpu.vector_load %arg7[%swap3A_382] {strides = array<i32>} : memref<400xi32, #tpu.memory_space<vmem>>, vector<16xi32>,
          %swap3A_384 = vector.shape_cast %swap3A_383 : vector<16xi32> to vector<16xi32>
          %swap3A_385 = vector.shape_cast %add3A_381 : vector<16xi32> to vector<16xi32>
          tpu.vector_store %arg7[%swap3A_382], %swap3A_385 {strides = array<i32>} : memref<400xi32, #tpu.memory_space<vmem>>, vector<16xi32>,
          %get3A_386 = arith.constant 208 : index
          %get3A_387 = tpu.vector_load %arg7[%get3A_386] {strides = array<i32>} : memref<400xi32, #tpu.memory_space<vmem>>, vector<16xi32>,
          %get3A_388 = vector.shape_cast %get3A_387 : vector<16xi32> to vector<16xi32>
          %add3A_389 = arith.addi %get3A_388, %broadcast_in_dim3A_281 : vector<16xi32>
          %swap3A_390 = arith.constant 208 : index
          %swap3A_391 = tpu.vector_load %arg7[%swap3A_390] {strides = array<i32>} : memref<400xi32, #tpu.memory_space<vmem>>, vector<16xi32>,
          %swap3A_392 = vector.shape_cast %swap3A_391 : vector<16xi32> to vector<16xi32>
          %swap3A_393 = vector.shape_cast %add3A_389 : vector<16xi32> to vector<16xi32>
          tpu.vector_store %arg7[%swap3A_390], %swap3A_393 {strides = array<i32>} : memref<400xi32, #tpu.memory_space<vmem>>, vector<16xi32>,
          %get3A_394 = arith.constant 224 : index
          %get3A_395 = tpu.vector_load %arg7[%get3A_394] {strides = array<i32>} : memref<400xi32, #tpu.memory_space<vmem>>, vector<16xi32>,
          %get3A_396 = vector.shape_cast %get3A_395 : vector<16xi32> to vector<16xi32>
          %add3A_397 = arith.addi %get3A_396, %broadcast_in_dim3A_281 : vector<16xi32>
          %swap3A_398 = arith.constant 224 : index
          %swap3A_399 = tpu.vector_load %arg7[%swap3A_398] {strides = array<i32>} : memref<400xi32, #tpu.memory_space<vmem>>, vector<16xi32>,
          %swap3A_400 = vector.shape_cast %swap3A_399 : vector<16xi32> to vector<16xi32>
          %swap3A_401 = vector.shape_cast %add3A_397 : vector<16xi32> to vector<16xi32>
          tpu.vector_store %arg7[%swap3A_398], %swap3A_401 {strides = array<i32>} : memref<400xi32, #tpu.memory_space<vmem>>, vector<16xi32>,
          %get3A_402 = arith.constant 240 : index
          %get3A_403 = tpu.vector_load %arg7[%get3A_402] {strides = array<i32>} : memref<400xi32, #tpu.memory_space<vmem>>, vector<16xi32>,
          %get3A_404 = vector.shape_cast %get3A_403 : vector<16xi32> to vector<16xi32>
          %add3A_405 = arith.addi %get3A_404, %broadcast_in_dim3A_281 : vector<16xi32>
          %swap3A_406 = arith.constant 240 : index
          %swap3A_407 = tpu.vector_load %arg7[%swap3A_406] {strides = array<i32>} : memref<400xi32, #tpu.memory_space<vmem>>, vector<16xi32>,
          %swap3A_408 = vector.shape_cast %swap3A_407 : vector<16xi32> to vector<16xi32>
          %swap3A_409 = vector.shape_cast %add3A_405 : vector<16xi32> to vector<16xi32>
          tpu.vector_store %arg7[%swap3A_406], %swap3A_409 {strides = array<i32>} : memref<400xi32, #tpu.memory_space<vmem>>, vector<16xi32>,
          %get3A_410 = arith.constant 256 : index
          %get3A_411 = tpu.vector_load %arg7[%get3A_410] {strides = array<i32>} : memref<400xi32, #tpu.memory_space<vmem>>, vector<16xi32>,
          %get3A_412 = vector.shape_cast %get3A_411 : vector<16xi32> to vector<16xi32>
          %add3A_413 = arith.addi %get3A_412, %broadcast_in_dim3A_281 : vector<16xi32>
          %swap3A_414 = arith.constant 256 : index
          %swap3A_415 = tpu.vector_load %arg7[%swap3A_414] {strides = array<i32>} : memref<400xi32, #tpu.memory_space<vmem>>, vector<16xi32>,
          %swap3A_416 = vector.shape_cast %swap3A_415 : vector<16xi32> to vector<16xi32>
          %swap3A_417 = vector.shape_cast %add3A_413 : vector<16xi32> to vector<16xi32>
          tpu.vector_store %arg7[%swap3A_414], %swap3A_417 {strides = array<i32>} : memref<400xi32, #tpu.memory_space<vmem>>, vector<16xi32>,
          %get3A_418 = arith.constant 272 : index
          %get3A_419 = tpu.vector_load %arg7[%get3A_418] {strides = array<i32>} : memref<400xi32, #tpu.memory_space<vmem>>, vector<16xi32>,
          %get3A_420 = vector.shape_cast %get3A_419 : vector<16xi32> to vector<16xi32>
          %add3A_421 = arith.addi %get3A_420, %broadcast_in_dim3A_281 : vector<16xi32>
          %swap3A_422 = arith.constant 272 : index
          %swap3A_423 = tpu.vector_load %arg7[%swap3A_422] {strides = array<i32>} : memref<400xi32, #tpu.memory_space<vmem>>, vector<16xi32>,
          %swap3A_424 = vector.shape_cast %swap3A_423 : vector<16xi32> to vector<16xi32>
          %swap3A_425 = vector.shape_cast %add3A_421 : vector<16xi32> to vector<16xi32>
          tpu.vector_store %arg7[%swap3A_422], %swap3A_425 {strides = array<i32>} : memref<400xi32, #tpu.memory_space<vmem>>, vector<16xi32>,
          %get3A_426 = arith.constant 288 : index
          %get3A_427 = tpu.vector_load %arg7[%get3A_426] {strides = array<i32>} : memref<400xi32, #tpu.memory_space<vmem>>, vector<16xi32>,
          %get3A_428 = vector.shape_cast %get3A_427 : vector<16xi32> to vector<16xi32>
          %add3A_429 = arith.addi %get3A_428, %broadcast_in_dim3A_281 : vector<16xi32>
          %swap3A_430 = arith.constant 288 : index
          %swap3A_431 = tpu.vector_load %arg7[%swap3A_430] {strides = array<i32>} : memref<400xi32, #tpu.memory_space<vmem>>, vector<16xi32>,
          %swap3A_432 = vector.shape_cast %swap3A_431 : vector<16xi32> to vector<16xi32>
          %swap3A_433 = vector.shape_cast %add3A_429 : vector<16xi32> to vector<16xi32>
          tpu.vector_store %arg7[%swap3A_430], %swap3A_433 {strides = array<i32>} : memref<400xi32, #tpu.memory_space<vmem>>, vector<16xi32>,
          %get3A_434 = arith.constant 304 : index
          %get3A_435 = tpu.vector_load %arg7[%get3A_434] {strides = array<i32>} : memref<400xi32, #tpu.memory_space<vmem>>, vector<16xi32>,
          %get3A_436 = vector.shape_cast %get3A_435 : vector<16xi32> to vector<16xi32>
          %add3A_437 = arith.addi %get3A_436, %broadcast_in_dim3A_281 : vector<16xi32>
          %swap3A_438 = arith.constant 304 : index
          %swap3A_439 = tpu.vector_load %arg7[%swap3A_438] {strides = array<i32>} : memref<400xi32, #tpu.memory_space<vmem>>, vector<16xi32>,
          %swap3A_440 = vector.shape_cast %swap3A_439 : vector<16xi32> to vector<16xi32>
          %swap3A_441 = vector.shape_cast %add3A_437 : vector<16xi32> to vector<16xi32>
          tpu.vector_store %arg7[%swap3A_438], %swap3A_441 {strides = array<i32>} : memref<400xi32, #tpu.memory_space<vmem>>, vector<16xi32>,
          %get3A_442 = arith.constant 320 : index
          %get3A_443 = tpu.vector_load %arg7[%get3A_442] {strides = array<i32>} : memref<400xi32, #tpu.memory_space<vmem>>, vector<16xi32>,
          %get3A_444 = vector.shape_cast %get3A_443 : vector<16xi32> to vector<16xi32>
          %add3A_445 = arith.addi %get3A_444, %broadcast_in_dim3A_281 : vector<16xi32>
          %swap3A_446 = arith.constant 320 : index
          %swap3A_447 = tpu.vector_load %arg7[%swap3A_446] {strides = array<i32>} : memref<400xi32, #tpu.memory_space<vmem>>, vector<16xi32>,
          %swap3A_448 = vector.shape_cast %swap3A_447 : vector<16xi32> to vector<16xi32>
          %swap3A_449 = vector.shape_cast %add3A_445 : vector<16xi32> to vector<16xi32>
          tpu.vector_store %arg7[%swap3A_446], %swap3A_449 {strides = array<i32>} : memref<400xi32, #tpu.memory_space<vmem>>, vector<16xi32>,
          %get3A_450 = arith.constant 336 : index
          %get3A_451 = tpu.vector_load %arg7[%get3A_450] {strides = array<i32>} : memref<400xi32, #tpu.memory_space<vmem>>, vector<16xi32>,
          %get3A_452 = vector.shape_cast %get3A_451 : vector<16xi32> to vector<16xi32>
          %add3A_453 = arith.addi %get3A_452, %broadcast_in_dim3A_281 : vector<16xi32>
          %swap3A_454 = arith.constant 336 : index
          %swap3A_455 = tpu.vector_load %arg7[%swap3A_454] {strides = array<i32>} : memref<400xi32, #tpu.memory_space<vmem>>, vector<16xi32>,
          %swap3A_456 = vector.shape_cast %swap3A_455 : vector<16xi32> to vector<16xi32>
          %swap3A_457 = vector.shape_cast %add3A_453 : vector<16xi32> to vector<16xi32>
          tpu.vector_store %arg7[%swap3A_454], %swap3A_457 {strides = array<i32>} : memref<400xi32, #tpu.memory_space<vmem>>, vector<16xi32>,
          %get3A_458 = arith.constant 352 : index
          %get3A_459 = tpu.vector_load %arg7[%get3A_458] {strides = array<i32>} : memref<400xi32, #tpu.memory_space<vmem>>, vector<16xi32>,
          %get3A_460 = vector.shape_cast %get3A_459 : vector<16xi32> to vector<16xi32>
          %add3A_461 = arith.addi %get3A_460, %broadcast_in_dim3A_281 : vector<16xi32>
          %swap3A_462 = arith.constant 352 : index
          %swap3A_463 = tpu.vector_load %arg7[%swap3A_462] {strides = array<i32>} : memref<400xi32, #tpu.memory_space<vmem>>, vector<16xi32>,
          %swap3A_464 = vector.shape_cast %swap3A_463 : vector<16xi32> to vector<16xi32>
          %swap3A_465 = vector.shape_cast %add3A_461 : vector<16xi32> to vector<16xi32>
          tpu.vector_store %arg7[%swap3A_462], %swap3A_465 {strides = array<i32>} : memref<400xi32, #tpu.memory_space<vmem>>, vector<16xi32>,
          %get3A_466 = arith.constant 368 : index
          %get3A_467 = tpu.vector_load %arg7[%get3A_466] {strides = array<i32>} : memref<400xi32, #tpu.memory_space<vmem>>, vector<16xi32>,
          %get3A_468 = vector.shape_cast %get3A_467 : vector<16xi32> to vector<16xi32>
          %add3A_469 = arith.addi %get3A_468, %broadcast_in_dim3A_281 : vector<16xi32>
          %swap3A_470 = arith.constant 368 : index
          %swap3A_471 = tpu.vector_load %arg7[%swap3A_470] {strides = array<i32>} : memref<400xi32, #tpu.memory_space<vmem>>, vector<16xi32>,
          %swap3A_472 = vector.shape_cast %swap3A_471 : vector<16xi32> to vector<16xi32>
          %swap3A_473 = vector.shape_cast %add3A_469 : vector<16xi32> to vector<16xi32>
          tpu.vector_store %arg7[%swap3A_470], %swap3A_473 {strides = array<i32>} : memref<400xi32, #tpu.memory_space<vmem>>, vector<16xi32>,
          %get3A_474 = arith.constant 384 : index
          %get3A_475 = tpu.vector_load %arg7[%get3A_474] {strides = array<i32>} : memref<400xi32, #tpu.memory_space<vmem>>, vector<16xi32>,
          %get3A_476 = vector.shape_cast %get3A_475 : vector<16xi32> to vector<16xi32>
          %add3A_477 = arith.addi %get3A_476, %broadcast_in_dim3A_281 : vector<16xi32>
          %swap3A_478 = arith.constant 384 : index
          %swap3A_479 = tpu.vector_load %arg7[%swap3A_478] {strides = array<i32>} : memref<400xi32, #tpu.memory_space<vmem>>, vector<16xi32>,
          %swap3A_480 = vector.shape_cast %swap3A_479 : vector<16xi32> to vector<16xi32>
          %swap3A_481 = vector.shape_cast %add3A_477 : vector<16xi32> to vector<16xi32>
          tpu.vector_store %arg7[%swap3A_478], %swap3A_481 {strides = array<i32>} : memref<400xi32, #tpu.memory_space<vmem>>, vector<16xi32>,
          %dma_start3A_482 = arith.constant 0 : i32
          %dma_start3A_483 = arith.constant 0 : i32
          %dma_start3A_484 = tpu.memref_slice %arg2[%dma_start3A_482, %dma_start3A_483] : memref<20000x64xf32, #tpu.memory_space<hbm>> -> memref<20000x64xf32, #tpu.memory_space<hbm>>
          tpu.enqueue_indirect_dma source(%dma_start3A_484 : memref<20000x64xf32, #tpu.memory_space<hbm>>) target(%arg11 : memref<400x64xf32, #tpu.memory_space<vmem>>) offsets(%arg7 : memref<400xi32, #tpu.memory_space<vmem>>) semaphore(%arg14 : memref<!tpu.dma_semaphore, #tpu.memory_space<semaphore_mem>>)
        } else {
        }
        %dma_wait3A_259 = arith.constant 0 : i32
        %dma_wait3A_260 = arith.constant 0 : i32
        %dma_wait3A_261 = tpu.memref_slice %arg2[%dma_wait3A_259, %dma_wait3A_260] : memref<20000x64xf32, #tpu.memory_space<hbm>> -> memref<20000x64xf32, #tpu.memory_space<hbm>>
        tpu.wait_indirect_dma semaphore(%arg14 : memref<!tpu.dma_semaphore, #tpu.memory_space<semaphore_mem>>) src(%dma_wait3A_261 : memref<20000x64xf32, #tpu.memory_space<hbm>>) dst(%arg12 : memref<400x64xf32, #tpu.memory_space<vmem>>)
        %mul3A_262 = arith.constant 20000 : i32
        %mul3A_263 = arith.muli %arg1, %mul3A_262 : i32
        %mul3A_264 = arith.constant 400 : i32
        %mul3A_265 = arith.muli %scan3A_214, %mul3A_264 : i32
        %add3A_266 = arith.addi %mul3A_263, %mul3A_265 : i32
        %multiple_of3A_267 = tpu.assume_multiple %add3A_266, 8 : i32
        "tpu.region"() ({
          %run_scoped3A = tpu.sem_alloc : memref<!tpu.dma_semaphore, #tpu.memory_space<semaphore_mem>>
          %dma_start3A_271 = tpu.memref_slice %arg4[%multiple_of3A_267] : memref<320000xi32, #tpu.memory_space<hbm>> -> memref<400xi32, #tpu.memory_space<hbm>>
          %dma_start3A_272 = tpu.memref_slice %arg4[%multiple_of3A_267] : memref<320000xi32, #tpu.memory_space<hbm>> -> memref<400xi32, #tpu.memory_space<hbm>>
          tpu.enqueue_dma source(%dma_start3A_272 : memref<400xi32, #tpu.memory_space<hbm>>) target(%arg10 : memref<400xi32, #tpu.memory_space<vmem>>) target_semaphore(%run_scoped3A : memref<!tpu.dma_semaphore, #tpu.memory_space<semaphore_mem>>)
          %dma_wait3A_273 = tpu.memref_slice %arg4[%multiple_of3A_267] : memref<320000xi32, #tpu.memory_space<hbm>> -> memref<400xi32, #tpu.memory_space<hbm>>
          %dma_wait3A_274 = tpu.memref_slice %arg4[%multiple_of3A_267] : memref<320000xi32, #tpu.memory_space<hbm>> -> memref<400xi32, #tpu.memory_space<hbm>>
          tpu.wait_dma2 semaphore(%run_scoped3A : memref<!tpu.dma_semaphore, #tpu.memory_space<semaphore_mem>>) src(%dma_wait3A_274 : memref<400xi32, #tpu.memory_space<hbm>>) dst(%arg10 : memref<400xi32, #tpu.memory_space<vmem>>)
          tpu.yield
        }) : () -> ()
        %dma_start3A_268 = arith.constant 0 : i32
        %dma_start3A_269 = arith.constant 0 : i32
        %dma_start3A_270 = tpu.memref_slice %arg13[%dma_start3A_268, %dma_start3A_269] : memref<10240x64xf32, #tpu.memory_space<vmem_shared>> -> memref<10240x64xf32, #tpu.memory_space<vmem_shared>>
        tpu.enqueue_indirect_dma source(%arg12 : memref<400x64xf32, #tpu.memory_space<vmem>>) target(%dma_start3A_270 : memref<10240x64xf32, #tpu.memory_space<vmem_shared>>) offsets(%arg10 : memref<400xi32, #tpu.memory_space<vmem>>) semaphore(%arg15 : memref<!tpu.dma_semaphore, #tpu.memory_space<semaphore_mem>>) {add = true}
      } else {
      }
    }
    %scan3A_210 = arith.constant 50 : i32
    %dma_wait3A = arith.constant 0 : i32
    %dma_wait3A_211 = arith.constant 0 : i32
    %dma_wait3A_212 = tpu.memref_slice %arg13[%dma_wait3A, %dma_wait3A_211] : memref<10240x64xf32, #tpu.memory_space<vmem_shared>> -> memref<10240x64xf32, #tpu.memory_space<vmem_shared>>
    tpu.wait_indirect_dma semaphore(%arg15 : memref<!tpu.dma_semaphore, #tpu.memory_space<semaphore_mem>>) src(%arg12 : memref<400x64xf32, #tpu.memory_space<vmem>>) dst(%dma_wait3A_212 : memref<10240x64xf32, #tpu.memory_space<vmem_shared>>)
    %barrier3A_213 = arith.constant 0 : index
    tpu.barrier barrier_id(%barrier3A_213)
    "tpu.region"() ({
      %run_scoped3A = tpu.sem_alloc : memref<!tpu.dma_semaphore, #tpu.memory_space<semaphore_mem>>
      %dma_start3A_214 = arith.constant 0 : i32
      %dma_start3A_215 = tpu.memref_slice %arg6[%arg0, %mul3A_0, %dma_start3A_214] : memref<2x10240x64xf32, #tpu.memory_space<hbm>> -> memref<1x640x64xf32, #tpu.memory_space<hbm>>
      %dma_start3A_216 = tpu.memref_squeeze %dma_start3A_215 : memref<1x640x64xf32, #tpu.memory_space<hbm>> -> memref<640x64xf32, #tpu.memory_space<hbm>>
      %dma_start3A_217 = arith.constant 0 : i32
      %dma_start3A_218 = tpu.memref_slice %arg13[%mul3A_0, %dma_start3A_217] : memref<10240x64xf32, #tpu.memory_space<vmem_shared>> -> memref<640x64xf32, #tpu.memory_space<vmem_shared>>
      tpu.enqueue_dma source(%dma_start3A_218 : memref<640x64xf32, #tpu.memory_space<vmem_shared>>) target(%dma_start3A_216 : memref<640x64xf32, #tpu.memory_space<hbm>>) target_semaphore(%run_scoped3A : memref<!tpu.dma_semaphore, #tpu.memory_space<semaphore_mem>>)
      %dma_wait3A_219 = arith.constant 0 : i32
      %dma_wait3A_220 = tpu.memref_slice %arg6[%arg0, %mul3A_0, %dma_wait3A_219] : memref<2x10240x64xf32, #tpu.memory_space<hbm>> -> memref<1x640x64xf32, #tpu.memory_space<hbm>>
      %dma_wait3A_221 = tpu.memref_squeeze %dma_wait3A_220 : memref<1x640x64xf32, #tpu.memory_space<hbm>> -> memref<640x64xf32, #tpu.memory_space<hbm>>
      %dma_wait3A_222 = arith.constant 0 : i32
      %dma_wait3A_223 = tpu.memref_slice %arg13[%mul3A_0, %dma_wait3A_222] : memref<10240x64xf32, #tpu.memory_space<vmem_shared>> -> memref<640x64xf32, #tpu.memory_space<vmem_shared>>
      tpu.wait_dma2 semaphore(%run_scoped3A : memref<!tpu.dma_semaphore, #tpu.memory_space<semaphore_mem>>) src(%dma_wait3A_223 : memref<640x64xf32, #tpu.memory_space<vmem_shared>>) dst(%dma_wait3A_221 : memref<640x64xf32, #tpu.memory_space<hbm>>)
      tpu.yield
    }) : () -> ()
    return
  }
}

#map = affine_map<(d0, d1) -> (0)>
#map1 = affine_map<(d0, d1) -> (0, 0)>
#map2 = affine_map<(d0, d1) -> (0, 0, 0)>
module attributes {stable_mosaic.version = 14 : i64} {
  func.func @k(%arg0: i32, %arg1: i32, %arg2: memref<320000xi32, #tpu.memory_space<hbm>>, %arg3: memref<400x16xf32, #tpu.memory_space<hbm>>, %arg4: memref<10240x16xf32, #tpu.memory_space<hbm>>, %arg5: memref<2x10240x16xf32, #tpu.memory_space<hbm>>, %arg6: memref<400xi32, #tpu.memory_space<vmem>>, %arg7: memref<400xi32, #tpu.memory_space<vmem>>, %arg8: memref<400x16xf32, #tpu.memory_space<vmem>>, %arg9: memref<10240x16xf32, #tpu.memory_space<vmem_shared>>, %arg10: memref<!tpu.dma_semaphore, #tpu.memory_space<semaphore_mem>>) attributes {dimension_semantics = [#tpu.dimension_semantics<core_parallel>, #tpu.dimension_semantics<subcore_parallel>], iteration_bounds = array<i64: 2, 16>, scalar_prefetch = 0 : i64, scratch_operands = 5 : i64, tpu.core_type = #tpu.core_type<sc_vector_subcore>, window_params = [{transform_indices = #map}, {transform_indices = #map1}, {transform_indices = #map1}, {transform_indices = #map2}]} {
    %mul3A = arith.constant 16 : i32
    %mul3A_0 = arith.muli %arg0, %mul3A : i32
    %add3A = arith.addi %mul3A_0, %arg1 : i32
    %mul3A_1 = arith.constant 640 : i32
    %mul3A_2 = arith.muli %arg1, %mul3A_1 : i32
    "tpu.region"() ({
      %run_scoped3A = tpu.sem_alloc : memref<!tpu.dma_semaphore, #tpu.memory_space<semaphore_mem>>
      %dma_start3A_14 = arith.constant 0 : i32
      %dma_start3A_15 = tpu.memref_slice %arg9[%mul3A_2, %dma_start3A_14] : memref<10240x16xf32, #tpu.memory_space<vmem_shared>> -> memref<640x16xf32, #tpu.memory_space<vmem_shared>>
      %dma_start3A_16 = arith.constant 0 : i32
      %dma_start3A_17 = tpu.memref_slice %arg4[%mul3A_2, %dma_start3A_16] : memref<10240x16xf32, #tpu.memory_space<hbm>> -> memref<640x16xf32, #tpu.memory_space<hbm>>
      tpu.enqueue_dma source(%dma_start3A_17 : memref<640x16xf32, #tpu.memory_space<hbm>>) target(%dma_start3A_15 : memref<640x16xf32, #tpu.memory_space<vmem_shared>>) target_semaphore(%run_scoped3A : memref<!tpu.dma_semaphore, #tpu.memory_space<semaphore_mem>>)
      %dma_wait3A = arith.constant 0 : i32
      %dma_wait3A_18 = tpu.memref_slice %arg9[%mul3A_2, %dma_wait3A] : memref<10240x16xf32, #tpu.memory_space<vmem_shared>> -> memref<640x16xf32, #tpu.memory_space<vmem_shared>>
      %dma_wait3A_19 = arith.constant 0 : i32
      %dma_wait3A_20 = tpu.memref_slice %arg4[%mul3A_2, %dma_wait3A_19] : memref<10240x16xf32, #tpu.memory_space<hbm>> -> memref<640x16xf32, #tpu.memory_space<hbm>>
      tpu.wait_dma2 semaphore(%run_scoped3A : memref<!tpu.dma_semaphore, #tpu.memory_space<semaphore_mem>>) src(%dma_wait3A_20 : memref<640x16xf32, #tpu.memory_space<hbm>>) dst(%dma_wait3A_18 : memref<640x16xf32, #tpu.memory_space<vmem_shared>>)
      tpu.yield
    }) : () -> ()
    "tpu.region"() ({
      %run_scoped3A = tpu.sem_alloc : memref<!tpu.dma_semaphore, #tpu.memory_space<semaphore_mem>>
      tpu.enqueue_dma source(%arg3 : memref<400x16xf32, #tpu.memory_space<hbm>>) target(%arg8 : memref<400x16xf32, #tpu.memory_space<vmem>>) target_semaphore(%run_scoped3A : memref<!tpu.dma_semaphore, #tpu.memory_space<semaphore_mem>>)
      tpu.wait_dma2 semaphore(%run_scoped3A : memref<!tpu.dma_semaphore, #tpu.memory_space<semaphore_mem>>) src(%arg3 : memref<400x16xf32, #tpu.memory_space<hbm>>) dst(%arg8 : memref<400x16xf32, #tpu.memory_space<vmem>>)
      tpu.yield
    }) : () -> ()
    %barrier3A = arith.constant 0 : index
    tpu.barrier barrier_id(%barrier3A)
    %mul3A_3 = arith.constant 10000 : i32
    %mul3A_4 = arith.muli %add3A, %mul3A_3 : i32
    %add3A_5 = arith.constant 0 : i32
    %add3A_6 = arith.addi %mul3A_4, %add3A_5 : i32
    %multiple_of3A = tpu.assume_multiple %add3A_6, 8 : i32
    %dma_start3A = tpu.memref_slice %arg2[%multiple_of3A] : memref<320000xi32, #tpu.memory_space<hbm>> -> memref<400xi32, #tpu.memory_space<hbm>>
    %dma_start3A_7 = tpu.memref_slice %arg2[%multiple_of3A] : memref<320000xi32, #tpu.memory_space<hbm>> -> memref<400xi32, #tpu.memory_space<hbm>>
    tpu.enqueue_dma source(%dma_start3A_7 : memref<400xi32, #tpu.memory_space<hbm>>) target(%arg6 : memref<400xi32, #tpu.memory_space<vmem>>) target_semaphore(%arg10 : memref<!tpu.dma_semaphore, #tpu.memory_space<semaphore_mem>>)
    %scan3A = arith.constant 0 : i32
    %scan3A_8 = arith.constant 0 : i32
    %scan3A_9 = arith.constant 25 : i32
    %scan3A_10 = arith.addi %scan3A_8, %scan3A_9 : i32
    %scan3A_11 = arith.constant 1 : i32
    scf.for %scan3A_14 = %scan3A_8 to %scan3A_10 step %scan3A_11  : i32 {
      %jit3A = arith.constant 2 : i32
      %eq3A = arith.constant 0 : i32
      %eq3A_15 = arith.cmpi eq, %jit3A, %eq3A : i32
      %jit3A_16 = arith.constant 1 : i32
      %select_n3A = arith.select %eq3A_15, %jit3A_16, %jit3A : i32
      %rem3A = arith.remsi %scan3A_14, %select_n3A : i32
      %ne3A = arith.constant 0 : i32
      %ne3A_17 = arith.cmpi ne, %rem3A, %ne3A : i32
      %lt3A = arith.constant 0 : i32
      %lt3A_18 = arith.cmpi slt, %rem3A, %lt3A : i32
      %lt3A_19 = arith.constant 0 : i32
      %lt3A_20 = arith.cmpi slt, %select_n3A, %lt3A_19 : i32
      %ne3A_21 = arith.xori %lt3A_18, %lt3A_20 : i1
      %and3A = arith.andi %ne3A_21, %ne3A_17 : i1
      %add3A_22 = arith.addi %rem3A, %select_n3A : i32
      %select_n3A_23 = arith.select %and3A, %add3A_22, %rem3A : i32
      %eq3A_24 = arith.constant 0 : i32
      %eq3A_25 = arith.cmpi eq, %select_n3A_23, %eq3A_24 : i32
      %convert_element_type3A = arith.extui %eq3A_25 : i1 to i32
      %cond3A = arith.constant 0 : i32
      %cond3A_26 = arith.cmpi ne, %convert_element_type3A, %cond3A : i32
      scf.if %cond3A_26 {
        %mul3A_48 = arith.constant 10000 : i32
        %mul3A_49 = arith.muli %add3A, %mul3A_48 : i32
        %mul3A_50 = arith.constant 400 : i32
        %mul3A_51 = arith.muli %scan3A_14, %mul3A_50 : i32
        %add3A_52 = arith.addi %mul3A_49, %mul3A_51 : i32
        %multiple_of3A_53 = tpu.assume_multiple %add3A_52, 8 : i32
        %dma_wait3A = tpu.memref_slice %arg2[%multiple_of3A_53] : memref<320000xi32, #tpu.memory_space<hbm>> -> memref<400xi32, #tpu.memory_space<hbm>>
        %dma_wait3A_54 = tpu.memref_slice %arg2[%multiple_of3A_53] : memref<320000xi32, #tpu.memory_space<hbm>> -> memref<400xi32, #tpu.memory_space<hbm>>
        tpu.wait_dma2 semaphore(%arg10 : memref<!tpu.dma_semaphore, #tpu.memory_space<semaphore_mem>>) src(%dma_wait3A_54 : memref<400xi32, #tpu.memory_space<hbm>>) dst(%arg6 : memref<400xi32, #tpu.memory_space<vmem>>)
        %add3A_55 = arith.constant 1 : i32
        %add3A_56 = arith.addi %scan3A_14, %add3A_55 : i32
        %lt3A_57 = arith.constant 25 : i32
        %lt3A_58 = arith.cmpi slt, %add3A_56, %lt3A_57 : i32
        %convert_element_type3A_59 = arith.extui %lt3A_58 : i1 to i32
        %cond3A_60 = arith.constant 0 : i32
        %cond3A_61 = arith.cmpi ne, %convert_element_type3A_59, %cond3A_60 : i32
        scf.if %cond3A_61 {
          %add3A_62 = arith.constant 1 : i32
          %add3A_63 = arith.addi %scan3A_14, %add3A_62 : i32
          %mul3A_64 = arith.constant 10000 : i32
          %mul3A_65 = arith.muli %add3A, %mul3A_64 : i32
          %mul3A_66 = arith.constant 400 : i32
          %mul3A_67 = arith.muli %add3A_63, %mul3A_66 : i32
          %add3A_68 = arith.addi %mul3A_65, %mul3A_67 : i32
          %multiple_of3A_69 = tpu.assume_multiple %add3A_68, 8 : i32
          %dma_start3A_70 = tpu.memref_slice %arg2[%multiple_of3A_69] : memref<320000xi32, #tpu.memory_space<hbm>> -> memref<400xi32, #tpu.memory_space<hbm>>
          %dma_start3A_71 = tpu.memref_slice %arg2[%multiple_of3A_69] : memref<320000xi32, #tpu.memory_space<hbm>> -> memref<400xi32, #tpu.memory_space<hbm>>
          tpu.enqueue_dma source(%dma_start3A_71 : memref<400xi32, #tpu.memory_space<hbm>>) target(%arg7 : memref<400xi32, #tpu.memory_space<vmem>>) target_semaphore(%arg10 : memref<!tpu.dma_semaphore, #tpu.memory_space<semaphore_mem>>)
        } else {
        }
        "tpu.region"() ({
          %run_scoped3A = tpu.sem_alloc : memref<!tpu.dma_semaphore, #tpu.memory_space<semaphore_mem>>
          %dma_start3A_62 = arith.constant 0 : i32
          %dma_start3A_63 = arith.constant 0 : i32
          %dma_start3A_64 = tpu.memref_slice %arg9[%dma_start3A_62, %dma_start3A_63] : memref<10240x16xf32, #tpu.memory_space<vmem_shared>> -> memref<10240x16xf32, #tpu.memory_space<vmem_shared>>
          tpu.enqueue_indirect_dma source(%arg8 : memref<400x16xf32, #tpu.memory_space<vmem>>) target(%dma_start3A_64 : memref<10240x16xf32, #tpu.memory_space<vmem_shared>>) offsets(%arg6 : memref<400xi32, #tpu.memory_space<vmem>>) semaphore(%run_scoped3A : memref<!tpu.dma_semaphore, #tpu.memory_space<semaphore_mem>>) {add = true}
          %dma_wait3A_65 = arith.constant 0 : i32
          %dma_wait3A_66 = arith.constant 0 : i32
          %dma_wait3A_67 = tpu.memref_slice %arg9[%dma_wait3A_65, %dma_wait3A_66] : memref<10240x16xf32, #tpu.memory_space<vmem_shared>> -> memref<10240x16xf32, #tpu.memory_space<vmem_shared>>
          tpu.wait_indirect_dma semaphore(%run_scoped3A : memref<!tpu.dma_semaphore, #tpu.memory_space<semaphore_mem>>) src(%arg8 : memref<400x16xf32, #tpu.memory_space<vmem>>) dst(%dma_wait3A_67 : memref<10240x16xf32, #tpu.memory_space<vmem_shared>>)
          tpu.yield
        }) : () -> ()
      } else {
      }
      %jit3A_27 = arith.constant 2 : i32
      %eq3A_28 = arith.constant 0 : i32
      %eq3A_29 = arith.cmpi eq, %jit3A_27, %eq3A_28 : i32
      %jit3A_30 = arith.constant 1 : i32
      %select_n3A_31 = arith.select %eq3A_29, %jit3A_30, %jit3A_27 : i32
      %rem3A_32 = arith.remsi %scan3A_14, %select_n3A_31 : i32
      %ne3A_33 = arith.constant 0 : i32
      %ne3A_34 = arith.cmpi ne, %rem3A_32, %ne3A_33 : i32
      %lt3A_35 = arith.constant 0 : i32
      %lt3A_36 = arith.cmpi slt, %rem3A_32, %lt3A_35 : i32
      %lt3A_37 = arith.constant 0 : i32
      %lt3A_38 = arith.cmpi slt, %select_n3A_31, %lt3A_37 : i32
      %ne3A_39 = arith.xori %lt3A_36, %lt3A_38 : i1
      %and3A_40 = arith.andi %ne3A_39, %ne3A_34 : i1
      %add3A_41 = arith.addi %rem3A_32, %select_n3A_31 : i32
      %select_n3A_42 = arith.select %and3A_40, %add3A_41, %rem3A_32 : i32
      %eq3A_43 = arith.constant 1 : i32
      %eq3A_44 = arith.cmpi eq, %select_n3A_42, %eq3A_43 : i32
      %convert_element_type3A_45 = arith.extui %eq3A_44 : i1 to i32
      %cond3A_46 = arith.constant 0 : i32
      %cond3A_47 = arith.cmpi ne, %convert_element_type3A_45, %cond3A_46 : i32
      scf.if %cond3A_47 {
        %mul3A_48 = arith.constant 10000 : i32
        %mul3A_49 = arith.muli %add3A, %mul3A_48 : i32
        %mul3A_50 = arith.constant 400 : i32
        %mul3A_51 = arith.muli %scan3A_14, %mul3A_50 : i32
        %add3A_52 = arith.addi %mul3A_49, %mul3A_51 : i32
        %multiple_of3A_53 = tpu.assume_multiple %add3A_52, 8 : i32
        %dma_wait3A = tpu.memref_slice %arg2[%multiple_of3A_53] : memref<320000xi32, #tpu.memory_space<hbm>> -> memref<400xi32, #tpu.memory_space<hbm>>
        %dma_wait3A_54 = tpu.memref_slice %arg2[%multiple_of3A_53] : memref<320000xi32, #tpu.memory_space<hbm>> -> memref<400xi32, #tpu.memory_space<hbm>>
        tpu.wait_dma2 semaphore(%arg10 : memref<!tpu.dma_semaphore, #tpu.memory_space<semaphore_mem>>) src(%dma_wait3A_54 : memref<400xi32, #tpu.memory_space<hbm>>) dst(%arg7 : memref<400xi32, #tpu.memory_space<vmem>>)
        %add3A_55 = arith.constant 1 : i32
        %add3A_56 = arith.addi %scan3A_14, %add3A_55 : i32
        %lt3A_57 = arith.constant 25 : i32
        %lt3A_58 = arith.cmpi slt, %add3A_56, %lt3A_57 : i32
        %convert_element_type3A_59 = arith.extui %lt3A_58 : i1 to i32
        %cond3A_60 = arith.constant 0 : i32
        %cond3A_61 = arith.cmpi ne, %convert_element_type3A_59, %cond3A_60 : i32
        scf.if %cond3A_61 {
          %add3A_62 = arith.constant 1 : i32
          %add3A_63 = arith.addi %scan3A_14, %add3A_62 : i32
          %mul3A_64 = arith.constant 10000 : i32
          %mul3A_65 = arith.muli %add3A, %mul3A_64 : i32
          %mul3A_66 = arith.constant 400 : i32
          %mul3A_67 = arith.muli %add3A_63, %mul3A_66 : i32
          %add3A_68 = arith.addi %mul3A_65, %mul3A_67 : i32
          %multiple_of3A_69 = tpu.assume_multiple %add3A_68, 8 : i32
          %dma_start3A_70 = tpu.memref_slice %arg2[%multiple_of3A_69] : memref<320000xi32, #tpu.memory_space<hbm>> -> memref<400xi32, #tpu.memory_space<hbm>>
          %dma_start3A_71 = tpu.memref_slice %arg2[%multiple_of3A_69] : memref<320000xi32, #tpu.memory_space<hbm>> -> memref<400xi32, #tpu.memory_space<hbm>>
          tpu.enqueue_dma source(%dma_start3A_71 : memref<400xi32, #tpu.memory_space<hbm>>) target(%arg6 : memref<400xi32, #tpu.memory_space<vmem>>) target_semaphore(%arg10 : memref<!tpu.dma_semaphore, #tpu.memory_space<semaphore_mem>>)
        } else {
        }
        "tpu.region"() ({
          %run_scoped3A = tpu.sem_alloc : memref<!tpu.dma_semaphore, #tpu.memory_space<semaphore_mem>>
          %dma_start3A_62 = arith.constant 0 : i32
          %dma_start3A_63 = arith.constant 0 : i32
          %dma_start3A_64 = tpu.memref_slice %arg9[%dma_start3A_62, %dma_start3A_63] : memref<10240x16xf32, #tpu.memory_space<vmem_shared>> -> memref<10240x16xf32, #tpu.memory_space<vmem_shared>>
          tpu.enqueue_indirect_dma source(%arg8 : memref<400x16xf32, #tpu.memory_space<vmem>>) target(%dma_start3A_64 : memref<10240x16xf32, #tpu.memory_space<vmem_shared>>) offsets(%arg7 : memref<400xi32, #tpu.memory_space<vmem>>) semaphore(%run_scoped3A : memref<!tpu.dma_semaphore, #tpu.memory_space<semaphore_mem>>) {add = true}
          %dma_wait3A_65 = arith.constant 0 : i32
          %dma_wait3A_66 = arith.constant 0 : i32
          %dma_wait3A_67 = tpu.memref_slice %arg9[%dma_wait3A_65, %dma_wait3A_66] : memref<10240x16xf32, #tpu.memory_space<vmem_shared>> -> memref<10240x16xf32, #tpu.memory_space<vmem_shared>>
          tpu.wait_indirect_dma semaphore(%run_scoped3A : memref<!tpu.dma_semaphore, #tpu.memory_space<semaphore_mem>>) src(%arg8 : memref<400x16xf32, #tpu.memory_space<vmem>>) dst(%dma_wait3A_67 : memref<10240x16xf32, #tpu.memory_space<vmem_shared>>)
          tpu.yield
        }) : () -> ()
      } else {
      }
    }
    %scan3A_12 = arith.constant 25 : i32
    %barrier3A_13 = arith.constant 0 : index
    tpu.barrier barrier_id(%barrier3A_13)
    "tpu.region"() ({
      %run_scoped3A = tpu.sem_alloc : memref<!tpu.dma_semaphore, #tpu.memory_space<semaphore_mem>>
      %dma_start3A_14 = arith.constant 0 : i32
      %dma_start3A_15 = tpu.memref_slice %arg5[%arg0, %mul3A_2, %dma_start3A_14] : memref<2x10240x16xf32, #tpu.memory_space<hbm>> -> memref<1x640x16xf32, #tpu.memory_space<hbm>>
      %dma_start3A_16 = tpu.memref_squeeze %dma_start3A_15 : memref<1x640x16xf32, #tpu.memory_space<hbm>> -> memref<640x16xf32, #tpu.memory_space<hbm>>
      %dma_start3A_17 = arith.constant 0 : i32
      %dma_start3A_18 = tpu.memref_slice %arg9[%mul3A_2, %dma_start3A_17] : memref<10240x16xf32, #tpu.memory_space<vmem_shared>> -> memref<640x16xf32, #tpu.memory_space<vmem_shared>>
      tpu.enqueue_dma source(%dma_start3A_18 : memref<640x16xf32, #tpu.memory_space<vmem_shared>>) target(%dma_start3A_16 : memref<640x16xf32, #tpu.memory_space<hbm>>) target_semaphore(%run_scoped3A : memref<!tpu.dma_semaphore, #tpu.memory_space<semaphore_mem>>)
      %dma_wait3A = arith.constant 0 : i32
      %dma_wait3A_19 = tpu.memref_slice %arg5[%arg0, %mul3A_2, %dma_wait3A] : memref<2x10240x16xf32, #tpu.memory_space<hbm>> -> memref<1x640x16xf32, #tpu.memory_space<hbm>>
      %dma_wait3A_20 = tpu.memref_squeeze %dma_wait3A_19 : memref<1x640x16xf32, #tpu.memory_space<hbm>> -> memref<640x16xf32, #tpu.memory_space<hbm>>
      %dma_wait3A_21 = arith.constant 0 : i32
      %dma_wait3A_22 = tpu.memref_slice %arg9[%mul3A_2, %dma_wait3A_21] : memref<10240x16xf32, #tpu.memory_space<vmem_shared>> -> memref<640x16xf32, #tpu.memory_space<vmem_shared>>
      tpu.wait_dma2 semaphore(%run_scoped3A : memref<!tpu.dma_semaphore, #tpu.memory_space<semaphore_mem>>) src(%dma_wait3A_22 : memref<640x16xf32, #tpu.memory_space<vmem_shared>>) dst(%dma_wait3A_20 : memref<640x16xf32, #tpu.memory_space<hbm>>)
      tpu.yield
    }) : () -> ()
    return
  }
}

#map = affine_map<(d0, d1) -> (0, 0)>
#map1 = affine_map<(d0, d1) -> (0)>
#map2 = affine_map<(d0, d1) -> (0, 0, 0)>
module attributes {stable_mosaic.version = 14 : i64} {
  func.func @k(%arg0: i32, %arg1: i32, %arg2: memref<10000x64xf32, #tpu.memory_space<hbm>>, %arg3: memref<320000xi32, #tpu.memory_space<hbm>>, %arg4: memref<320000xi32, #tpu.memory_space<hbm>>, %arg5: memref<10240x64xf32, #tpu.memory_space<hbm>>, %arg6: memref<2x10240x64xf32, #tpu.memory_space<hbm>>, %arg7: memref<400xi32, #tpu.memory_space<vmem>>, %arg8: memref<400xi32, #tpu.memory_space<vmem>>, %arg9: memref<400xi32, #tpu.memory_space<vmem>>, %arg10: memref<400xi32, #tpu.memory_space<vmem>>, %arg11: memref<400x64xf32, #tpu.memory_space<vmem>>, %arg12: memref<400x64xf32, #tpu.memory_space<vmem>>, %arg13: memref<10240x64xf32, #tpu.memory_space<vmem_shared>>, %arg14: memref<!tpu.dma_semaphore, #tpu.memory_space<semaphore_mem>>, %arg15: memref<!tpu.dma_semaphore, #tpu.memory_space<semaphore_mem>>) attributes {dimension_semantics = [#tpu.dimension_semantics<core_parallel>, #tpu.dimension_semantics<subcore_parallel>], iteration_bounds = array<i64: 2, 16>, scalar_prefetch = 0 : i64, scratch_operands = 9 : i64, tpu.core_type = #tpu.core_type<sc_vector_subcore>, window_params = [{transform_indices = #map}, {transform_indices = #map1}, {transform_indices = #map1}, {transform_indices = #map}, {transform_indices = #map2}]} {
    %mul3A = arith.constant 16 : i32
    %mul3A_0 = arith.muli %arg0, %mul3A : i32
    %add3A = arith.addi %mul3A_0, %arg1 : i32
    %mul3A_1 = arith.constant 640 : i32
    %mul3A_2 = arith.muli %arg1, %mul3A_1 : i32
    "tpu.region"() ({
      %run_scoped3A = tpu.sem_alloc : memref<!tpu.dma_semaphore, #tpu.memory_space<semaphore_mem>>
      %dma_start3A_17 = arith.constant 0 : i32
      %dma_start3A_18 = tpu.memref_slice %arg13[%mul3A_2, %dma_start3A_17] : memref<10240x64xf32, #tpu.memory_space<vmem_shared>> -> memref<640x64xf32, #tpu.memory_space<vmem_shared>>
      %dma_start3A_19 = arith.constant 0 : i32
      %dma_start3A_20 = tpu.memref_slice %arg5[%mul3A_2, %dma_start3A_19] : memref<10240x64xf32, #tpu.memory_space<hbm>> -> memref<640x64xf32, #tpu.memory_space<hbm>>
      tpu.enqueue_dma source(%dma_start3A_20 : memref<640x64xf32, #tpu.memory_space<hbm>>) target(%dma_start3A_18 : memref<640x64xf32, #tpu.memory_space<vmem_shared>>) target_semaphore(%run_scoped3A : memref<!tpu.dma_semaphore, #tpu.memory_space<semaphore_mem>>)
      %dma_wait3A_21 = arith.constant 0 : i32
      %dma_wait3A_22 = tpu.memref_slice %arg13[%mul3A_2, %dma_wait3A_21] : memref<10240x64xf32, #tpu.memory_space<vmem_shared>> -> memref<640x64xf32, #tpu.memory_space<vmem_shared>>
      %dma_wait3A_23 = arith.constant 0 : i32
      %dma_wait3A_24 = tpu.memref_slice %arg5[%mul3A_2, %dma_wait3A_23] : memref<10240x64xf32, #tpu.memory_space<hbm>> -> memref<640x64xf32, #tpu.memory_space<hbm>>
      tpu.wait_dma2 semaphore(%run_scoped3A : memref<!tpu.dma_semaphore, #tpu.memory_space<semaphore_mem>>) src(%dma_wait3A_24 : memref<640x64xf32, #tpu.memory_space<hbm>>) dst(%dma_wait3A_22 : memref<640x64xf32, #tpu.memory_space<vmem_shared>>)
      tpu.yield
    }) : () -> ()
    %barrier3A = arith.constant 0 : index
    tpu.barrier barrier_id(%barrier3A)
    %mul3A_3 = arith.constant 10000 : i32
    %mul3A_4 = arith.muli %add3A, %mul3A_3 : i32
    %add3A_5 = arith.constant 0 : i32
    %add3A_6 = arith.addi %mul3A_4, %add3A_5 : i32
    %multiple_of3A = tpu.assume_multiple %add3A_6, 8 : i32
    "tpu.region"() ({
      %run_scoped3A = tpu.sem_alloc : memref<!tpu.dma_semaphore, #tpu.memory_space<semaphore_mem>>
      %dma_start3A_17 = tpu.memref_slice %arg3[%multiple_of3A] : memref<320000xi32, #tpu.memory_space<hbm>> -> memref<400xi32, #tpu.memory_space<hbm>>
      %dma_start3A_18 = tpu.memref_slice %arg3[%multiple_of3A] : memref<320000xi32, #tpu.memory_space<hbm>> -> memref<400xi32, #tpu.memory_space<hbm>>
      tpu.enqueue_dma source(%dma_start3A_18 : memref<400xi32, #tpu.memory_space<hbm>>) target(%arg7 : memref<400xi32, #tpu.memory_space<vmem>>) target_semaphore(%run_scoped3A : memref<!tpu.dma_semaphore, #tpu.memory_space<semaphore_mem>>)
      %dma_wait3A_19 = tpu.memref_slice %arg3[%multiple_of3A] : memref<320000xi32, #tpu.memory_space<hbm>> -> memref<400xi32, #tpu.memory_space<hbm>>
      %dma_wait3A_20 = tpu.memref_slice %arg3[%multiple_of3A] : memref<320000xi32, #tpu.memory_space<hbm>> -> memref<400xi32, #tpu.memory_space<hbm>>
      tpu.wait_dma2 semaphore(%run_scoped3A : memref<!tpu.dma_semaphore, #tpu.memory_space<semaphore_mem>>) src(%dma_wait3A_20 : memref<400xi32, #tpu.memory_space<hbm>>) dst(%arg7 : memref<400xi32, #tpu.memory_space<vmem>>)
      tpu.yield
    }) : () -> ()
    %dma_start3A = arith.constant 0 : i32
    %dma_start3A_7 = arith.constant 0 : i32
    %dma_start3A_8 = tpu.memref_slice %arg2[%dma_start3A, %dma_start3A_7] : memref<10000x64xf32, #tpu.memory_space<hbm>> -> memref<10000x64xf32, #tpu.memory_space<hbm>>
    tpu.enqueue_indirect_dma source(%dma_start3A_8 : memref<10000x64xf32, #tpu.memory_space<hbm>>) target(%arg11 : memref<400x64xf32, #tpu.memory_space<vmem>>) offsets(%arg7 : memref<400xi32, #tpu.memory_space<vmem>>) semaphore(%arg14 : memref<!tpu.dma_semaphore, #tpu.memory_space<semaphore_mem>>)
    %scan3A = arith.constant 0 : i32
    %scan3A_9 = arith.constant 0 : i32
    %scan3A_10 = arith.constant 25 : i32
    %scan3A_11 = arith.addi %scan3A_9, %scan3A_10 : i32
    %scan3A_12 = arith.constant 1 : i32
    scf.for %scan3A_17 = %scan3A_9 to %scan3A_11 step %scan3A_12  : i32 {
      %jit3A = arith.constant 2 : i32
      %eq3A = arith.constant 0 : i32
      %eq3A_18 = arith.cmpi eq, %jit3A, %eq3A : i32
      %jit3A_19 = arith.constant 1 : i32
      %select_n3A = arith.select %eq3A_18, %jit3A_19, %jit3A : i32
      %rem3A = arith.remsi %scan3A_17, %select_n3A : i32
      %ne3A = arith.constant 0 : i32
      %ne3A_20 = arith.cmpi ne, %rem3A, %ne3A : i32
      %lt3A = arith.constant 0 : i32
      %lt3A_21 = arith.cmpi slt, %rem3A, %lt3A : i32
      %lt3A_22 = arith.constant 0 : i32
      %lt3A_23 = arith.cmpi slt, %select_n3A, %lt3A_22 : i32
      %ne3A_24 = arith.xori %lt3A_21, %lt3A_23 : i1
      %and3A = arith.andi %ne3A_24, %ne3A_20 : i1
      %add3A_25 = arith.addi %rem3A, %select_n3A : i32
      %select_n3A_26 = arith.select %and3A, %add3A_25, %rem3A : i32
      %eq3A_27 = arith.constant 0 : i32
      %eq3A_28 = arith.cmpi eq, %select_n3A_26, %eq3A_27 : i32
      %convert_element_type3A = arith.extui %eq3A_28 : i1 to i32
      %cond3A = arith.constant 0 : i32
      %cond3A_29 = arith.cmpi ne, %convert_element_type3A, %cond3A : i32
      scf.if %cond3A_29 {
        %ge3A = arith.constant 1 : i32
        %ge3A_51 = arith.cmpi sge, %scan3A_17, %ge3A : i32
        %convert_element_type3A_52 = arith.extui %ge3A_51 : i1 to i32
        %cond3A_53 = arith.constant 0 : i32
        %cond3A_54 = arith.cmpi ne, %convert_element_type3A_52, %cond3A_53 : i32
        scf.if %cond3A_54 {
          %dma_wait3A_74 = arith.constant 0 : i32
          %dma_wait3A_75 = arith.constant 0 : i32
          %dma_wait3A_76 = tpu.memref_slice %arg13[%dma_wait3A_74, %dma_wait3A_75] : memref<10240x64xf32, #tpu.memory_space<vmem_shared>> -> memref<10240x64xf32, #tpu.memory_space<vmem_shared>>
          tpu.wait_indirect_dma semaphore(%arg15 : memref<!tpu.dma_semaphore, #tpu.memory_space<semaphore_mem>>) src(%arg12 : memref<400x64xf32, #tpu.memory_space<vmem>>) dst(%dma_wait3A_76 : memref<10240x64xf32, #tpu.memory_space<vmem_shared>>)
        } else {
        }
        %add3A_55 = arith.constant 1 : i32
        %add3A_56 = arith.addi %scan3A_17, %add3A_55 : i32
        %lt3A_57 = arith.constant 25 : i32
        %lt3A_58 = arith.cmpi slt, %add3A_56, %lt3A_57 : i32
        %convert_element_type3A_59 = arith.extui %lt3A_58 : i1 to i32
        %cond3A_60 = arith.constant 0 : i32
        %cond3A_61 = arith.cmpi ne, %convert_element_type3A_59, %cond3A_60 : i32
        scf.if %cond3A_61 {
          %add3A_74 = arith.constant 1 : i32
          %add3A_75 = arith.addi %scan3A_17, %add3A_74 : i32
          %mul3A_76 = arith.constant 10000 : i32
          %mul3A_77 = arith.muli %add3A, %mul3A_76 : i32
          %mul3A_78 = arith.constant 400 : i32
          %mul3A_79 = arith.muli %add3A_75, %mul3A_78 : i32
          %add3A_80 = arith.addi %mul3A_77, %mul3A_79 : i32
          %multiple_of3A_81 = tpu.assume_multiple %add3A_80, 8 : i32
          "tpu.region"() ({
            %run_scoped3A = tpu.sem_alloc : memref<!tpu.dma_semaphore, #tpu.memory_space<semaphore_mem>>
            %dma_start3A_85 = tpu.memref_slice %arg3[%multiple_of3A_81] : memref<320000xi32, #tpu.memory_space<hbm>> -> memref<400xi32, #tpu.memory_space<hbm>>
            %dma_start3A_86 = tpu.memref_slice %arg3[%multiple_of3A_81] : memref<320000xi32, #tpu.memory_space<hbm>> -> memref<400xi32, #tpu.memory_space<hbm>>
            tpu.enqueue_dma source(%dma_start3A_86 : memref<400xi32, #tpu.memory_space<hbm>>) target(%arg8 : memref<400xi32, #tpu.memory_space<vmem>>) target_semaphore(%run_scoped3A : memref<!tpu.dma_semaphore, #tpu.memory_space<semaphore_mem>>)
            %dma_wait3A_87 = tpu.memref_slice %arg3[%multiple_of3A_81] : memref<320000xi32, #tpu.memory_space<hbm>> -> memref<400xi32, #tpu.memory_space<hbm>>
            %dma_wait3A_88 = tpu.memref_slice %arg3[%multiple_of3A_81] : memref<320000xi32, #tpu.memory_space<hbm>> -> memref<400xi32, #tpu.memory_space<hbm>>
            tpu.wait_dma2 semaphore(%run_scoped3A : memref<!tpu.dma_semaphore, #tpu.memory_space<semaphore_mem>>) src(%dma_wait3A_88 : memref<400xi32, #tpu.memory_space<hbm>>) dst(%arg8 : memref<400xi32, #tpu.memory_space<vmem>>)
            tpu.yield
          }) : () -> ()
          %dma_start3A_82 = arith.constant 0 : i32
          %dma_start3A_83 = arith.constant 0 : i32
          %dma_start3A_84 = tpu.memref_slice %arg2[%dma_start3A_82, %dma_start3A_83] : memref<10000x64xf32, #tpu.memory_space<hbm>> -> memref<10000x64xf32, #tpu.memory_space<hbm>>
          tpu.enqueue_indirect_dma source(%dma_start3A_84 : memref<10000x64xf32, #tpu.memory_space<hbm>>) target(%arg12 : memref<400x64xf32, #tpu.memory_space<vmem>>) offsets(%arg8 : memref<400xi32, #tpu.memory_space<vmem>>) semaphore(%arg14 : memref<!tpu.dma_semaphore, #tpu.memory_space<semaphore_mem>>)
        } else {
        }
        %dma_wait3A_62 = arith.constant 0 : i32
        %dma_wait3A_63 = arith.constant 0 : i32
        %dma_wait3A_64 = tpu.memref_slice %arg2[%dma_wait3A_62, %dma_wait3A_63] : memref<10000x64xf32, #tpu.memory_space<hbm>> -> memref<10000x64xf32, #tpu.memory_space<hbm>>
        tpu.wait_indirect_dma semaphore(%arg14 : memref<!tpu.dma_semaphore, #tpu.memory_space<semaphore_mem>>) src(%dma_wait3A_64 : memref<10000x64xf32, #tpu.memory_space<hbm>>) dst(%arg11 : memref<400x64xf32, #tpu.memory_space<vmem>>)
        %mul3A_65 = arith.constant 10000 : i32
        %mul3A_66 = arith.muli %add3A, %mul3A_65 : i32
        %mul3A_67 = arith.constant 400 : i32
        %mul3A_68 = arith.muli %scan3A_17, %mul3A_67 : i32
        %add3A_69 = arith.addi %mul3A_66, %mul3A_68 : i32
        %multiple_of3A_70 = tpu.assume_multiple %add3A_69, 8 : i32
        "tpu.region"() ({
          %run_scoped3A = tpu.sem_alloc : memref<!tpu.dma_semaphore, #tpu.memory_space<semaphore_mem>>
          %dma_start3A_74 = tpu.memref_slice %arg4[%multiple_of3A_70] : memref<320000xi32, #tpu.memory_space<hbm>> -> memref<400xi32, #tpu.memory_space<hbm>>
          %dma_start3A_75 = tpu.memref_slice %arg4[%multiple_of3A_70] : memref<320000xi32, #tpu.memory_space<hbm>> -> memref<400xi32, #tpu.memory_space<hbm>>
          tpu.enqueue_dma source(%dma_start3A_75 : memref<400xi32, #tpu.memory_space<hbm>>) target(%arg9 : memref<400xi32, #tpu.memory_space<vmem>>) target_semaphore(%run_scoped3A : memref<!tpu.dma_semaphore, #tpu.memory_space<semaphore_mem>>)
          %dma_wait3A_76 = tpu.memref_slice %arg4[%multiple_of3A_70] : memref<320000xi32, #tpu.memory_space<hbm>> -> memref<400xi32, #tpu.memory_space<hbm>>
          %dma_wait3A_77 = tpu.memref_slice %arg4[%multiple_of3A_70] : memref<320000xi32, #tpu.memory_space<hbm>> -> memref<400xi32, #tpu.memory_space<hbm>>
          tpu.wait_dma2 semaphore(%run_scoped3A : memref<!tpu.dma_semaphore, #tpu.memory_space<semaphore_mem>>) src(%dma_wait3A_77 : memref<400xi32, #tpu.memory_space<hbm>>) dst(%arg9 : memref<400xi32, #tpu.memory_space<vmem>>)
          tpu.yield
        }) : () -> ()
        %dma_start3A_71 = arith.constant 0 : i32
        %dma_start3A_72 = arith.constant 0 : i32
        %dma_start3A_73 = tpu.memref_slice %arg13[%dma_start3A_71, %dma_start3A_72] : memref<10240x64xf32, #tpu.memory_space<vmem_shared>> -> memref<10240x64xf32, #tpu.memory_space<vmem_shared>>
        tpu.enqueue_indirect_dma source(%arg11 : memref<400x64xf32, #tpu.memory_space<vmem>>) target(%dma_start3A_73 : memref<10240x64xf32, #tpu.memory_space<vmem_shared>>) offsets(%arg9 : memref<400xi32, #tpu.memory_space<vmem>>) semaphore(%arg15 : memref<!tpu.dma_semaphore, #tpu.memory_space<semaphore_mem>>) {add = true}
      } else {
      }
      %jit3A_30 = arith.constant 2 : i32
      %eq3A_31 = arith.constant 0 : i32
      %eq3A_32 = arith.cmpi eq, %jit3A_30, %eq3A_31 : i32
      %jit3A_33 = arith.constant 1 : i32
      %select_n3A_34 = arith.select %eq3A_32, %jit3A_33, %jit3A_30 : i32
      %rem3A_35 = arith.remsi %scan3A_17, %select_n3A_34 : i32
      %ne3A_36 = arith.constant 0 : i32
      %ne3A_37 = arith.cmpi ne, %rem3A_35, %ne3A_36 : i32
      %lt3A_38 = arith.constant 0 : i32
      %lt3A_39 = arith.cmpi slt, %rem3A_35, %lt3A_38 : i32
      %lt3A_40 = arith.constant 0 : i32
      %lt3A_41 = arith.cmpi slt, %select_n3A_34, %lt3A_40 : i32
      %ne3A_42 = arith.xori %lt3A_39, %lt3A_41 : i1
      %and3A_43 = arith.andi %ne3A_42, %ne3A_37 : i1
      %add3A_44 = arith.addi %rem3A_35, %select_n3A_34 : i32
      %select_n3A_45 = arith.select %and3A_43, %add3A_44, %rem3A_35 : i32
      %eq3A_46 = arith.constant 1 : i32
      %eq3A_47 = arith.cmpi eq, %select_n3A_45, %eq3A_46 : i32
      %convert_element_type3A_48 = arith.extui %eq3A_47 : i1 to i32
      %cond3A_49 = arith.constant 0 : i32
      %cond3A_50 = arith.cmpi ne, %convert_element_type3A_48, %cond3A_49 : i32
      scf.if %cond3A_50 {
        %ge3A = arith.constant 1 : i32
        %ge3A_51 = arith.cmpi sge, %scan3A_17, %ge3A : i32
        %convert_element_type3A_52 = arith.extui %ge3A_51 : i1 to i32
        %cond3A_53 = arith.constant 0 : i32
        %cond3A_54 = arith.cmpi ne, %convert_element_type3A_52, %cond3A_53 : i32
        scf.if %cond3A_54 {
          %dma_wait3A_74 = arith.constant 0 : i32
          %dma_wait3A_75 = arith.constant 0 : i32
          %dma_wait3A_76 = tpu.memref_slice %arg13[%dma_wait3A_74, %dma_wait3A_75] : memref<10240x64xf32, #tpu.memory_space<vmem_shared>> -> memref<10240x64xf32, #tpu.memory_space<vmem_shared>>
          tpu.wait_indirect_dma semaphore(%arg15 : memref<!tpu.dma_semaphore, #tpu.memory_space<semaphore_mem>>) src(%arg11 : memref<400x64xf32, #tpu.memory_space<vmem>>) dst(%dma_wait3A_76 : memref<10240x64xf32, #tpu.memory_space<vmem_shared>>)
        } else {
        }
        %add3A_55 = arith.constant 1 : i32
        %add3A_56 = arith.addi %scan3A_17, %add3A_55 : i32
        %lt3A_57 = arith.constant 25 : i32
        %lt3A_58 = arith.cmpi slt, %add3A_56, %lt3A_57 : i32
        %convert_element_type3A_59 = arith.extui %lt3A_58 : i1 to i32
        %cond3A_60 = arith.constant 0 : i32
        %cond3A_61 = arith.cmpi ne, %convert_element_type3A_59, %cond3A_60 : i32
        scf.if %cond3A_61 {
          %add3A_74 = arith.constant 1 : i32
          %add3A_75 = arith.addi %scan3A_17, %add3A_74 : i32
          %mul3A_76 = arith.constant 10000 : i32
          %mul3A_77 = arith.muli %add3A, %mul3A_76 : i32
          %mul3A_78 = arith.constant 400 : i32
          %mul3A_79 = arith.muli %add3A_75, %mul3A_78 : i32
          %add3A_80 = arith.addi %mul3A_77, %mul3A_79 : i32
          %multiple_of3A_81 = tpu.assume_multiple %add3A_80, 8 : i32
          "tpu.region"() ({
            %run_scoped3A = tpu.sem_alloc : memref<!tpu.dma_semaphore, #tpu.memory_space<semaphore_mem>>
            %dma_start3A_85 = tpu.memref_slice %arg3[%multiple_of3A_81] : memref<320000xi32, #tpu.memory_space<hbm>> -> memref<400xi32, #tpu.memory_space<hbm>>
            %dma_start3A_86 = tpu.memref_slice %arg3[%multiple_of3A_81] : memref<320000xi32, #tpu.memory_space<hbm>> -> memref<400xi32, #tpu.memory_space<hbm>>
            tpu.enqueue_dma source(%dma_start3A_86 : memref<400xi32, #tpu.memory_space<hbm>>) target(%arg7 : memref<400xi32, #tpu.memory_space<vmem>>) target_semaphore(%run_scoped3A : memref<!tpu.dma_semaphore, #tpu.memory_space<semaphore_mem>>)
            %dma_wait3A_87 = tpu.memref_slice %arg3[%multiple_of3A_81] : memref<320000xi32, #tpu.memory_space<hbm>> -> memref<400xi32, #tpu.memory_space<hbm>>
            %dma_wait3A_88 = tpu.memref_slice %arg3[%multiple_of3A_81] : memref<320000xi32, #tpu.memory_space<hbm>> -> memref<400xi32, #tpu.memory_space<hbm>>
            tpu.wait_dma2 semaphore(%run_scoped3A : memref<!tpu.dma_semaphore, #tpu.memory_space<semaphore_mem>>) src(%dma_wait3A_88 : memref<400xi32, #tpu.memory_space<hbm>>) dst(%arg7 : memref<400xi32, #tpu.memory_space<vmem>>)
            tpu.yield
          }) : () -> ()
          %dma_start3A_82 = arith.constant 0 : i32
          %dma_start3A_83 = arith.constant 0 : i32
          %dma_start3A_84 = tpu.memref_slice %arg2[%dma_start3A_82, %dma_start3A_83] : memref<10000x64xf32, #tpu.memory_space<hbm>> -> memref<10000x64xf32, #tpu.memory_space<hbm>>
          tpu.enqueue_indirect_dma source(%dma_start3A_84 : memref<10000x64xf32, #tpu.memory_space<hbm>>) target(%arg11 : memref<400x64xf32, #tpu.memory_space<vmem>>) offsets(%arg7 : memref<400xi32, #tpu.memory_space<vmem>>) semaphore(%arg14 : memref<!tpu.dma_semaphore, #tpu.memory_space<semaphore_mem>>)
        } else {
        }
        %dma_wait3A_62 = arith.constant 0 : i32
        %dma_wait3A_63 = arith.constant 0 : i32
        %dma_wait3A_64 = tpu.memref_slice %arg2[%dma_wait3A_62, %dma_wait3A_63] : memref<10000x64xf32, #tpu.memory_space<hbm>> -> memref<10000x64xf32, #tpu.memory_space<hbm>>
        tpu.wait_indirect_dma semaphore(%arg14 : memref<!tpu.dma_semaphore, #tpu.memory_space<semaphore_mem>>) src(%dma_wait3A_64 : memref<10000x64xf32, #tpu.memory_space<hbm>>) dst(%arg12 : memref<400x64xf32, #tpu.memory_space<vmem>>)
        %mul3A_65 = arith.constant 10000 : i32
        %mul3A_66 = arith.muli %add3A, %mul3A_65 : i32
        %mul3A_67 = arith.constant 400 : i32
        %mul3A_68 = arith.muli %scan3A_17, %mul3A_67 : i32
        %add3A_69 = arith.addi %mul3A_66, %mul3A_68 : i32
        %multiple_of3A_70 = tpu.assume_multiple %add3A_69, 8 : i32
        "tpu.region"() ({
          %run_scoped3A = tpu.sem_alloc : memref<!tpu.dma_semaphore, #tpu.memory_space<semaphore_mem>>
          %dma_start3A_74 = tpu.memref_slice %arg4[%multiple_of3A_70] : memref<320000xi32, #tpu.memory_space<hbm>> -> memref<400xi32, #tpu.memory_space<hbm>>
          %dma_start3A_75 = tpu.memref_slice %arg4[%multiple_of3A_70] : memref<320000xi32, #tpu.memory_space<hbm>> -> memref<400xi32, #tpu.memory_space<hbm>>
          tpu.enqueue_dma source(%dma_start3A_75 : memref<400xi32, #tpu.memory_space<hbm>>) target(%arg10 : memref<400xi32, #tpu.memory_space<vmem>>) target_semaphore(%run_scoped3A : memref<!tpu.dma_semaphore, #tpu.memory_space<semaphore_mem>>)
          %dma_wait3A_76 = tpu.memref_slice %arg4[%multiple_of3A_70] : memref<320000xi32, #tpu.memory_space<hbm>> -> memref<400xi32, #tpu.memory_space<hbm>>
          %dma_wait3A_77 = tpu.memref_slice %arg4[%multiple_of3A_70] : memref<320000xi32, #tpu.memory_space<hbm>> -> memref<400xi32, #tpu.memory_space<hbm>>
          tpu.wait_dma2 semaphore(%run_scoped3A : memref<!tpu.dma_semaphore, #tpu.memory_space<semaphore_mem>>) src(%dma_wait3A_77 : memref<400xi32, #tpu.memory_space<hbm>>) dst(%arg10 : memref<400xi32, #tpu.memory_space<vmem>>)
          tpu.yield
        }) : () -> ()
        %dma_start3A_71 = arith.constant 0 : i32
        %dma_start3A_72 = arith.constant 0 : i32
        %dma_start3A_73 = tpu.memref_slice %arg13[%dma_start3A_71, %dma_start3A_72] : memref<10240x64xf32, #tpu.memory_space<vmem_shared>> -> memref<10240x64xf32, #tpu.memory_space<vmem_shared>>
        tpu.enqueue_indirect_dma source(%arg12 : memref<400x64xf32, #tpu.memory_space<vmem>>) target(%dma_start3A_73 : memref<10240x64xf32, #tpu.memory_space<vmem_shared>>) offsets(%arg10 : memref<400xi32, #tpu.memory_space<vmem>>) semaphore(%arg15 : memref<!tpu.dma_semaphore, #tpu.memory_space<semaphore_mem>>) {add = true}
      } else {
      }
    }
    %scan3A_13 = arith.constant 25 : i32
    %dma_wait3A = arith.constant 0 : i32
    %dma_wait3A_14 = arith.constant 0 : i32
    %dma_wait3A_15 = tpu.memref_slice %arg13[%dma_wait3A, %dma_wait3A_14] : memref<10240x64xf32, #tpu.memory_space<vmem_shared>> -> memref<10240x64xf32, #tpu.memory_space<vmem_shared>>
    tpu.wait_indirect_dma semaphore(%arg15 : memref<!tpu.dma_semaphore, #tpu.memory_space<semaphore_mem>>) src(%arg11 : memref<400x64xf32, #tpu.memory_space<vmem>>) dst(%dma_wait3A_15 : memref<10240x64xf32, #tpu.memory_space<vmem_shared>>)
    %barrier3A_16 = arith.constant 0 : index
    tpu.barrier barrier_id(%barrier3A_16)
    "tpu.region"() ({
      %run_scoped3A = tpu.sem_alloc : memref<!tpu.dma_semaphore, #tpu.memory_space<semaphore_mem>>
      %dma_start3A_17 = arith.constant 0 : i32
      %dma_start3A_18 = tpu.memref_slice %arg6[%arg0, %mul3A_2, %dma_start3A_17] : memref<2x10240x64xf32, #tpu.memory_space<hbm>> -> memref<1x640x64xf32, #tpu.memory_space<hbm>>
      %dma_start3A_19 = tpu.memref_squeeze %dma_start3A_18 : memref<1x640x64xf32, #tpu.memory_space<hbm>> -> memref<640x64xf32, #tpu.memory_space<hbm>>
      %dma_start3A_20 = arith.constant 0 : i32
      %dma_start3A_21 = tpu.memref_slice %arg13[%mul3A_2, %dma_start3A_20] : memref<10240x64xf32, #tpu.memory_space<vmem_shared>> -> memref<640x64xf32, #tpu.memory_space<vmem_shared>>
      tpu.enqueue_dma source(%dma_start3A_21 : memref<640x64xf32, #tpu.memory_space<vmem_shared>>) target(%dma_start3A_19 : memref<640x64xf32, #tpu.memory_space<hbm>>) target_semaphore(%run_scoped3A : memref<!tpu.dma_semaphore, #tpu.memory_space<semaphore_mem>>)
      %dma_wait3A_22 = arith.constant 0 : i32
      %dma_wait3A_23 = tpu.memref_slice %arg6[%arg0, %mul3A_2, %dma_wait3A_22] : memref<2x10240x64xf32, #tpu.memory_space<hbm>> -> memref<1x640x64xf32, #tpu.memory_space<hbm>>
      %dma_wait3A_24 = tpu.memref_squeeze %dma_wait3A_23 : memref<1x640x64xf32, #tpu.memory_space<hbm>> -> memref<640x64xf32, #tpu.memory_space<hbm>>
      %dma_wait3A_25 = arith.constant 0 : i32
      %dma_wait3A_26 = tpu.memref_slice %arg13[%mul3A_2, %dma_wait3A_25] : memref<10240x64xf32, #tpu.memory_space<vmem_shared>> -> memref<640x64xf32, #tpu.memory_space<vmem_shared>>
      tpu.wait_dma2 semaphore(%run_scoped3A : memref<!tpu.dma_semaphore, #tpu.memory_space<semaphore_mem>>) src(%dma_wait3A_26 : memref<640x64xf32, #tpu.memory_space<vmem_shared>>) dst(%dma_wait3A_24 : memref<640x64xf32, #tpu.memory_space<hbm>>)
      tpu.yield
    }) : () -> ()
    return
  }
}

module attributes {stable_mosaic.version = 14 : i64} {
  func.func @body(%arg0: i32, %arg1: memref<1000x128xf32, #tpu.memory_space<vmem>>, %arg2: memref<2x1000x16xf32, #tpu.memory_space<vmem>>, %arg3: memref<2x1000x64xf32, #tpu.memory_space<vmem>>, %arg4: memref<1000x16xf32, #tpu.memory_space<vmem>>) attributes {dimension_semantics = [#tpu.dimension_semantics<arbitrary>], iteration_bounds = array<i64: 10>, scalar_prefetch = 0 : i64, scratch_operands = 0 : i64, tpu.core_type = #tpu.core_type<tc>, window_params = [{transform_indices = @transform_0, window_bounds = array<i64: 1000, 128>}, {transform_indices = @transform_1, window_bounds = array<i64: 2, 1000, 16>}, {transform_indices = @transform_2, window_bounds = array<i64: 2, 1000, 64>}, {transform_indices = @transform_3, window_bounds = array<i64: 1000, 16>}]} {
    %get3A = arith.constant 0 : index
    %get3A_0 = arith.constant 0 : index
    %get3A_1 = arith.constant 0 : index
    %get3A_2 = vector.load %arg2[%get3A, %get3A_0, %get3A_1] : memref<2x1000x16xf32, #tpu.memory_space<vmem>>, vector<1x1000x16xf32>
    %get3A_3 = vector.shape_cast %get3A_2 : vector<1x1000x16xf32> to vector<1000x16xf32>
    %get3A_4 = arith.constant 1 : index
    %get3A_5 = arith.constant 0 : index
    %get3A_6 = arith.constant 0 : index
    %get3A_7 = vector.load %arg2[%get3A_4, %get3A_5, %get3A_6] : memref<2x1000x16xf32, #tpu.memory_space<vmem>>, vector<1x1000x16xf32>
    %get3A_8 = vector.shape_cast %get3A_7 : vector<1x1000x16xf32> to vector<1000x16xf32>
    %add3A = arith.addf %get3A_3, %get3A_8 : vector<1000x16xf32>
    %reduce_sum3A = arith.constant dense<0.000000e+00> : vector<1000xf32>
    %reduce_sum3A_9 = vector.multi_reduction <add>, %add3A, %reduce_sum3A [1] : vector<1000x16xf32> to vector<1000xf32>
    %broadcast_in_dim3A = vector.shape_cast %reduce_sum3A_9 : vector<1000xf32> to vector<1000x1xf32>
    %add3A_10 = arith.constant 1.000000e+00 : f32
    %add3A_11 = vector.broadcast %add3A_10 : f32 to vector<1000x1xf32>
    %add3A_12 = arith.addf %broadcast_in_dim3A, %add3A_11 : vector<1000x1xf32>
    %rsqrt3A = math.rsqrt %add3A_12 : vector<1000x1xf32>
    %get3A_13 = arith.constant 0 : index
    %get3A_14 = arith.constant 0 : index
    %get3A_15 = vector.load %arg1[%get3A_13, %get3A_14] : memref<1000x128xf32, #tpu.memory_space<vmem>>, vector<1000x128xf32>
    %broadcast_in_dim3A_16 = vector.shape_cast %rsqrt3A : vector<1000x1xf32> to vector<1000x1xf32>
    %broadcast_in_dim3A_17 = vector.broadcast %broadcast_in_dim3A_16 : vector<1000x1xf32> to vector<1000x128xf32>
    %mul3A = arith.mulf %get3A_15, %broadcast_in_dim3A_17 : vector<1000x128xf32>
    %slice3A = vector.extract_strided_slice %mul3A {offsets = [0, 0], sizes = [1000, 64], strides = [1, 1]} : vector<1000x128xf32> to vector<1000x64xf32>
    %swap3A = arith.constant 0 : index
    %swap3A_18 = arith.constant 0 : index
    %swap3A_19 = arith.constant 0 : index
    %swap3A_20 = vector.load %arg3[%swap3A, %swap3A_18, %swap3A_19] : memref<2x1000x64xf32, #tpu.memory_space<vmem>>, vector<1x1000x64xf32>
    %swap3A_21 = vector.shape_cast %swap3A_20 : vector<1x1000x64xf32> to vector<1000x64xf32>
    %swap3A_22 = vector.shape_cast %slice3A : vector<1000x64xf32> to vector<1x1000x64xf32>
    tpu.vector_store %arg3[%swap3A, %swap3A_18, %swap3A_19], %swap3A_22 {strides = array<i32>} : memref<2x1000x64xf32, #tpu.memory_space<vmem>>, vector<1x1000x64xf32>,
    %slice3A_23 = vector.extract_strided_slice %mul3A {offsets = [0, 64], sizes = [1000, 64], strides = [1, 1]} : vector<1000x128xf32> to vector<1000x64xf32>
    %swap3A_24 = arith.constant 1 : index
    %swap3A_25 = arith.constant 0 : index
    %swap3A_26 = arith.constant 0 : index
    %swap3A_27 = vector.load %arg3[%swap3A_24, %swap3A_25, %swap3A_26] : memref<2x1000x64xf32, #tpu.memory_space<vmem>>, vector<1x1000x64xf32>
    %swap3A_28 = vector.shape_cast %swap3A_27 : vector<1x1000x64xf32> to vector<1000x64xf32>
    %swap3A_29 = vector.shape_cast %slice3A_23 : vector<1000x64xf32> to vector<1x1000x64xf32>
    tpu.vector_store %arg3[%swap3A_24, %swap3A_25, %swap3A_26], %swap3A_29 {strides = array<i32>} : memref<2x1000x64xf32, #tpu.memory_space<vmem>>, vector<1x1000x64xf32>,
    %broadcast_in_dim3A_30 = vector.shape_cast %rsqrt3A : vector<1000x1xf32> to vector<1000x1xf32>
    %broadcast_in_dim3A_31 = vector.broadcast %broadcast_in_dim3A_30 : vector<1000x1xf32> to vector<1000x16xf32>
    %swap3A_32 = arith.constant 0 : index
    %swap3A_33 = arith.constant 0 : index
    %swap3A_34 = vector.load %arg4[%swap3A_32, %swap3A_33] : memref<1000x16xf32, #tpu.memory_space<vmem>>, vector<1000x16xf32>
    tpu.vector_store %arg4[%swap3A_32, %swap3A_33], %broadcast_in_dim3A_31 {strides = array<i32>} : memref<1000x16xf32, #tpu.memory_space<vmem>>, vector<1000x16xf32>,
    return
  }
  func.func @transform_0(%arg0: i32) -> (i32, i32) {
    %c0_i32 = arith.constant 0 : i32
    %c0_i32_0 = arith.constant 0 : i32
    return %arg0, %c0_i32 : i32, i32
  }
  func.func @transform_1(%arg0: i32) -> (i32, i32, i32) {
    %c0_i32 = arith.constant 0 : i32
    %c0_i32_0 = arith.constant 0 : i32
    %c0_i32_1 = arith.constant 0 : i32
    return %c0_i32, %arg0, %c0_i32_0 : i32, i32, i32
  }
  func.func @transform_2(%arg0: i32) -> (i32, i32, i32) {
    %c0_i32 = arith.constant 0 : i32
    %c0_i32_0 = arith.constant 0 : i32
    %c0_i32_1 = arith.constant 0 : i32
    return %c0_i32, %arg0, %c0_i32_0 : i32, i32, i32
  }
  func.func @transform_3(%arg0: i32) -> (i32, i32) {
    %c0_i32 = arith.constant 0 : i32
    %c0_i32_0 = arith.constant 0 : i32
    return %arg0, %c0_i32 : i32, i32
  }
}

module attributes {stable_mosaic.version = 14 : i64} {
  func.func @body(%arg0: i32, %arg1: memref<1000x128xf32, #tpu.memory_space<vmem>>, %arg2: memref<128x128xf32, #tpu.memory_space<vmem>>, %arg3: memref<1000x128xf32, #tpu.memory_space<vmem>>) attributes {dimension_semantics = [#tpu.dimension_semantics<arbitrary>], iteration_bounds = array<i64: 10>, scalar_prefetch = 0 : i64, scratch_operands = 0 : i64, tpu.core_type = #tpu.core_type<tc>, window_params = [{transform_indices = @transform_0, window_bounds = array<i64: 1000, 128>}, {pipeline_mode = #tpu.pipeline_mode<synchronous>, transform_indices = @transform_1, window_bounds = array<i64: 128, 128>}, {transform_indices = @transform_2, window_bounds = array<i64: 1000, 128>}]} {
    %get3A = arith.constant 0 : index
    %get3A_0 = arith.constant 0 : index
    %get3A_1 = vector.load %arg1[%get3A, %get3A_0] : memref<1000x128xf32, #tpu.memory_space<vmem>>, vector<1000x128xf32>
    %get3A_2 = arith.constant 0 : index
    %get3A_3 = arith.constant 0 : index
    %get3A_4 = vector.load %arg2[%get3A_2, %get3A_3] : memref<128x128xf32, #tpu.memory_space<vmem>>, vector<128x128xf32>
    %dot_general3A = arith.constant dense<0.000000e+00> : vector<1000x128xf32>
    %dot_general3A_5 = tpu.matmul %get3A_1, %get3A_4, %dot_general3A {dimension_numbers = #tpu.dot_dimension_numbers<[1], [0], [0], [1], [0, 0, 1, 1], [], []>, transpose_lhs_hint = false} : vector<1000x128xf32>, vector<128x128xf32>, vector<1000x128xf32> -> vector<1000x128xf32>
    %swap3A = arith.constant 0 : index
    %swap3A_6 = arith.constant 0 : index
    %swap3A_7 = vector.load %arg3[%swap3A, %swap3A_6] : memref<1000x128xf32, #tpu.memory_space<vmem>>, vector<1000x128xf32>
    tpu.vector_store %arg3[%swap3A, %swap3A_6], %dot_general3A_5 {strides = array<i32>} : memref<1000x128xf32, #tpu.memory_space<vmem>>, vector<1000x128xf32>,
    return
  }
  func.func @transform_0(%arg0: i32) -> (i32, i32) {
    %c0_i32 = arith.constant 0 : i32
    %c0_i32_0 = arith.constant 0 : i32
    return %arg0, %c0_i32 : i32, i32
  }
  func.func @transform_1(%arg0: i32) -> (i32, i32) {
    %c0_i32 = arith.constant 0 : i32
    %c0_i32_0 = arith.constant 0 : i32
    %c0_i32_1 = arith.constant 0 : i32
    return %c0_i32, %c0_i32_0 : i32, i32
  }
  func.func @transform_2(%arg0: i32) -> (i32, i32) {
    %c0_i32 = arith.constant 0 : i32
    %c0_i32_0 = arith.constant 0 : i32
    return %arg0, %c0_i32 : i32, i32
  }
}

module attributes {stable_mosaic.version = 14 : i64} {
  func.func @body(%arg0: i32, %arg1: memref<2x1000x64xf32, #tpu.memory_space<vmem>>, %arg2: memref<2x1000x64xf32, #tpu.memory_space<vmem>>, %arg3: memref<1000x16xf32, #tpu.memory_space<vmem>>, %arg4: memref<1x128xf32, #tpu.memory_space<vmem>>, %arg5: memref<128x64xf32, #tpu.memory_space<vmem>>, %arg6: memref<1000x64xf32, #tpu.memory_space<vmem>>) attributes {dimension_semantics = [#tpu.dimension_semantics<arbitrary>], iteration_bounds = array<i64: 10>, scalar_prefetch = 0 : i64, scratch_operands = 0 : i64, tpu.core_type = #tpu.core_type<tc>, window_params = [{transform_indices = @transform_0, window_bounds = array<i64: 2, 1000, 64>}, {transform_indices = @transform_1, window_bounds = array<i64: 2, 1000, 64>}, {transform_indices = @transform_2, window_bounds = array<i64: 1000, 16>}, {pipeline_mode = #tpu.pipeline_mode<synchronous>, transform_indices = @transform_3, window_bounds = array<i64: 1, 128>}, {pipeline_mode = #tpu.pipeline_mode<synchronous>, transform_indices = @transform_4, window_bounds = array<i64: 128, 64>}, {transform_indices = @transform_5, window_bounds = array<i64: 1000, 64>}]} {
    %get3A = arith.constant 0 : index
    %get3A_0 = arith.constant 0 : index
    %get3A_1 = vector.load %arg3[%get3A, %get3A_0] : memref<1000x16xf32, #tpu.memory_space<vmem>>, vector<1000x16xf32>
    %slice3A = vector.extract_strided_slice %get3A_1 {offsets = [0, 0], sizes = [1000, 1], strides = [1, 1]} : vector<1000x16xf32> to vector<1000x1xf32>
    %broadcast_in_dim3A = vector.shape_cast %slice3A : vector<1000x1xf32> to vector<1000x1xf32>
    %broadcast_in_dim3A_2 = vector.broadcast %broadcast_in_dim3A : vector<1000x1xf32> to vector<1000x128xf32>
    %get3A_3 = arith.constant 0 : index
    %get3A_4 = arith.constant 0 : index
    %get3A_5 = arith.constant 0 : index
    %get3A_6 = vector.load %arg1[%get3A_3, %get3A_4, %get3A_5] : memref<2x1000x64xf32, #tpu.memory_space<vmem>>, vector<1x1000x64xf32>
    %get3A_7 = vector.shape_cast %get3A_6 : vector<1x1000x64xf32> to vector<1000x64xf32>
    %get3A_8 = arith.constant 0 : index
    %get3A_9 = arith.constant 0 : index
    %get3A_10 = arith.constant 0 : index
    %get3A_11 = vector.load %arg2[%get3A_8, %get3A_9, %get3A_10] : memref<2x1000x64xf32, #tpu.memory_space<vmem>>, vector<1x1000x64xf32>
    %get3A_12 = vector.shape_cast %get3A_11 : vector<1x1000x64xf32> to vector<1000x64xf32>
    %add3A = arith.addf %get3A_7, %get3A_12 : vector<1000x64xf32>
    %get3A_13 = arith.constant 1 : index
    %get3A_14 = arith.constant 0 : index
    %get3A_15 = arith.constant 0 : index
    %get3A_16 = vector.load %arg1[%get3A_13, %get3A_14, %get3A_15] : memref<2x1000x64xf32, #tpu.memory_space<vmem>>, vector<1x1000x64xf32>
    %get3A_17 = vector.shape_cast %get3A_16 : vector<1x1000x64xf32> to vector<1000x64xf32>
    %get3A_18 = arith.constant 1 : index
    %get3A_19 = arith.constant 0 : index
    %get3A_20 = arith.constant 0 : index
    %get3A_21 = vector.load %arg2[%get3A_18, %get3A_19, %get3A_20] : memref<2x1000x64xf32, #tpu.memory_space<vmem>>, vector<1x1000x64xf32>
    %get3A_22 = vector.shape_cast %get3A_21 : vector<1x1000x64xf32> to vector<1000x64xf32>
    %add3A_23 = arith.addf %get3A_17, %get3A_22 : vector<1000x64xf32>
    %concatenate3A = tpu.concatenate %add3A, %add3A_23 in 1 : vector<1000x64xf32>, vector<1000x64xf32> -> vector<1000x128xf32>
    %mul3A = arith.mulf %concatenate3A, %broadcast_in_dim3A_2 : vector<1000x128xf32>
    %get3A_24 = arith.constant 0 : index
    %get3A_25 = arith.constant 0 : index
    %get3A_26 = vector.load %arg4[%get3A_24, %get3A_25] : memref<1x128xf32, #tpu.memory_space<vmem>>, vector<1x128xf32>
    %add3A_27 = vector.broadcast %get3A_26 : vector<1x128xf32> to vector<1000x128xf32>
    %add3A_28 = arith.addf %mul3A, %add3A_27 : vector<1000x128xf32>
    %max3A = arith.constant 0.000000e+00 : f32
    %max3A_29 = vector.broadcast %max3A : f32 to vector<1000x128xf32>
    %max3A_30 = arith.maximumf %add3A_28, %max3A_29 : vector<1000x128xf32>
    %get3A_31 = arith.constant 0 : index
    %get3A_32 = arith.constant 0 : index
    %get3A_33 = vector.load %arg5[%get3A_31, %get3A_32] : memref<128x64xf32, #tpu.memory_space<vmem>>, vector<128x64xf32>
    %dot_general3A = arith.constant dense<0.000000e+00> : vector<1000x64xf32>
    %dot_general3A_34 = tpu.matmul %max3A_30, %get3A_33, %dot_general3A {dimension_numbers = #tpu.dot_dimension_numbers<[1], [0], [0], [1], [0, 0, 1, 1], [], []>, transpose_lhs_hint = false} : vector<1000x128xf32>, vector<128x64xf32>, vector<1000x64xf32> -> vector<1000x64xf32>
    %slice3A_35 = vector.extract_strided_slice %broadcast_in_dim3A_2 {offsets = [0, 0], sizes = [1000, 64], strides = [1, 1]} : vector<1000x128xf32> to vector<1000x64xf32>
    %mul3A_36 = arith.mulf %dot_general3A_34, %slice3A_35 : vector<1000x64xf32>
    %swap3A = arith.constant 0 : index
    %swap3A_37 = arith.constant 0 : index
    %swap3A_38 = vector.load %arg6[%swap3A, %swap3A_37] : memref<1000x64xf32, #tpu.memory_space<vmem>>, vector<1000x64xf32>
    tpu.vector_store %arg6[%swap3A, %swap3A_37], %mul3A_36 {strides = array<i32>} : memref<1000x64xf32, #tpu.memory_space<vmem>>, vector<1000x64xf32>,
    return
  }
  func.func @transform_0(%arg0: i32) -> (i32, i32, i32) {
    %c0_i32 = arith.constant 0 : i32
    %c0_i32_0 = arith.constant 0 : i32
    %c0_i32_1 = arith.constant 0 : i32
    return %c0_i32, %arg0, %c0_i32_0 : i32, i32, i32
  }
  func.func @transform_1(%arg0: i32) -> (i32, i32, i32) {
    %c0_i32 = arith.constant 0 : i32
    %c0_i32_0 = arith.constant 0 : i32
    %c0_i32_1 = arith.constant 0 : i32
    return %c0_i32, %arg0, %c0_i32_0 : i32, i32, i32
  }
  func.func @transform_2(%arg0: i32) -> (i32, i32) {
    %c0_i32 = arith.constant 0 : i32
    %c0_i32_0 = arith.constant 0 : i32
    return %arg0, %c0_i32 : i32, i32
  }
  func.func @transform_3(%arg0: i32) -> (i32, i32) {
    %c0_i32 = arith.constant 0 : i32
    %c0_i32_0 = arith.constant 0 : i32
    %c0_i32_1 = arith.constant 0 : i32
    return %c0_i32, %c0_i32_0 : i32, i32
  }
  func.func @transform_4(%arg0: i32) -> (i32, i32) {
    %c0_i32 = arith.constant 0 : i32
    %c0_i32_0 = arith.constant 0 : i32
    %c0_i32_1 = arith.constant 0 : i32
    return %c0_i32, %c0_i32_0 : i32, i32
  }
  func.func @transform_5(%arg0: i32) -> (i32, i32) {
    %c0_i32 = arith.constant 0 : i32
    %c0_i32_0 = arith.constant 0 : i32
    return %arg0, %c0_i32 : i32, i32
  }
}

module attributes {stable_mosaic.version = 14 : i64} {
  func.func @body(%arg0: i32, %arg1: memref<2x1000x64xf32, #tpu.memory_space<vmem>>, %arg2: memref<1000x64xf32, #tpu.memory_space<vmem>>, %arg3: memref<1000x16xf32, #tpu.memory_space<vmem>>, %arg4: memref<1x64xf32, #tpu.memory_space<vmem>>, %arg5: memref<1000x64xf32, #tpu.memory_space<vmem>>) attributes {dimension_semantics = [#tpu.dimension_semantics<arbitrary>], iteration_bounds = array<i64: 10>, scalar_prefetch = 0 : i64, scratch_operands = 0 : i64, tpu.core_type = #tpu.core_type<tc>, window_params = [{transform_indices = @transform_0, window_bounds = array<i64: 2, 1000, 64>}, {transform_indices = @transform_1, window_bounds = array<i64: 1000, 64>}, {transform_indices = @transform_2, window_bounds = array<i64: 1000, 16>}, {pipeline_mode = #tpu.pipeline_mode<synchronous>, transform_indices = @transform_3, window_bounds = array<i64: 1, 64>}, {transform_indices = @transform_4, window_bounds = array<i64: 1000, 64>}]} {
    %get3A = arith.constant 0 : index
    %get3A_0 = arith.constant 0 : index
    %get3A_1 = vector.load %arg3[%get3A, %get3A_0] : memref<1000x16xf32, #tpu.memory_space<vmem>>, vector<1000x16xf32>
    %slice3A = vector.extract_strided_slice %get3A_1 {offsets = [0, 0], sizes = [1000, 1], strides = [1, 1]} : vector<1000x16xf32> to vector<1000x1xf32>
    %broadcast_in_dim3A = vector.shape_cast %slice3A : vector<1000x1xf32> to vector<1000x1xf32>
    %broadcast_in_dim3A_2 = vector.broadcast %broadcast_in_dim3A : vector<1000x1xf32> to vector<1000x64xf32>
    %get3A_3 = arith.constant 0 : index
    %get3A_4 = arith.constant 0 : index
    %get3A_5 = arith.constant 0 : index
    %get3A_6 = vector.load %arg1[%get3A_3, %get3A_4, %get3A_5] : memref<2x1000x64xf32, #tpu.memory_space<vmem>>, vector<1x1000x64xf32>
    %get3A_7 = vector.shape_cast %get3A_6 : vector<1x1000x64xf32> to vector<1000x64xf32>
    %get3A_8 = arith.constant 1 : index
    %get3A_9 = arith.constant 0 : index
    %get3A_10 = arith.constant 0 : index
    %get3A_11 = vector.load %arg1[%get3A_8, %get3A_9, %get3A_10] : memref<2x1000x64xf32, #tpu.memory_space<vmem>>, vector<1x1000x64xf32>
    %get3A_12 = vector.shape_cast %get3A_11 : vector<1x1000x64xf32> to vector<1000x64xf32>
    %add3A = arith.addf %get3A_7, %get3A_12 : vector<1000x64xf32>
    %get3A_13 = arith.constant 0 : index
    %get3A_14 = arith.constant 0 : index
    %get3A_15 = vector.load %arg2[%get3A_13, %get3A_14] : memref<1000x64xf32, #tpu.memory_space<vmem>>, vector<1000x64xf32>
    %add3A_16 = arith.addf %add3A, %get3A_15 : vector<1000x64xf32>
    %mul3A = arith.mulf %add3A_16, %broadcast_in_dim3A_2 : vector<1000x64xf32>
    %get3A_17 = arith.constant 0 : index
    %get3A_18 = arith.constant 0 : index
    %get3A_19 = vector.load %arg4[%get3A_17, %get3A_18] : memref<1x64xf32, #tpu.memory_space<vmem>>, vector<1x64xf32>
    %add3A_20 = vector.broadcast %get3A_19 : vector<1x64xf32> to vector<1000x64xf32>
    %add3A_21 = arith.addf %mul3A, %add3A_20 : vector<1000x64xf32>
    %reduce_max3A = arith.constant dense<0xFF800000> : vector<1000xf32>
    %reduce_max3A_22 = vector.multi_reduction <maximumf>, %add3A_21, %reduce_max3A [1] : vector<1000x64xf32> to vector<1000xf32>
    %broadcast_in_dim3A_23 = vector.shape_cast %reduce_max3A_22 : vector<1000xf32> to vector<1000x1xf32>
    %sub3A = vector.broadcast %broadcast_in_dim3A_23 : vector<1000x1xf32> to vector<1000x64xf32>
    %sub3A_24 = arith.subf %add3A_21, %sub3A : vector<1000x64xf32>
    %exp3A = math.exp %sub3A_24 : vector<1000x64xf32>
    %reduce_sum3A = arith.constant dense<0.000000e+00> : vector<1000xf32>
    %reduce_sum3A_25 = vector.multi_reduction <add>, %exp3A, %reduce_sum3A [1] : vector<1000x64xf32> to vector<1000xf32>
    %broadcast_in_dim3A_26 = vector.shape_cast %reduce_sum3A_25 : vector<1000xf32> to vector<1000x1xf32>
    %log3A = math.log %broadcast_in_dim3A_26 : vector<1000x1xf32>
    %add3A_27 = arith.addf %log3A, %broadcast_in_dim3A_23 : vector<1000x1xf32>
    %sub3A_28 = vector.broadcast %add3A_27 : vector<1000x1xf32> to vector<1000x64xf32>
    %sub3A_29 = arith.subf %add3A_21, %sub3A_28 : vector<1000x64xf32>
    %swap3A = arith.constant 0 : index
    %swap3A_30 = arith.constant 0 : index
    %swap3A_31 = vector.load %arg5[%swap3A, %swap3A_30] : memref<1000x64xf32, #tpu.memory_space<vmem>>, vector<1000x64xf32>
    tpu.vector_store %arg5[%swap3A, %swap3A_30], %sub3A_29 {strides = array<i32>} : memref<1000x64xf32, #tpu.memory_space<vmem>>, vector<1000x64xf32>,
    return
  }
  func.func @transform_0(%arg0: i32) -> (i32, i32, i32) {
    %c0_i32 = arith.constant 0 : i32
    %c0_i32_0 = arith.constant 0 : i32
    %c0_i32_1 = arith.constant 0 : i32
    return %c0_i32, %arg0, %c0_i32_0 : i32, i32, i32
  }
  func.func @transform_1(%arg0: i32) -> (i32, i32) {
    %c0_i32 = arith.constant 0 : i32
    %c0_i32_0 = arith.constant 0 : i32
    return %arg0, %c0_i32 : i32, i32
  }
  func.func @transform_2(%arg0: i32) -> (i32, i32) {
    %c0_i32 = arith.constant 0 : i32
    %c0_i32_0 = arith.constant 0 : i32
    return %arg0, %c0_i32 : i32, i32
  }
  func.func @transform_3(%arg0: i32) -> (i32, i32) {
    %c0_i32 = arith.constant 0 : i32
    %c0_i32_0 = arith.constant 0 : i32
    %c0_i32_1 = arith.constant 0 : i32
    return %c0_i32, %c0_i32_0 : i32, i32
  }
  func.func @transform_4(%arg0: i32) -> (i32, i32) {
    %c0_i32 = arith.constant 0 : i32
    %c0_i32_0 = arith.constant 0 : i32
    return %arg0, %c0_i32 : i32, i32
  }
}

</mosaic_0001>

<sc_bundles>
// kernel: kernel.12.cloned.1.call-start
scs
__scs_entry_jumppad:
0x0: {  	(pc) =	sbr.rel $0x88, $3  }
0x1: {  	(tag) =	ssettag $0x0;
	lr =	simm.s32 $0x1  }
0x2: {  	[smem:$0x3F9B] =	sst lr;
	_ =	strace $0xD0000000  }
0x3: {  	_ = 	snop  }
0x4: {  	_ = 	snop  }
0x5: {  	_ = 	snop  }
0x6: {  	_ = 	snop  }
0x7: {  	_ = 	snop  }
__scs_overlays_trampoline_lowered:
0x8: {  	[smem:$0x3FAA] =	sst s0  }
0x9: {  	[smem:$0x3FAB] =	sst s1  }
0xa: {  	[smem:$0x3FAC] =	sst s2  }
0xb: {  	[smem:$0x3FAD] =	sst s3  }
0xc: {  	[smem:$0x3FAE] =	sst s4  }
0xd: {  	[smem:$0x3FAF] =	sst s5  }
0xe: {  	[smem:$0x3FB0] =	sst s6  }
0xf: {  	[smem:$0x3FB1] =	sst s7  }
0x10: {  	[smem:$0x3FB2] =	sst s8  }
0x11: {  	[smem:$0x3FB3] =	sst s9;
	s0 =	simm.s32 @!p0 $0x0  }
0x12: {  	s1 =	sld [smem:$0x3F99];
	s0 =	simm.s32 @p0 $0x1  }
0x13: {  	[smem:$0x3FB4] =	sst s0;
	s0 =	simm.s32 @!p1 $0x0  }
0x14: {  	s2 =	sld [smem:$0x3F98];
	s0 =	simm.s32 @p1 $0x1  }
0x15: {  	[smem:$0x3FB5] =	sst s0;
	s0 =	simm.s32 @!p2 $0x0  }
0x16: {  	s3 =	sld [smem:$0x3FDB];
	s0 =	simm.s32 @p2 $0x1  }
0x17: {  	s4 =	simm.s32 $0x1BF5;
	[smem:$0x3FB7] =	sst s0  }
0x18: {  	s0 =	sld [smem:$0x3F9A];
	_ =	swait.ge [sflag:s4], $0x0  }
0x19: {  	s7 =	sld [smem:$0x3F9B]  }
0x1a: {  	s8 =	sadd.s32 $0xFFFFE003, lr  }
0x1b: {  	s9 =	sadd.s32 $0xFFFFFEF7, lr;
	s5 =	simm.s32 $0xFFFFFFFF;
	p2 =	slt.u32 s8, $0xFFFFF086  }
0x1c: {  	p1 =	slt.u32 s9, $0xF7A;
	s5 =	simm.s32 @!p2 $0x0  }
0x1d: {  	s5 =	simm.s32 @p1 $0x1;
	p0 =	seq.s32 s7, s2  }
0x1e: {  	s7 =	smul.u32 @!p0 $0xF7A, s2;
	p2 =	seq.s32 @!p0 s5, $0x0  }
0x1f: {  	s9 =	smul.u32 $0xF7A, s1;
	s8 =	simm.s32 @!p0 $0x1BF5;
	p2 =	por !p2, p0  }
0x20: {  	[sflag:s8] =	ssyncset.s32 @!p0 $0xFFFFF086;
	s6 =	sadd.s32 @!p0 s3, s7;
	s7 =	simm.s32 @!p0 $0x108  }
0x21: {  	s3 =	sadd.s32 s3, s9;
	s6 =	sadd.s32 @!p0 $0x88, s6;
	s7 =	simm.s32 @p2 $0x1082  }
0x22: {  	[simem:s7], [sflag:s8] =	dma.local @!p0 [hbm:s6], $0xF7A  }
0x23: {  	s9 =	sor.u32 $0xD0000000, s2;
	s6 =	simm.s32 $0x108;
	_ =	swait.ge @!p0 [sflag:s8], $0x0  }
0x24: {  	s3 =	sadd.s32 $0x88, s3;
	s6 =	simm.s32 @!p1 $0x1082;
	[sflag:s4] =	ssyncset.s32 $0xFFFFF086  }
0x25: {  	[simem:s6], [sflag:s4] =	dma.local [hbm:s3], $0xF7A  }
0x26: {  	[smem:$0x3F9B] =	sst s1;
	(tag) =	ssettag s2;
	_ =	strace s9  }
0x27: {  	s1 =	sld [smem:$0x3FAB]  }
0x28: {  	s2 =	sld [smem:$0x3FAC]  }
0x29: {  	s4 =	sld [smem:$0x3FAE]  }
0x2a: {  	p0 =	seq.s32 s5, $0x0;
	s5 =	sld [smem:$0x3FAF]  }
0x2b: {  	s6 =	sld [smem:$0x3FB0]  }
0x2c: {  	s7 =	sld [smem:$0x3FB1]  }
0x2d: {  	s3 =	simm.s32 $0x108;
	s8 =	sld [smem:$0x3FB2]  }
0x2e: {  	s3 =	simm.s32 @!p0 $0x1082;
	s9 =	sld [smem:$0x3FB3]  }
0x2f: {  	lr =	sadd.s32 s0, s3;
	s0 =	sld [smem:$0x3FAA]  }
0x30: {  	s3 =	sld [smem:$0x3FAD]  }
0x31: {  	[smem:$0x3FB6] =	sst s10  }
0x32: {  	s10 =	sld [smem:$0x3FB4];
	_ =	sdelay $0x3  }
0x33: {  	p0 =	seq.s32 s10, $0x1;
	s10 =	sld [smem:$0x3FB6];
	_ =	sdelay $0x3  }
0x34: {  	[smem:$0x3FB6] =	sst s10  }
0x35: {  	s10 =	sld [smem:$0x3FB5];
	_ =	sdelay $0x3  }
0x36: {  	p1 =	seq.s32 s10, $0x1;
	s10 =	sld [smem:$0x3FB6];
	_ =	sdelay $0x3  }
0x37: {  	[smem:$0x3FB6] =	sst s10  }
0x38: {  	s10 =	sld [smem:$0x3FB7]  }
0x39: {  	_ = 	snop;
	(pc) =	sbr.ind lr, $3  }
0x3a: {  	_ = 	snop  }
0x3b: {  	_ = 	snop  }
0x3c: {  	p2 =	seq.s32 s10, $0x1;
	s10 =	sld [smem:$0x3FB6]  }
0x3d: {  	_ =	shalt  }
0x3e: {  	_ =	shalt  }
0x3f: {  	_ =	shalt  }
0x40: {  	_ =	shalt  }
0x41: {  	_ =	shalt  }
0x42: {  	_ =	shalt  }
0x43: {  	_ =	shalt  }
0x44: {  	_ =	shalt  }
0x45: {  	_ =	shalt  }
0x46: {  	_ =	shalt  }
0x47: {  	_ =	shalt  }
0x48: {  	_ =	shalt  }
0x49: {  	_ =	shalt  }
0x4a: {  	_ =	shalt  }
0x4b: {  	_ =	shalt  }
0x4c: {  	_ =	shalt  }
0x4d: {  	_ =	shalt  }
0x4e: {  	_ =	shalt  }
0x4f: {  	_ =	shalt  }
0x50: {  	_ =	shalt  }
0x51: {  	_ =	shalt  }
0x52: {  	_ =	shalt  }
0x53: {  	_ =	shalt  }
0x54: {  	_ =	shalt  }
0x55: {  	_ =	shalt  }
0x56: {  	_ =	shalt  }
0x57: {  	_ =	shalt  }
0x58: {  	_ =	shalt  }
0x59: {  	_ =	shalt  }
0x5a: {  	_ =	shalt  }
0x5b: {  	_ =	shalt  }
0x5c: {  	_ =	shalt  }
0x5d: {  	_ =	shalt  }
0x5e: {  	_ =	shalt  }
0x5f: {  	_ =	shalt  }
0x60: {  	_ =	shalt  }
0x61: {  	_ =	shalt  }
0x62: {  	_ =	shalt  }
0x63: {  	_ =	shalt  }
0x64: {  	_ =	shalt  }
0x65: {  	_ =	shalt  }
0x66: {  	_ =	shalt  }
0x67: {  	_ =	shalt  }
0x68: {  	_ =	shalt  }
0x69: {  	_ =	shalt  }
0x6a: {  	_ =	shalt  }
0x6b: {  	_ =	shalt  }
0x6c: {  	_ =	shalt  }
0x6d: {  	_ =	shalt  }
0x6e: {  	_ =	shalt  }
0x6f: {  	_ =	shalt  }
0x70: {  	_ =	shalt  }
0x71: {  	_ =	shalt  }
0x72: {  	_ =	shalt  }
0x73: {  	_ =	shalt  }
0x74: {  	_ =	shalt  }
0x75: {  	_ =	shalt  }
0x76: {  	_ =	shalt  }
0x77: {  	_ =	shalt  }
0x78: {  	_ =	shalt  }
0x79: {  	_ =	shalt  }
0x7a: {  	_ =	shalt  }
0x7b: {  	_ =	shalt  }
0x7c: {  	_ =	shalt  }
0x7d: {  	_ =	shalt  }
0x7e: {  	_ =	shalt  }
0x7f: {  	_ =	shalt  }
0x80: {  	_ =	shalt  }
0x81: {  	_ =	shalt  }
0x82: {  	_ =	shalt  }
0x83: {  	_ =	shalt  }
0x84: {  	_ =	shalt  }
0x85: {  	_ =	shalt  }
0x86: {  	_ =	shalt  }
0x87: {  	_ =	shalt  }
.Lfunc_end0:
.L_simem_size_0:
called_computation.1_lowered:
.L_overlay_start_0:
0x88: {  	s2 =	sld [smem:$0x3FD9]  }
0x89: {  	s3 =	sld [smem:$0x3FFE];
	_ =	sdelay $0x1  }
0x8a: {  	s1 =	srdreg.scid  }
0x8b: {  	s0 =	sand.u32 $0x1, s1  }
0x8c: {  	s16 =	sshll.u32 s0, $0xA;
	s2 =	sadd.s32 s3, s2  }
0x8d: {  	s2 =	sadd.s32 s2, s16  }
0x8e: {  	[smem:$0x3FC2] =	sst s2  }
0x8f: {  	_ = 	snop  }
0x90: {  	(tm) =	ssettm $0x1  }
0x91: {  	s17 =	sld [smem:$0x3FFB];
	_ =	sdelay $0x3  }
0x92: {  	_ =	strace s17  }
0x93: {  	s2 =	sld [smem:$0x3FFC];
	_ =	sdelay $0x3  }
0x94: {  	_ =	strace s2  }
0x95: {  	s2 =	sld [smem:$0x3FFD];
	_ =	sdelay $0x3  }
0x96: {  	_ =	strace s2  }
0x97: {  	_ =	strace $0x8FFFFFFF  }
0x98: {  	s18 =	sld [smem:$0x3FDB];
	_ =	sdelay $0x1  }
0x99: {  	s19 =	simm.s32 $_scs_section_size  }
0x9a: {  	s4 =	simm.s32 $_size__tile_overlayer_lowered;
	s5 =	simm.s32 $_tile_overlayer_lowered  }
0x9b: {  	s22 =	simm.s32 $0x1BFF;
	s21 =	sshll.u32 s5, $0x1;
	s2 =	sadd.s32 s19, s18  }
0x9c: {  	s6 =	simm.s32 $0x0;
	s20 =	sshll.u32 s4, $0x1;
	s4 =	sadd.s32 s21, s2  }
0x9d: {  	[timem:s6], [sflag:s22] =	dma.local [hbm:s4], s20  }
0x9e: {  	_ =	swait.ge [sflag:s22], s20  }
0x9f: {  	s3 =	ssub.s32 $0x0, s20;
	[sflag:s22] =	ssyncset.done $0x0  }
0xa0: {  	[sflag:s22] =	ssyncadd.s32 s3;
	_ =	sdelay $0x1  }
0xa1: {  	s23 =	simm.s32 $0x1B8B  }
0xa2: {  	_ =	swait.ge [sflag:s23], $0x1  }
0xa3: {  	[sflag:s23] =	ssyncset.done $0x0  }
0xa4: {  	s25 =	simm.s32 $0x1B8E;
	s24 =	sld [smem:$0x3FFE];
	[sflag:s23] =	ssyncadd.s32 $0xFFFFFFFF  }
0xa5: {  	s26 =	simm.s32 $execute0_lowered;
	[smem:$0x3FD2] =	sst s25  }
0xa6: {  	s4 =	sshll.u32 s26, $0x1;
	_ =	strace $0x80000049;
	[dreg:$0x1] =	wrdreg $0xFFFFFFFF  }
0xa7: {  	s28 =	simm.s32 $_size_execute0_lowered;
	s2 =	sadd.s32 s2, s4;
	[dreg:$0x0] =	wrdreg $0x0  }
0xa8: {  	s4 =	sshll.u32 s28, $0x1;
	[dreg:$0x2] =	wrdreg s2  }
0xa9: {  	[dreg:$0x3] =	wrdreg s4  }
0xaa: {  	[dreg:$0x4] =	wrdreg $0xC0  }
0xab: {  	_ =	task [dreg:s6], $0x5FFFF  }
0xac: {  	[dreg:$0x1] =	wrdreg $0xFFFFFFFF  }
0xad: {  	[dreg:$0x0] =	wrdreg $0x60  }
0xae: {  	[dreg:$0x2] =	wrdreg s24  }
0xaf: {  	[dreg:$0x3] =	wrdreg $0xCE400  }
0xb0: {  	[dreg:$0x4] =	wrdreg $0x9  }
0xb1: {  	_ =	task.clear_ibuf [dreg:s6], $0x5FFFF;
	_ =	strace $0x90000049  }
0xb2: {  	s29 =	simm.s32 $0x9;
	_ =	strace $0x8000004B  }
0xb3: {  	_ =	swait.ge [sflag:s29], $0x1  }
0xb4: {  	[sflag:s29] =	ssyncadd.s32 $0xFFFFFFFF  }
0xb5: {  	_ =	strace $0x9000004B  }
0xb6: {  	_ =	sfence  }
0xb7: {  	s30 =	sld [smem:$0x0];
	_ =	sdelay $0x2  }
0xb8: {  	s31 =	sshll.u32 s1, $0xD;
	s1 =	sshrl.u32 s1, $0x2  }
0xb9: {  	s3 =	sand.u32 $0x4000, s31;
	s1 =	sadd.s32 s1, s30  }
0xba: {  	s0 =	sor.u32 s3, s0;
	s1 =	sshll.u32 s1, $0x11  }
0xbb: {  	s0 =	sor.u32 s1, s0  }
0xbc: {  	s0 =	sadd.s32 $0x8F2B, s0  }
0xbd: {  	[sflag:s0] =	ssyncadd.remote.s32 $0x1  }
0xbe: {  	_ =	sfence.sel $0xFFFF  }
0xbf: {  	[dreg:$0x0] =	wrdreg $0xFFFFFFFF;
	(pc) =	sbr.abs _section_cstart, $3  }
0xc0: {  	[dreg:$0x1] =	wrdreg $0xFFFFFFFF  }
0xc1: {  	_ =	task.clear_ibuf [dreg:s6], $0x2FFFF;
	_ =	strace $0x9FFFFFFF  }
0xc2: {  	(tm) =	ssettm $0x7FFFFFFF  }
0xc3: {  	_ =	shalt  }
tec
execute0_lowered:
.L_overlay_start_1:
0x0: {  	(tag) =	ssettag $0x1  }
0x1: {  	s7 =	rddreg [dreg:$0x0]  }
0x2: {  	s2 =	rddreg [dreg:$0x1];
	s3 =	simm.s32 $0x0  }
0x3: {  	s1 =	stileid.u32;
	s4 =	srdreg.scid;
	s17 =	simm.s32 $0x640  }
0x4: {  	s18 =	simm.s32 $0x2;
	s19 =	simm.s32 $0x1;
	s21 =	simm.s32 $0x6A40  }
0x5: {  	s22 =	simm.s32 $0x0;
	[smem:$0x7FF] =	sst s3;
	s8 =	smul.u32 $0xA000, s1  }
0x6: {  	s10 =	sand.u32 $0x1, s4;
	s4 =	sadd.s32 $0x15200, s7;
	s11 =	sadd.s32 $0x1600, s7  }
0x7: {  	s5 =	sadd.s32 $0xB400, s7;
	s30 =	sshll.u32 s1, $0x6;
	s16 =	smul.u32 $0x9C4, s1  }
0x8: {  	_ =	strace $0x8000004A;
	s6 =	smul.u32 $0xA0000, s10;
	s12 =	ssub.s32 $0x2, s10  }
0x9: {  	s20 =	smul.u32 $0x2710, s10;
	s9 =	sshrl.u32 s8, $0x3;
	s14 =	sshrl.u32 s12, $0x1  }
0xa: {  	s29 =	sadd.s32 s8, s2;
	s31 =	sadd.s32 s16, s11;
	s6 =	sadd.s32 s8, s6  }
0xb: {  	s9 =	sadd.s32 s9, s7;
	s13 =	sshrl.u32 s6, $0x3;
	s6 =	smul.u32 $0x4E20, s1  }
.Ltmp0:
0xc: {  	s12 =	ssub.s32 s12, s14;
	s8 =	sor.u32 $0x1C03, s30;
	(pc) =	sbr.rel .LBB2_1-.Ltmp0, $4  }
0xd: {  	s14 =	sshrl.u32 s29, $0x3;
	v0 =	vmov s20;
	s20 =	simm.s32 $0x4B0;
	s13 =	sadd.s32 s13, s7  }
0xe: {  	s7 =	sadd.s32 $0x3C400, s9;
	s15 =	sshrl.u32 s6, $0x3;
	s10 =	sadd.s32 $0x50400, s13  }
0xf: {  	s13 =	sadd.s32 s16, s5;
	s16 =	simm.s32 $0x190;
	s9 =	sadd.s32 s11, s15  }
0x10: {  	s11 =	smax.u32 s12, $0x1;
	s12 =	sadd.s32 $0x32, s31;
	s15 =	simm.s32 $0x3  }
.LBB2_7:
0x11: {  	_ =	swait.ge [sflag:s18], $0x6400  }
0x12: {  	s22 =	sadd.s32 $0x1, s22;
	[sflag:s18] =	ssyncset.done $0x0  }
0x13: {  	p0 =	sne.s32 s22, s11;
	[sflag:s18] =	ssyncadd.s32 $0xFFFF9C00  }
.Ltmp1:
0x14: {  	[bflag:$0x0] =	sbarrier.arrive $0xFFFF;
	(pc) =	sbr.rel @!p0 .LBB2_8-.Ltmp1, $4  }
0x15: {  	[hbm:s10], [sflag:s8] =	dma.local [spmem:s14], $0x1400  }
0x16: {  	_ =	swait.ge [sflag:s15], $0x1400  }
0x17: {  	[sflag:s15] =	ssyncset.done $0x0  }
0x18: {  	[sflag:s15] =	ssyncadd.s32 $0xFFFFEC00  }
.LBB2_1:
0x19: {  	[spmem:s14], [sflag:s8] =	dma.local [hbm:s7], $0x1400  }
0x1a: {  	_ =	swait.ge [sflag:s15], $0x1400  }
0x1b: {  	[sflag:s15] =	ssyncset.done $0x0  }
0x1c: {  	[sflag:s15] =	ssyncadd.s32 $0xFFFFEC00  }
0x1d: {  	[bflag:$0x0] =	sbarrier.arrive $0xFFFF  }
0x1e: {  	[tilespmem:s3], [sflag:$0x3] =	stream.linear.gather [hbm4b:s9+s3], $0x190, $0x38;
	[tilespmem:$0x16E40] =	vst v63  }
0x1f: {  	_ =	swait.ge [sflag:s15], $0x190  }
0x20: {  	[sflag:s15] =	ssyncset.done $0x0  }
0x21: {  	[sflag:s15] =	ssyncadd.s32 $0xFFFFFE70  }
0x22: {  	v1 =	vld [tilespmem:$0x0]  }
0x23: {  	v2 =	vld [tilespmem:$0x10]  }
0x24: {  	v3 =	vld [tilespmem:$0x20]  }
0x25: {  	v4 =	vld [tilespmem:$0x30]  }
0x26: {  	v5 =	vld [tilespmem:$0x40]  }
0x27: {  	v6 =	vld [tilespmem:$0x50];
	v1 =	vadd.s32 v0, v1  }
0x28: {  	[tilespmem:$0x0] =	vst v1;
	v1 =	vadd.s32 v0, v2;
	v2 =	vld [tilespmem:$0x60]  }
0x29: {  	[tilespmem:$0x10] =	vst v1;
	v1 =	vadd.s32 v0, v3;
	v3 =	vld [tilespmem:$0x70]  }
0x2a: {  	v53 =	vld [tilespmem:$0x80];
	[tilespmem:$0x20] =	vst v1;
	v1 =	vadd.s32 v0, v4  }
0x2b: {  	v54 =	vld [tilespmem:$0x90];
	[tilespmem:$0x30] =	vst v1;
	v1 =	vadd.s32 v0, v5  }
0x2c: {  	v55 =	vld [tilespmem:$0xA0];
	[tilespmem:$0x40] =	vst v1;
	v1 =	vadd.s32 v0, v6  }
0x2d: {  	[tilespmem:$0x50] =	vst v1;
	v1 =	vadd.s32 v0, v2;
	v2 =	vld [tilespmem:$0xB0]  }
0x2e: {  	[tilespmem:$0x60] =	vst v1;
	v1 =	vadd.s32 v0, v3;
	v3 =	vld [tilespmem:$0xC0]  }
0x2f: {  	v56 =	vld [tilespmem:$0xD0];
	[tilespmem:$0x70] =	vst v1;
	v1 =	vadd.s32 v0, v53  }
0x30: {  	v57 =	vld [tilespmem:$0xE0];
	[tilespmem:$0x80] =	vst v1;
	v1 =	vadd.s32 v0, v54  }
0x31: {  	v58 =	vld [tilespmem:$0xF0];
	[tilespmem:$0x90] =	vst v1;
	v1 =	vadd.s32 v0, v55  }
0x32: {  	[tilespmem:$0xA0] =	vst v1;
	v1 =	vadd.s32 v0, v2;
	v2 =	vld [tilespmem:$0x100]  }
0x33: {  	[tilespmem:$0xB0] =	vst v1;
	v1 =	vadd.s32 v0, v3;
	v3 =	vld [tilespmem:$0x110]  }
0x34: {  	v59 =	vld [tilespmem:$0x120];
	[tilespmem:$0xC0] =	vst v1;
	v1 =	vadd.s32 v0, v56  }
0x35: {  	v60 =	vld [tilespmem:$0x130];
	[tilespmem:$0xD0] =	vst v1;
	v1 =	vadd.s32 v0, v57  }
0x36: {  	v61 =	vld [tilespmem:$0x140];
	[tilespmem:$0xE0] =	vst v1;
	v1 =	vadd.s32 v0, v58  }
0x37: {  	[tilespmem:$0xF0] =	vst v1;
	v1 =	vadd.s32 v0, v2;
	v2 =	vld [tilespmem:$0x150]  }
0x38: {  	[tilespmem:$0x100] =	vst v1;
	v1 =	vadd.s32 v0, v3;
	v3 =	vld [tilespmem:$0x160]  }
0x39: {  	v62 =	vld [tilespmem:$0x170];
	[tilespmem:$0x110] =	vst v1;
	v1 =	vadd.s32 v0, v59  }
0x3a: {  	v63 =	vld [tilespmem:$0x180];
	[tilespmem:$0x120] =	vst v1;
	v1 =	vadd.s32 v0, v60  }
0x3b: {  	[tilespmem:$0x130] =	vst v1;
	v1 =	vadd.s32 v0, v61  }
0x3c: {  	[tilespmem:$0x140] =	vst v1;
	v1 =	vadd.s32 v0, v2  }
.Ltmp2:
0x3d: {  	[tilespmem:$0x150] =	vst v1;
	v1 =	vadd.s32 v0, v3;
	(pc) =	sbr.rel .LBB2_2-.Ltmp2, $4  }
0x3e: {  	[tilespmem:$0x160] =	vst v1;
	v1 =	vadd.s32 v0, v62  }
0x3f: {  	[tilespmem:$0x170] =	vst v1;
	v1 =	vadd.s32 v0, v63  }
0x40: {  	s23 =	simm.s32 $0x0;
	s24 =	simm.s32 $0x0;
	s25 =	simm.s32 $0x0;
	[tilespmem:$0x180] =	vst v1  }
0x41: {  	[tilespmem:s17], [sflag:$0x1] =	stream.indirect.gather [hbm4b:s4+s16], $0x40, s3, s16, $0xb8;
	[tilespmem:$0x16E40] =	vst v63  }
.LBB2_5:
0x42: {  	_ =	swait.ge [sflag:s19], $0x6400;
	s0 =	sadd.s32 s6, s26  }
0x43: {  	[sflag:s19] =	ssyncset.done $0x0;
	s0 =	sshrl.u32 s0, $0x3  }
0x44: {  	[sflag:s19] =	ssyncadd.s32 $0xFFFF9C00;
	s0 =	sadd.s32 s5, s0  }
0x45: {  	[tilespmem:s20], [sflag:$0x3] =	stream.linear.gather [hbm4b:s0+s3], $0x190, $0x38;
	[tilespmem:$0x16E40] =	vst v63  }
0x46: {  	_ =	swait.ge [sflag:s15], $0x190  }
0x47: {  	[sflag:s15] =	ssyncset.done $0x0  }
0x48: {  	[sflag:s15] =	ssyncadd.s32 $0xFFFFFE70  }
0x49: {  	[spmem:s2] =	stream.indirect.scatter.add.f32 [tilespmem:s21], [sflag:$0x2], $0x40, s20, s16, $0xb8;
	[tilespmem:$0x16E40] =	vst v63  }
.LBB2_6:
0x4a: {  	s23 =	sadd.s32 $0x32, s23  }
0x4b: {  	p0 =	sne.s32 s23, $0x9C4  }
.Ltmp3:
0x4c: {  	_ = 	snop;
	(pc) =	sbr.rel @!p0 .LBB2_7-.Ltmp3, $2  }
0x4d: {  	_ =	sdelay $0x2  }
0x4e: {  	s25 =	sadd.s32 $0x1, s25;
	s24 =	sadd.s32 $0x190, s24  }
.LBB2_2:
0x4f: {  	s26 =	sand.u32 $0x1, s25  }
0x50: {  	p0 =	seq.s32 s26, $0x1  }
0x51: {  	p1 =	seq.s32 @!p0 s23, $0x0  }
0x52: {  	p1 =	por p1, p0  }
0x53: {  	s28 =	simm.s32 @!p1 $0x2  }
0x54: {  	_ =	swait.ge @!p1 [sflag:s28], $0x6400  }
0x55: {  	s30 =	sadd.s32 @!p0 s23, s12;
	[sflag:s28] =	ssyncset.done @!p1 $0x0  }
0x56: {  	s29 =	simm.s32 @!p0 $0x0;
	[sflag:s28] =	ssyncadd.s32 @!p1 $0xFFFF9C00;
	s28 =	simm.s32 @!p0 $0x190  }
0x57: {  	[tilespmem:s28], [sflag:$0x3] =	stream.linear.gather @!p0 [hbm4b:s30+s29], $0x190, $0x38;
	[tilespmem:$0x16E40] =	vst v63  }
0x58: {  	s30 =	simm.s32 @!p0 $0x3  }
0x59: {  	_ =	swait.ge @!p0 [sflag:s30], $0x190  }
0x5a: {  	[sflag:s30] =	ssyncset.done @!p0 $0x0  }
0x5b: {  	[sflag:s30] =	ssyncadd.s32 @!p0 $0xFFFFFE70  }
0x5c: {  	v1 =	vld @!p0 [tilespmem:$0x190]  }
0x5d: {  	v2 =	vld @!p0 [tilespmem:$0x1A0]  }
0x5e: {  	v3 =	vld @!p0 [tilespmem:$0x1B0]  }
0x5f: {  	v4 =	vld @!p0 [tilespmem:$0x1C0]  }
0x60: {  	v5 =	vld @!p0 [tilespmem:$0x1D0]  }
0x61: {  	v6 =	vld @!p0 [tilespmem:$0x1E0];
	v1 =	vadd.s32 @!p0 v0, v1  }
0x62: {  	[tilespmem:$0x190] =	vst @!p0 v1;
	v1 =	vadd.s32 @!p0 v0, v2;
	v2 =	vld @!p0 [tilespmem:$0x1F0]  }
0x63: {  	[tilespmem:$0x1A0] =	vst @!p0 v1;
	v1 =	vadd.s32 @!p0 v0, v3;
	v3 =	vld @!p0 [tilespmem:$0x200]  }
0x64: {  	[tilespmem:$0x1B0] =	vst @!p0 v1;
	v1 =	vadd.s32 @!p0 v0, v4;
	v4 =	vld @!p0 [tilespmem:$0x210]  }
0x65: {  	[tilespmem:$0x1C0] =	vst @!p0 v1;
	v1 =	vadd.s32 @!p0 v0, v5;
	v5 =	vld @!p0 [tilespmem:$0x220]  }
0x66: {  	[tilespmem:$0x1D0] =	vst @!p0 v1;
	v1 =	vadd.s32 @!p0 v0, v6;
	v6 =	vld @!p0 [tilespmem:$0x230]  }
0x67: {  	[tilespmem:$0x1E0] =	vst @!p0 v1;
	v1 =	vadd.s32 @!p0 v0, v2;
	v2 =	vld @!p0 [tilespmem:$0x240]  }
0x68: {  	[tilespmem:$0x1F0] =	vst @!p0 v1;
	v1 =	vadd.s32 @!p0 v0, v3;
	v3 =	vld @!p0 [tilespmem:$0x250]  }
0x69: {  	[tilespmem:$0x200] =	vst @!p0 v1;
	v1 =	vadd.s32 @!p0 v0, v4;
	v4 =	vld @!p0 [tilespmem:$0x260]  }
0x6a: {  	[tilespmem:$0x210] =	vst @!p0 v1;
	v1 =	vadd.s32 @!p0 v0, v5;
	v5 =	vld @!p0 [tilespmem:$0x270]  }
0x6b: {  	[tilespmem:$0x220] =	vst @!p0 v1;
	v1 =	vadd.s32 @!p0 v0, v6;
	v6 =	vld @!p0 [tilespmem:$0x280]  }
0x6c: {  	[tilespmem:$0x230] =	vst @!p0 v1;
	v1 =	vadd.s32 @!p0 v0, v2;
	v2 =	vld @!p0 [tilespmem:$0x290]  }
0x6d: {  	[tilespmem:$0x240] =	vst @!p0 v1;
	v1 =	vadd.s32 @!p0 v0, v3;
	v3 =	vld @!p0 [tilespmem:$0x2A0]  }
0x6e: {  	[tilespmem:$0x250] =	vst @!p0 v1;
	v1 =	vadd.s32 @!p0 v0, v4;
	v4 =	vld @!p0 [tilespmem:$0x2B0]  }
0x6f: {  	[tilespmem:$0x260] =	vst @!p0 v1;
	v1 =	vadd.s32 @!p0 v0, v5;
	v5 =	vld @!p0 [tilespmem:$0x2C0]  }
0x70: {  	[tilespmem:$0x270] =	vst @!p0 v1;
	v1 =	vadd.s32 @!p0 v0, v6;
	v6 =	vld @!p0 [tilespmem:$0x2D0]  }
0x71: {  	[tilespmem:$0x280] =	vst @!p0 v1;
	v1 =	vadd.s32 @!p0 v0, v2;
	v2 =	vld @!p0 [tilespmem:$0x2E0]  }
0x72: {  	[tilespmem:$0x290] =	vst @!p0 v1;
	v1 =	vadd.s32 @!p0 v0, v3;
	v3 =	vld @!p0 [tilespmem:$0x2F0]  }
0x73: {  	[tilespmem:$0x2A0] =	vst @!p0 v1;
	v1 =	vadd.s32 @!p0 v0, v4;
	v4 =	vld @!p0 [tilespmem:$0x300]  }
0x74: {  	[tilespmem:$0x2B0] =	vst @!p0 v1;
	v1 =	vadd.s32 @!p0 v0, v5;
	v5 =	vld @!p0 [tilespmem:$0x310]  }
0x75: {  	[tilespmem:$0x2C0] =	vst @!p0 v1;
	v1 =	vadd.s32 @!p0 v0, v6  }
0x76: {  	[tilespmem:$0x2D0] =	vst @!p0 v1;
	v1 =	vadd.s32 @!p0 v0, v2  }
0x77: {  	[tilespmem:$0x2E0] =	vst @!p0 v1;
	v1 =	vadd.s32 @!p0 v0, v3  }
0x78: {  	[tilespmem:$0x2F0] =	vst @!p0 v1;
	v1 =	vadd.s32 @!p0 v0, v4  }
0x79: {  	[tilespmem:$0x300] =	vst @!p0 v1;
	v1 =	vadd.s32 @!p0 v0, v5  }
0x7a: {  	s31 =	simm.s32 @!p0 $0x6A40;
	[tilespmem:$0x310] =	vst @!p0 v1  }
0x7b: {  	[tilespmem:s31], [sflag:$0x1] =	stream.indirect.gather @!p0 [hbm4b:s4+s28], $0x40, s28, s28, $0xb8;
	[tilespmem:$0x16E40] =	vst v63  }
0x7c: {  	s31 =	simm.s32 @!p0 $0x1  }
0x7d: {  	_ =	swait.ge @!p0 [sflag:s31], $0x6400  }
0x7e: {  	[sflag:s31] =	ssyncset.done @!p0 $0x0  }
0x7f: {  	s0 =	simm.s32 @!p0 $0x320;
	[sflag:s31] =	ssyncadd.s32 @!p0 $0xFFFF9C00;
	s31 =	sadd.s32 @!p0 s23, s13  }
0x80: {  	[tilespmem:s0], [sflag:$0x3] =	stream.linear.gather @!p0 [hbm4b:s31+s29], $0x190, $0x38;
	[tilespmem:$0x16E40] =	vst v63  }
0x81: {  	_ =	swait.ge @!p0 [sflag:s30], $0x190  }
0x82: {  	[sflag:s30] =	ssyncset.done @!p0 $0x0  }
0x83: {  	p1 =	seq.s32 @!p0 s26, $0x0;
	s29 =	simm.s32 @!p0 $0x640;
	[sflag:s30] =	ssyncadd.s32 @!p0 $0xFFFFFE70  }
0x84: {  	[spmem:s2] =	stream.indirect.scatter.add.f32 @!p0 [tilespmem:s29], [sflag:$0x2], $0x40, s0, s28, $0xb8;
	[tilespmem:$0x16E40] =	vst v63  }
0x85: {  	p0 =	por p0, !p1  }
.Ltmp4:
0x86: {  	_ = 	snop;
	(pc) =	sbr.rel @!p0 .LBB2_6-.Ltmp4, $1  }
0x87: {  	_ =	sdelay $0x3  }
0x88: {  	p0 =	seq.s32 s23, $0x992  }
.Ltmp5:
0x89: {  	_ = 	snop;
	(pc) =	sbr.rel @p0 .LBB2_5-.Ltmp5, $4  }
0x8a: {  	_ = 	snop  }
0x8b: {  	_ =	swait.ge [sflag:s18], $0x6400  }
0x8c: {  	[sflag:s18] =	ssyncset.done $0x0  }
0x8d: {  	s26 =	simm.s32 $0x4C90;
	[sflag:s18] =	ssyncadd.s32 $0xFFFF9C00  }
0x8e: {  	s0 =	sadd.s32 s23, s12  }
0x8f: {  	[tilespmem:s3], [sflag:$0x3] =	stream.linear.gather [hbm4b:s0+s3], $0x190, $0x38;
	[tilespmem:$0x16E40] =	vst v63  }
0x90: {  	_ =	swait.ge [sflag:s15], $0x190  }
0x91: {  	[sflag:s15] =	ssyncset.done $0x0  }
0x92: {  	[sflag:s15] =	ssyncadd.s32 $0xFFFFFE70  }
0x93: {  	v1 =	vld [tilespmem:$0x0]  }
0x94: {  	v2 =	vld [tilespmem:$0x10]  }
0x95: {  	v3 =	vld [tilespmem:$0x20]  }
0x96: {  	v4 =	vld [tilespmem:$0x30]  }
0x97: {  	v5 =	vld [tilespmem:$0x40]  }
0x98: {  	v6 =	vld [tilespmem:$0x50];
	v1 =	vadd.s32 v0, v1  }
0x99: {  	[tilespmem:$0x0] =	vst v1;
	v1 =	vadd.s32 v0, v2;
	v2 =	vld [tilespmem:$0x60]  }
0x9a: {  	[tilespmem:$0x10] =	vst v1;
	v1 =	vadd.s32 v0, v3;
	v3 =	vld [tilespmem:$0x70]  }
0x9b: {  	v53 =	vld [tilespmem:$0x80];
	[tilespmem:$0x20] =	vst v1;
	v1 =	vadd.s32 v0, v4  }
0x9c: {  	v54 =	vld [tilespmem:$0x90];
	[tilespmem:$0x30] =	vst v1;
	v1 =	vadd.s32 v0, v5  }
0x9d: {  	v55 =	vld [tilespmem:$0xA0];
	[tilespmem:$0x40] =	vst v1;
	v1 =	vadd.s32 v0, v6  }
0x9e: {  	[tilespmem:$0x50] =	vst v1;
	v1 =	vadd.s32 v0, v2;
	v2 =	vld [tilespmem:$0xB0]  }
0x9f: {  	[tilespmem:$0x60] =	vst v1;
	v1 =	vadd.s32 v0, v3;
	v3 =	vld [tilespmem:$0xC0]  }
0xa0: {  	v56 =	vld [tilespmem:$0xD0];
	[tilespmem:$0x70] =	vst v1;
	v1 =	vadd.s32 v0, v53  }
0xa1: {  	v57 =	vld [tilespmem:$0xE0];
	[tilespmem:$0x80] =	vst v1;
	v1 =	vadd.s32 v0, v54  }
0xa2: {  	v58 =	vld [tilespmem:$0xF0];
	[tilespmem:$0x90] =	vst v1;
	v1 =	vadd.s32 v0, v55  }
0xa3: {  	[tilespmem:$0xA0] =	vst v1;
	v1 =	vadd.s32 v0, v2;
	v2 =	vld [tilespmem:$0x100]  }
0xa4: {  	[tilespmem:$0xB0] =	vst v1;
	v1 =	vadd.s32 v0, v3;
	v3 =	vld [tilespmem:$0x110]  }
0xa5: {  	v59 =	vld [tilespmem:$0x120];
	[tilespmem:$0xC0] =	vst v1;
	v1 =	vadd.s32 v0, v56  }
0xa6: {  	v60 =	vld [tilespmem:$0x130];
	[tilespmem:$0xD0] =	vst v1;
	v1 =	vadd.s32 v0, v57  }
0xa7: {  	v61 =	vld [tilespmem:$0x140];
	[tilespmem:$0xE0] =	vst v1;
	v1 =	vadd.s32 v0, v58  }
0xa8: {  	[tilespmem:$0xF0] =	vst v1;
	v1 =	vadd.s32 v0, v2;
	v2 =	vld [tilespmem:$0x150]  }
0xa9: {  	[tilespmem:$0x100] =	vst v1;
	v1 =	vadd.s32 v0, v3;
	v3 =	vld [tilespmem:$0x160]  }
0xaa: {  	v62 =	vld [tilespmem:$0x170];
	[tilespmem:$0x110] =	vst v1;
	v1 =	vadd.s32 v0, v59  }
0xab: {  	v63 =	vld [tilespmem:$0x180];
	[tilespmem:$0x120] =	vst v1;
	v1 =	vadd.s32 v0, v60  }
0xac: {  	[tilespmem:$0x130] =	vst v1;
	v1 =	vadd.s32 v0, v61  }
0xad: {  	[tilespmem:$0x140] =	vst v1;
	v1 =	vadd.s32 v0, v2  }
.Ltmp6:
0xae: {  	[tilespmem:$0x150] =	vst v1;
	v1 =	vadd.s32 v0, v3;
	(pc) =	sbr.rel .LBB2_5-.Ltmp6, $4  }
0xaf: {  	[tilespmem:$0x160] =	vst v1;
	v1 =	vadd.s32 v0, v62  }
0xb0: {  	[tilespmem:$0x170] =	vst v1;
	v1 =	vadd.s32 v0, v63  }
0xb1: {  	s26 =	smov.u32 s24;
	[tilespmem:$0x180] =	vst v1  }
0xb2: {  	[tilespmem:s17], [sflag:$0x1] =	stream.indirect.gather [hbm4b:s4+s16], $0x40, s3, s16, $0xb8;
	[tilespmem:$0x16E40] =	vst v63  }
.LBB2_8:
0xb3: {  	_ =	sfence.sel $0x180000  }
0xb4: {  	[bflag:$0x0] =	sbarrier.arrive $0xFFFF  }
0xb5: {  	_ =	strace $0x9000004A  }
0xb6: {  	[bflag:$0x2] =	sbarrier.arrive $0xFFFF  }
0xb7: {  	p0 =	sne.s32 s1, $0x0;
	s0 =	rddreg [dreg:$0x2]  }
0xb8: {  	s0 =	sadd.s32 @!p0 $0x100000, s0  }
0xb9: {  	[sflag:s0] =	ssyncadd.tile.s32 @!p0 $0x1;
	_ =	shalt  }
.Lfunc_end2:
_tile_overlayer_lowered:
.L_overlay_start_2:
0xba: {  	(tag) =	ssettag $0x2  }
0xbb: {  	s0 =	rddreg [dreg:$0x0];
	s2 =	stileid.u32  }
0xbc: {  	s1 =	rddreg [dreg:$0x1];
	p0 =	sne.s32 s2, $0x0  }
0xbd: {  	s3 =	rddreg [dreg:$0x2];
	[bflag:$0x3] =	sbarrier.arrive $0xFFFF;
	s2 =	simm.s32 @!p0 $0x1C03  }
0xbe: {  	[timem:s3], [sflag:s2] =	dma.local @!p0 [hbm:s0], s1  }
0xbf: {  	s0 =	simm.s32 @!p0 $0x3  }
0xc0: {  	_ =	swait.ge @!p0 [sflag:s0], s1  }
0xc1: {  	s1 =	ssub.s32 @!p0 $0x0, s1;
	[sflag:s0] =	ssyncset.done @!p0 $0x0  }
0xc2: {  	[sflag:s0] =	ssyncadd.s32 @!p0 s1  }
0xc3: {  	[bflag:$0x3] =	sbarrier.arrive $0xFFFF  }
0xc4: {  	_ =	shalt  }

// kernel: kernel.15.cloned.1.call-start
scs
__scs_entry_jumppad:
0x0: {  	(pc) =	sbr.rel $0x88, $3  }
0x1: {  	(tag) =	ssettag $0x0;
	lr =	simm.s32 $0x1  }
0x2: {  	[smem:$0x3F9B] =	sst lr;
	_ =	strace $0xD0000000  }
0x3: {  	_ = 	snop  }
0x4: {  	_ = 	snop  }
0x5: {  	_ = 	snop  }
0x6: {  	_ = 	snop  }
0x7: {  	_ = 	snop  }
__scs_overlays_trampoline_lowered:
0x8: {  	[smem:$0x3FAA] =	sst s0  }
0x9: {  	[smem:$0x3FAB] =	sst s1  }
0xa: {  	[smem:$0x3FAC] =	sst s2  }
0xb: {  	[smem:$0x3FAD] =	sst s3  }
0xc: {  	[smem:$0x3FAE] =	sst s4  }
0xd: {  	[smem:$0x3FAF] =	sst s5  }
0xe: {  	[smem:$0x3FB0] =	sst s6  }
0xf: {  	[smem:$0x3FB1] =	sst s7  }
0x10: {  	[smem:$0x3FB2] =	sst s8  }
0x11: {  	[smem:$0x3FB3] =	sst s9;
	s0 =	simm.s32 @!p0 $0x0  }
0x12: {  	s1 =	sld [smem:$0x3F99];
	s0 =	simm.s32 @p0 $0x1  }
0x13: {  	[smem:$0x3FB4] =	sst s0;
	s0 =	simm.s32 @!p1 $0x0  }
0x14: {  	s2 =	sld [smem:$0x3F98];
	s0 =	simm.s32 @p1 $0x1  }
0x15: {  	[smem:$0x3FB5] =	sst s0;
	s0 =	simm.s32 @!p2 $0x0  }
0x16: {  	s3 =	sld [smem:$0x3FDB];
	s0 =	simm.s32 @p2 $0x1  }
0x17: {  	s4 =	simm.s32 $0x1BF5;
	[smem:$0x3FB7] =	sst s0  }
0x18: {  	s0 =	sld [smem:$0x3F9A];
	_ =	swait.ge [sflag:s4], $0x0  }
0x19: {  	s7 =	sld [smem:$0x3F9B]  }
0x1a: {  	s8 =	sadd.s32 $0xFFFFE003, lr  }
0x1b: {  	s9 =	sadd.s32 $0xFFFFFEF7, lr;
	s5 =	simm.s32 $0xFFFFFFFF;
	p2 =	slt.u32 s8, $0xFFFFF086  }
0x1c: {  	p1 =	slt.u32 s9, $0xF7A;
	s5 =	simm.s32 @!p2 $0x0  }
0x1d: {  	s5 =	simm.s32 @p1 $0x1;
	p0 =	seq.s32 s7, s2  }
0x1e: {  	s7 =	smul.u32 @!p0 $0xF7A, s2;
	p2 =	seq.s32 @!p0 s5, $0x0  }
0x1f: {  	s9 =	smul.u32 $0xF7A, s1;
	s8 =	simm.s32 @!p0 $0x1BF5;
	p2 =	por !p2, p0  }
0x20: {  	[sflag:s8] =	ssyncset.s32 @!p0 $0xFFFFF086;
	s6 =	sadd.s32 @!p0 s3, s7;
	s7 =	simm.s32 @!p0 $0x108  }
0x21: {  	s3 =	sadd.s32 s3, s9;
	s6 =	sadd.s32 @!p0 $0x88, s6;
	s7 =	simm.s32 @p2 $0x1082  }
0x22: {  	[simem:s7], [sflag:s8] =	dma.local @!p0 [hbm:s6], $0xF7A  }
0x23: {  	s9 =	sor.u32 $0xD0000000, s2;
	s6 =	simm.s32 $0x108;
	_ =	swait.ge @!p0 [sflag:s8], $0x0  }
0x24: {  	s3 =	sadd.s32 $0x88, s3;
	s6 =	simm.s32 @!p1 $0x1082;
	[sflag:s4] =	ssyncset.s32 $0xFFFFF086  }
0x25: {  	[simem:s6], [sflag:s4] =	dma.local [hbm:s3], $0xF7A  }
0x26: {  	[smem:$0x3F9B] =	sst s1;
	(tag) =	ssettag s2;
	_ =	strace s9  }
0x27: {  	s1 =	sld [smem:$0x3FAB]  }
0x28: {  	s2 =	sld [smem:$0x3FAC]  }
0x29: {  	s4 =	sld [smem:$0x3FAE]  }
0x2a: {  	p0 =	seq.s32 s5, $0x0;
	s5 =	sld [smem:$0x3FAF]  }
0x2b: {  	s6 =	sld [smem:$0x3FB0]  }
0x2c: {  	s7 =	sld [smem:$0x3FB1]  }
0x2d: {  	s3 =	simm.s32 $0x108;
	s8 =	sld [smem:$0x3FB2]  }
0x2e: {  	s3 =	simm.s32 @!p0 $0x1082;
	s9 =	sld [smem:$0x3FB3]  }
0x2f: {  	lr =	sadd.s32 s0, s3;
	s0 =	sld [smem:$0x3FAA]  }
0x30: {  	s3 =	sld [smem:$0x3FAD]  }
0x31: {  	[smem:$0x3FB6] =	sst s10  }
0x32: {  	s10 =	sld [smem:$0x3FB4];
	_ =	sdelay $0x3  }
0x33: {  	p0 =	seq.s32 s10, $0x1;
	s10 =	sld [smem:$0x3FB6];
	_ =	sdelay $0x3  }
0x34: {  	[smem:$0x3FB6] =	sst s10  }
0x35: {  	s10 =	sld [smem:$0x3FB5];
	_ =	sdelay $0x3  }
0x36: {  	p1 =	seq.s32 s10, $0x1;
	s10 =	sld [smem:$0x3FB6];
	_ =	sdelay $0x3  }
0x37: {  	[smem:$0x3FB6] =	sst s10  }
0x38: {  	s10 =	sld [smem:$0x3FB7]  }
0x39: {  	_ = 	snop;
	(pc) =	sbr.ind lr, $3  }
0x3a: {  	_ = 	snop  }
0x3b: {  	_ = 	snop  }
0x3c: {  	p2 =	seq.s32 s10, $0x1;
	s10 =	sld [smem:$0x3FB6]  }
0x3d: {  	_ =	shalt  }
0x3e: {  	_ =	shalt  }
0x3f: {  	_ =	shalt  }
0x40: {  	_ =	shalt  }
0x41: {  	_ =	shalt  }
0x42: {  	_ =	shalt  }
0x43: {  	_ =	shalt  }
0x44: {  	_ =	shalt  }
0x45: {  	_ =	shalt  }
0x46: {  	_ =	shalt  }
0x47: {  	_ =	shalt  }
0x48: {  	_ =	shalt  }
0x49: {  	_ =	shalt  }
0x4a: {  	_ =	shalt  }
0x4b: {  	_ =	shalt  }
0x4c: {  	_ =	shalt  }
0x4d: {  	_ =	shalt  }
0x4e: {  	_ =	shalt  }
0x4f: {  	_ =	shalt  }
0x50: {  	_ =	shalt  }
0x51: {  	_ =	shalt  }
0x52: {  	_ =	shalt  }
0x53: {  	_ =	shalt  }
0x54: {  	_ =	shalt  }
0x55: {  	_ =	shalt  }
0x56: {  	_ =	shalt  }
0x57: {  	_ =	shalt  }
0x58: {  	_ =	shalt  }
0x59: {  	_ =	shalt  }
0x5a: {  	_ =	shalt  }
0x5b: {  	_ =	shalt  }
0x5c: {  	_ =	shalt  }
0x5d: {  	_ =	shalt  }
0x5e: {  	_ =	shalt  }
0x5f: {  	_ =	shalt  }
0x60: {  	_ =	shalt  }
0x61: {  	_ =	shalt  }
0x62: {  	_ =	shalt  }
0x63: {  	_ =	shalt  }
0x64: {  	_ =	shalt  }
0x65: {  	_ =	shalt  }
0x66: {  	_ =	shalt  }
0x67: {  	_ =	shalt  }
0x68: {  	_ =	shalt  }
0x69: {  	_ =	shalt  }
0x6a: {  	_ =	shalt  }
0x6b: {  	_ =	shalt  }
0x6c: {  	_ =	shalt  }
0x6d: {  	_ =	shalt  }
0x6e: {  	_ =	shalt  }
0x6f: {  	_ =	shalt  }
0x70: {  	_ =	shalt  }
0x71: {  	_ =	shalt  }
0x72: {  	_ =	shalt  }
0x73: {  	_ =	shalt  }
0x74: {  	_ =	shalt  }
0x75: {  	_ =	shalt  }
0x76: {  	_ =	shalt  }
0x77: {  	_ =	shalt  }
0x78: {  	_ =	shalt  }
0x79: {  	_ =	shalt  }
0x7a: {  	_ =	shalt  }
0x7b: {  	_ =	shalt  }
0x7c: {  	_ =	shalt  }
0x7d: {  	_ =	shalt  }
0x7e: {  	_ =	shalt  }
0x7f: {  	_ =	shalt  }
0x80: {  	_ =	shalt  }
0x81: {  	_ =	shalt  }
0x82: {  	_ =	shalt  }
0x83: {  	_ =	shalt  }
0x84: {  	_ =	shalt  }
0x85: {  	_ =	shalt  }
0x86: {  	_ =	shalt  }
0x87: {  	_ =	shalt  }
.Lfunc_end0:
.L_simem_size_0:
called_computation.2_lowered:
.L_overlay_start_0:
0x88: {  	s2 =	sld [smem:$0x3FD9]  }
0x89: {  	s3 =	sld [smem:$0x3FFE];
	_ =	sdelay $0x1  }
0x8a: {  	s1 =	srdreg.scid  }
0x8b: {  	s0 =	sand.u32 $0x1, s1  }
0x8c: {  	s17 =	sshll.u32 s0, $0xA;
	s2 =	sadd.s32 s3, s2  }
0x8d: {  	s2 =	sadd.s32 s2, s17  }
0x8e: {  	[smem:$0x3FC2] =	sst s2  }
0x8f: {  	_ = 	snop  }
0x90: {  	s2 =	sld [smem:$0x3FD0];
	(tm) =	ssettm $0x1  }
0x91: {  	s18 =	sld [smem:$0x3FFB];
	_ =	sdelay $0x3  }
0x92: {  	_ =	strace s18  }
0x93: {  	s3 =	sld [smem:$0x3FFC];
	_ =	sdelay $0x3  }
0x94: {  	_ =	strace s3  }
0x95: {  	s3 =	sld [smem:$0x3FFD];
	_ =	sdelay $0x3  }
0x96: {  	_ =	strace s3  }
0x97: {  	_ =	strace $0x8FFFFFFF  }
0x98: {  	s19 =	sld [smem:$0x3FDB];
	_ =	sdelay $0x1  }
0x99: {  	s4 =	simm.s32 $_scs_section_size  }
0x9a: {  	s5 =	simm.s32 $_size__tile_overlayer_lowered;
	s6 =	simm.s32 $_tile_overlayer_lowered  }
0x9b: {  	s22 =	simm.s32 $0x1BFF;
	s21 =	sshll.u32 s6, $0x1;
	s3 =	sadd.s32 s4, s19  }
0x9c: {  	s7 =	simm.s32 $0x0;
	s20 =	sshll.u32 s5, $0x1;
	s5 =	sadd.s32 s21, s3  }
0x9d: {  	[timem:s7], [sflag:s22] =	dma.local [hbm:s5], s20  }
0x9e: {  	_ =	swait.ge [sflag:s22], s20  }
0x9f: {  	s4 =	ssub.s32 $0x0, s20;
	[sflag:s22] =	ssyncset.done $0x0  }
0xa0: {  	[sflag:s22] =	ssyncadd.s32 s4;
	_ =	sdelay $0x1  }
0xa1: {  	s23 =	simm.s32 $0x1B8B  }
0xa2: {  	_ =	swait.ge [sflag:s23], $0x1  }
0xa3: {  	[sflag:s23] =	ssyncset.done $0x0  }
0xa4: {  	s25 =	simm.s32 $0x1B8E;
	s24 =	sld [smem:$0x3FFE];
	[sflag:s23] =	ssyncadd.s32 $0xFFFFFFFF  }
0xa5: {  	s26 =	simm.s32 $execute0_lowered;
	[smem:$0x3FD2] =	sst s25  }
0xa6: {  	s5 =	sshll.u32 s26, $0x1;
	_ =	strace $0x8000004C;
	[dreg:$0x1] =	wrdreg $0xFFFFFFFF  }
0xa7: {  	s28 =	simm.s32 $_size_execute0_lowered;
	s3 =	sadd.s32 s3, s5;
	[dreg:$0x0] =	wrdreg $0x0  }
0xa8: {  	s5 =	sshll.u32 s28, $0x1;
	[dreg:$0x2] =	wrdreg s3  }
0xa9: {  	[dreg:$0x3] =	wrdreg s5  }
0xaa: {  	[dreg:$0x4] =	wrdreg $0xC0  }
0xab: {  	_ =	task [dreg:s7], $0x5FFFF  }
0xac: {  	[dreg:$0x1] =	wrdreg $0xFFFFFFFF  }
0xad: {  	[dreg:$0x0] =	wrdreg $0x60  }
0xae: {  	[dreg:$0x2] =	wrdreg s2  }
0xaf: {  	[dreg:$0x3] =	wrdreg s24  }
0xb0: {  	[dreg:$0x4] =	wrdreg $0xCE400  }
0xb1: {  	[dreg:$0x5] =	wrdreg $0x9  }
0xb2: {  	_ =	task.clear_ibuf [dreg:s7], $0x6FFFF;
	_ =	strace $0x9000004C  }
0xb3: {  	s29 =	simm.s32 $0x9;
	_ =	strace $0x8000004E  }
0xb4: {  	_ =	swait.ge [sflag:s29], $0x1  }
0xb5: {  	[sflag:s29] =	ssyncadd.s32 $0xFFFFFFFF  }
0xb6: {  	_ =	strace $0x9000004E  }
0xb7: {  	_ =	sfence  }
0xb8: {  	s30 =	sld [smem:$0x0];
	_ =	sdelay $0x2  }
0xb9: {  	s31 =	sshll.u32 s1, $0xD;
	s1 =	sshrl.u32 s1, $0x2  }
0xba: {  	s3 =	sand.u32 $0x4000, s31;
	s1 =	sadd.s32 s1, s30  }
0xbb: {  	s0 =	sor.u32 s3, s0;
	s1 =	sshll.u32 s1, $0x11  }
0xbc: {  	s0 =	sor.u32 s1, s0  }
0xbd: {  	s0 =	sadd.s32 $0x8F2B, s0  }
0xbe: {  	[sflag:s0] =	ssyncadd.remote.s32 $0x1  }
0xbf: {  	_ =	sfence.sel $0xFFFF  }
0xc0: {  	[dreg:$0x0] =	wrdreg $0xFFFFFFFF;
	(pc) =	sbr.abs _section_cstart, $3  }
0xc1: {  	[dreg:$0x1] =	wrdreg $0xFFFFFFFF  }
0xc2: {  	_ =	task.clear_ibuf [dreg:s7], $0x2FFFF;
	_ =	strace $0x9FFFFFFF  }
0xc3: {  	(tm) =	ssettm $0x7FFFFFFF  }
tec
execute0_lowered:
.L_overlay_start_1:
0x0: {  	(tag) =	ssettag $0x1  }
0x1: {  	s1 =	rddreg [dreg:$0x0]  }
0x2: {  	s7 =	rddreg [dreg:$0x1]  }
0x3: {  	s3 =	rddreg [dreg:$0x2]  }
0x4: {  	s4 =	simm.s32 $0x0;
	s2 =	stileid.u32;
	s5 =	srdreg.scid  }
0x5: {  	s18 =	simm.s32 $0x6A40;
	s19 =	simm.s32 $0x320;
	s20 =	simm.s32 $0x2  }
0x6: {  	s21 =	simm.s32 $0x1;
	s22 =	simm.s32 $0x4B0;
	s23 =	simm.s32 $0x190  }
0x7: {  	s24 =	simm.s32 $0x0;
	[smem:$0x7FF] =	sst s4;
	s8 =	smul.u32 $0xA000, s2  }
0x8: {  	s14 =	sadd.s32 $0x1600, s7;
	s9 =	sand.u32 $0x1, s5;
	s5 =	sadd.s32 $0xB400, s7  }
0x9: {  	s29 =	smul.u32 $0x2710, s2;
	s30 =	sshll.u32 s2, $0x6;
	_ =	strace $0x8000004D  }
0xa: {  	s10 =	smul.u32 $0xA0000, s9;
	s11 =	sshll.u32 s9, $0x4;
	s28 =	ssub.s32 $0x2, s9  }
0xb: {  	s9 =	smul.u32 $0x27100, s9;
	s6 =	sshrl.u32 s8, $0x3;
	s26 =	sor.u32 s2, s11  }
0xc: {  	s13 =	sshrl.u32 s28, $0x1;
	s15 =	sadd.s32 s8, s3;
	s12 =	sadd.s32 s6, s7  }
0xd: {  	s10 =	sadd.s32 s8, s10;
	s6 =	smul.u32 $0x2710, s26;
	s11 =	ssub.s32 s28, s13  }
0xe: {  	s8 =	sor.u32 $0x1C03, s30;
	s31 =	sadd.s32 s29, s9;
	s15 =	sshrl.u32 s15, $0x3  }
.Ltmp0:
0xf: {  	s10 =	sshrl.u32 s10, $0x3;
	s13 =	sadd.s32 $0x320, s31;
	(pc) =	sbr.rel .LBB2_1-.Ltmp0, $4  }
0x10: {  	s11 =	smax.u32 s11, $0x1;
	s10 =	sadd.s32 s10, s7;
	s16 =	sshrl.u32 s6, $0x3  }
0x11: {  	s7 =	sadd.s32 $0x3C400, s12;
	s17 =	sshrl.u32 s13, $0x3;
	s9 =	sadd.s32 s14, s16  }
0x12: {  	s10 =	sadd.s32 $0x50400, s10;
	s13 =	sadd.s32 s5, s16;
	s14 =	sadd.s32 s17, s14  }
0x13: {  	s16 =	simm.s32 $0x3;
	s17 =	simm.s32 $0x640;
	s12 =	sadd.s32 $0x32, s9  }
.LBB2_5:
0x14: {  	_ =	swait.ge [sflag:s20], $0x6400  }
0x15: {  	s24 =	sadd.s32 $0x1, s24;
	[sflag:s20] =	ssyncset.done $0x0  }
0x16: {  	p0 =	sne.s32 s24, s11;
	[sflag:s20] =	ssyncadd.s32 $0xFFFF9C00  }
.Ltmp1:
0x17: {  	[bflag:$0x0] =	sbarrier.arrive $0xFFFF;
	(pc) =	sbr.rel @!p0 .LBB2_6-.Ltmp1, $4  }
0x18: {  	[hbm:s10], [sflag:s8] =	dma.local [spmem:s15], $0x1400  }
0x19: {  	_ =	swait.ge [sflag:s16], $0x1400  }
0x1a: {  	[sflag:s16] =	ssyncset.done $0x0  }
0x1b: {  	[sflag:s16] =	ssyncadd.s32 $0xFFFFEC00  }
.LBB2_1:
0x1c: {  	[spmem:s15], [sflag:s8] =	dma.local [hbm:s7], $0x1400  }
0x1d: {  	_ =	swait.ge [sflag:s16], $0x1400  }
0x1e: {  	[sflag:s16] =	ssyncset.done $0x0  }
0x1f: {  	[sflag:s16] =	ssyncadd.s32 $0xFFFFEC00  }
0x20: {  	[bflag:$0x0] =	sbarrier.arrive $0xFFFF  }
0x21: {  	[tilespmem:s4], [sflag:$0x3] =	stream.linear.gather [hbm4b:s9+s4], $0x190, $0x38;
	[tilespmem:$0x16E40] =	vst v63  }
0x22: {  	_ =	swait.ge [sflag:s16], $0x190  }
0x23: {  	[sflag:s16] =	ssyncset.done $0x0  }
0x24: {  	[sflag:s16] =	ssyncadd.s32 $0xFFFFFE70  }
0x25: {  	[tilespmem:s17], [sflag:$0x1] =	stream.indirect.gather [hbm4b:s1+s23], $0x40, s4, s23, $0xb8;
	[tilespmem:$0x16E40] =	vst v63  }
0x26: {  	_ = 	snop  }
0x27: {  	[tilespmem:s23], [sflag:$0x3] =	stream.linear.gather [hbm4b:s12+s4], $0x190, $0x38;
	[tilespmem:$0x16E40] =	vst v63  }
0x28: {  	_ =	swait.ge [sflag:s16], $0x190  }
0x29: {  	[sflag:s16] =	ssyncset.done $0x0  }
0x2a: {  	[sflag:s16] =	ssyncadd.s32 $0xFFFFFE70  }
0x2b: {  	[tilespmem:s18], [sflag:$0x1] =	stream.indirect.gather [hbm4b:s1+s23], $0x40, s23, s23, $0xb8;
	[tilespmem:$0x16E40] =	vst v63  }
0x2c: {  	_ =	swait.ge [sflag:s21], $0x6400  }
0x2d: {  	[sflag:s21] =	ssyncset.done $0x0  }
0x2e: {  	[sflag:s21] =	ssyncadd.s32 $0xFFFF9C00  }
0x2f: {  	[tilespmem:s19], [sflag:$0x3] =	stream.linear.gather [hbm4b:s13+s4], $0x190, $0x38;
	[tilespmem:$0x16E40] =	vst v63  }
.Ltmp2:
0x30: {  	_ = 	snop;
	(pc) =	sbr.rel .LBB2_2-.Ltmp2, $4  }
0x31: {  	_ =	swait.ge [sflag:s16], $0x190  }
0x32: {  	s25 =	smov.u32 s14;
	[sflag:s16] =	ssyncset.done $0x0  }
0x33: {  	s26 =	simm.s32 $0x190;
	s28 =	simm.s32 $0x1;
	[sflag:s16] =	ssyncadd.s32 $0xFFFFFE70  }
0x34: {  	[spmem:s3] =	stream.indirect.scatter.add.f32 [tilespmem:s17], [sflag:$0x2], $0x40, s19, s23, $0xb8;
	[tilespmem:$0x16E40] =	vst v63  }
.LBB2_4:
0x35: {  	s26 =	sadd.s32 $0x190, s26  }
0x36: {  	p0 =	sne.s32 s26, $0x2710  }
.Ltmp3:
0x37: {  	_ = 	snop;
	(pc) =	sbr.rel @!p0 .LBB2_5-.Ltmp3, $2  }
0x38: {  	_ =	sdelay $0x2  }
0x39: {  	s28 =	sadd.s32 $0x1, s28;
	s25 =	sadd.s32 $0x32, s25  }
.LBB2_2:
0x3a: {  	s29 =	sand.u32 $0x1, s28  }
0x3b: {  	p0 =	seq.s32 s29, $0x1  }
0x3c: {  	s30 =	simm.s32 @!p0 $0x2  }
0x3d: {  	p1 =	seq.s32 @!p0 s26, $0x2580;
	_ =	swait.ge @!p0 [sflag:s30], $0x6400  }
0x3e: {  	p2 =	por p1, p0;
	[sflag:s30] =	ssyncset.done @!p0 $0x0  }
0x3f: {  	s31 =	simm.s32 @!p2 $0x190;
	[sflag:s30] =	ssyncadd.s32 @!p0 $0xFFFF9C00;
	s30 =	simm.s32 @!p2 $0x0  }
0x40: {  	[tilespmem:s31], [sflag:$0x3] =	stream.linear.gather @!p2 [hbm4b:s25+s30], $0x190, $0x38;
	[tilespmem:$0x16E40] =	vst v63  }
0x41: {  	s30 =	simm.s32 @!p2 $0x3  }
0x42: {  	_ =	swait.ge @!p2 [sflag:s30], $0x190  }
0x43: {  	[sflag:s30] =	ssyncset.done @!p2 $0x0  }
0x44: {  	[sflag:s30] =	ssyncadd.s32 @!p2 $0xFFFFFE70;
	s30 =	simm.s32 @!p2 $0x6A40  }
0x45: {  	[tilespmem:s30], [sflag:$0x1] =	stream.indirect.gather @!p2 [hbm4b:s1+s31], $0x40, s31, s31, $0xb8;
	[tilespmem:$0x16E40] =	vst v63  }
0x46: {  	p1 =	por !p1, p0;
	s30 =	smov.u32 s26  }
0x47: {  	s31 =	simm.s32 @!p0 $0x1;
	s30 =	simm.s32 @!p1 $0x2580  }
0x48: {  	_ =	swait.ge @!p0 [sflag:s31], $0x6400;
	s30 =	sadd.s32 @!p0 s6, s30  }
0x49: {  	s0 =	simm.s32 @!p0 $0x320;
	[sflag:s31] =	ssyncset.done @!p0 $0x0;
	s30 =	sshrl.u32 @!p0 s30, $0x3  }
0x4a: {  	[sflag:s31] =	ssyncadd.s32 @!p0 $0xFFFF9C00;
	s31 =	simm.s32 @!p0 $0x0;
	s30 =	sadd.s32 @!p0 s5, s30  }
0x4b: {  	[tilespmem:s0], [sflag:$0x3] =	stream.linear.gather @!p0 [hbm4b:s30+s31], $0x190, $0x38;
	[tilespmem:$0x16E40] =	vst v63  }
0x4c: {  	s30 =	simm.s32 @!p0 $0x3  }
0x4d: {  	_ =	swait.ge @!p0 [sflag:s30], $0x190  }
0x4e: {  	p1 =	seq.s32 @!p0 s29, $0x0;
	[sflag:s30] =	ssyncset.done @!p0 $0x0  }
0x4f: {  	s31 =	simm.s32 @!p0 $0x640;
	[sflag:s30] =	ssyncadd.s32 @!p0 $0xFFFFFE70;
	s30 =	simm.s32 @!p0 $0x190  }
0x50: {  	[spmem:s3] =	stream.indirect.scatter.add.f32 @!p0 [tilespmem:s31], [sflag:$0x2], $0x40, s0, s30, $0xb8;
	[tilespmem:$0x16E40] =	vst v63  }
0x51: {  	p0 =	por p0, !p1  }
.Ltmp4:
0x52: {  	_ = 	snop;
	(pc) =	sbr.rel @!p0 .LBB2_4-.Ltmp4, $1  }
0x53: {  	_ =	sdelay $0x3  }
0x54: {  	_ =	swait.ge [sflag:s20], $0x6400  }
0x55: {  	p0 =	seq.s32 s26, $0x2580;
	[sflag:s20] =	ssyncset.done $0x0  }
0x56: {  	s0 =	simm.s32 @!p0 $0x0;
	s29 =	simm.s32 @!p0 $0x3;
	[sflag:s20] =	ssyncadd.s32 $0xFFFF9C00  }
0x57: {  	[tilespmem:s0], [sflag:$0x3] =	stream.linear.gather @!p0 [hbm4b:s25+s0], $0x190, $0x38;
	[tilespmem:$0x16E40] =	vst v63  }
0x58: {  	_ =	swait.ge @!p0 [sflag:s29], $0x190  }
0x59: {  	[sflag:s29] =	ssyncset.done @!p0 $0x0  }
0x5a: {  	s30 =	simm.s32 @!p0 $0x640;
	[sflag:s29] =	ssyncadd.s32 @!p0 $0xFFFFFE70;
	s29 =	simm.s32 @!p0 $0x190  }
0x5b: {  	[tilespmem:s30], [sflag:$0x1] =	stream.indirect.gather @!p0 [hbm4b:s1+s29], $0x40, s0, s29, $0xb8;
	[tilespmem:$0x16E40] =	vst v63  }
0x5c: {  	s0 =	smov.u32 s26  }
0x5d: {  	s0 =	simm.s32 @p0 $0x2580  }
0x5e: {  	_ =	swait.ge [sflag:s21], $0x6400;
	s0 =	sadd.s32 s6, s0  }
0x5f: {  	[sflag:s21] =	ssyncset.done $0x0;
	s0 =	sshrl.u32 s0, $0x3  }
0x60: {  	[sflag:s21] =	ssyncadd.s32 $0xFFFF9C00;
	s0 =	sadd.s32 s5, s0  }
0x61: {  	[tilespmem:s22], [sflag:$0x3] =	stream.linear.gather [hbm4b:s0+s4], $0x190, $0x38;
	[tilespmem:$0x16E40] =	vst v63  }
.Ltmp5:
0x62: {  	_ = 	snop;
	(pc) =	sbr.rel .LBB2_4-.Ltmp5, $4  }
0x63: {  	_ =	swait.ge [sflag:s16], $0x190  }
0x64: {  	[sflag:s16] =	ssyncset.done $0x0  }
0x65: {  	[sflag:s16] =	ssyncadd.s32 $0xFFFFFE70  }
0x66: {  	[spmem:s3] =	stream.indirect.scatter.add.f32 [tilespmem:s18], [sflag:$0x2], $0x40, s22, s23, $0xb8;
	[tilespmem:$0x16E40] =	vst v63  }
.LBB2_6:
0x67: {  	_ =	sfence.sel $0x180000  }
0x68: {  	[bflag:$0x0] =	sbarrier.arrive $0xFFFF  }
0x69: {  	_ =	strace $0x9000004D  }
0x6a: {  	[bflag:$0x2] =	sbarrier.arrive $0xFFFF  }
0x6b: {  	p0 =	sne.s32 s2, $0x0;
	s0 =	rddreg [dreg:$0x3]  }
0x6c: {  	s0 =	sadd.s32 @!p0 $0x100000, s0  }
0x6d: {  	[sflag:s0] =	ssyncadd.tile.s32 @!p0 $0x1;
	_ =	shalt  }
.Lfunc_end2:
_tile_overlayer_lowered:
.L_overlay_start_2:
0x6e: {  	(tag) =	ssettag $0x2  }
0x6f: {  	s0 =	rddreg [dreg:$0x0];
	s2 =	stileid.u32  }
0x70: {  	s1 =	rddreg [dreg:$0x1];
	p0 =	sne.s32 s2, $0x0  }
0x71: {  	s3 =	rddreg [dreg:$0x2];
	[bflag:$0x3] =	sbarrier.arrive $0xFFFF;
	s2 =	simm.s32 @!p0 $0x1C03  }
0x72: {  	[timem:s3], [sflag:s2] =	dma.local @!p0 [hbm:s0], s1  }
0x73: {  	s0 =	simm.s32 @!p0 $0x3  }
0x74: {  	_ =	swait.ge @!p0 [sflag:s0], s1  }
0x75: {  	s1 =	ssub.s32 @!p0 $0x0, s1;
	[sflag:s0] =	ssyncset.done @!p0 $0x0  }
0x76: {  	[sflag:s0] =	ssyncadd.s32 @!p0 s1  }
0x77: {  	[bflag:$0x3] =	sbarrier.arrive $0xFFFF  }
0x78: {  	_ =	shalt  }

// kernel: kernel.9.cloned.1.call-start
scs
__scs_entry_jumppad:
0x0: {  	(pc) =	sbr.rel $0x88, $3  }
0x1: {  	(tag) =	ssettag $0x0;
	lr =	simm.s32 $0x1  }
0x2: {  	[smem:$0x3F9B] =	sst lr;
	_ =	strace $0xD0000000  }
0x3: {  	_ = 	snop  }
0x4: {  	_ = 	snop  }
0x5: {  	_ = 	snop  }
0x6: {  	_ = 	snop  }
0x7: {  	_ = 	snop  }
__scs_overlays_trampoline_lowered:
0x8: {  	[smem:$0x3FAA] =	sst s0  }
0x9: {  	[smem:$0x3FAB] =	sst s1  }
0xa: {  	[smem:$0x3FAC] =	sst s2  }
0xb: {  	[smem:$0x3FAD] =	sst s3  }
0xc: {  	[smem:$0x3FAE] =	sst s4  }
0xd: {  	[smem:$0x3FAF] =	sst s5  }
0xe: {  	[smem:$0x3FB0] =	sst s6  }
0xf: {  	[smem:$0x3FB1] =	sst s7  }
0x10: {  	[smem:$0x3FB2] =	sst s8  }
0x11: {  	[smem:$0x3FB3] =	sst s9;
	s0 =	simm.s32 @!p0 $0x0  }
0x12: {  	s1 =	sld [smem:$0x3F99];
	s0 =	simm.s32 @p0 $0x1  }
0x13: {  	[smem:$0x3FB4] =	sst s0;
	s0 =	simm.s32 @!p1 $0x0  }
0x14: {  	s2 =	sld [smem:$0x3F98];
	s0 =	simm.s32 @p1 $0x1  }
0x15: {  	[smem:$0x3FB5] =	sst s0;
	s0 =	simm.s32 @!p2 $0x0  }
0x16: {  	s3 =	sld [smem:$0x3FDB];
	s0 =	simm.s32 @p2 $0x1  }
0x17: {  	s4 =	simm.s32 $0x1BF5;
	[smem:$0x3FB7] =	sst s0  }
0x18: {  	s0 =	sld [smem:$0x3F9A];
	_ =	swait.ge [sflag:s4], $0x0  }
0x19: {  	s7 =	sld [smem:$0x3F9B]  }
0x1a: {  	s8 =	sadd.s32 $0xFFFFE003, lr  }
0x1b: {  	s9 =	sadd.s32 $0xFFFFFEF7, lr;
	s5 =	simm.s32 $0xFFFFFFFF;
	p2 =	slt.u32 s8, $0xFFFFF086  }
0x1c: {  	p1 =	slt.u32 s9, $0xF7A;
	s5 =	simm.s32 @!p2 $0x0  }
0x1d: {  	s5 =	simm.s32 @p1 $0x1;
	p0 =	seq.s32 s7, s2  }
0x1e: {  	s7 =	smul.u32 @!p0 $0xF7A, s2;
	p2 =	seq.s32 @!p0 s5, $0x0  }
0x1f: {  	s9 =	smul.u32 $0xF7A, s1;
	s8 =	simm.s32 @!p0 $0x1BF5;
	p2 =	por !p2, p0  }
0x20: {  	[sflag:s8] =	ssyncset.s32 @!p0 $0xFFFFF086;
	s6 =	sadd.s32 @!p0 s3, s7;
	s7 =	simm.s32 @!p0 $0x108  }
0x21: {  	s3 =	sadd.s32 s3, s9;
	s6 =	sadd.s32 @!p0 $0x88, s6;
	s7 =	simm.s32 @p2 $0x1082  }
0x22: {  	[simem:s7], [sflag:s8] =	dma.local @!p0 [hbm:s6], $0xF7A  }
0x23: {  	s9 =	sor.u32 $0xD0000000, s2;
	s6 =	simm.s32 $0x108;
	_ =	swait.ge @!p0 [sflag:s8], $0x0  }
0x24: {  	s3 =	sadd.s32 $0x88, s3;
	s6 =	simm.s32 @!p1 $0x1082;
	[sflag:s4] =	ssyncset.s32 $0xFFFFF086  }
0x25: {  	[simem:s6], [sflag:s4] =	dma.local [hbm:s3], $0xF7A  }
0x26: {  	[smem:$0x3F9B] =	sst s1;
	(tag) =	ssettag s2;
	_ =	strace s9  }
0x27: {  	s1 =	sld [smem:$0x3FAB]  }
0x28: {  	s2 =	sld [smem:$0x3FAC]  }
0x29: {  	s4 =	sld [smem:$0x3FAE]  }
0x2a: {  	p0 =	seq.s32 s5, $0x0;
	s5 =	sld [smem:$0x3FAF]  }
0x2b: {  	s6 =	sld [smem:$0x3FB0]  }
0x2c: {  	s7 =	sld [smem:$0x3FB1]  }
0x2d: {  	s3 =	simm.s32 $0x108;
	s8 =	sld [smem:$0x3FB2]  }
0x2e: {  	s3 =	simm.s32 @!p0 $0x1082;
	s9 =	sld [smem:$0x3FB3]  }
0x2f: {  	lr =	sadd.s32 s0, s3;
	s0 =	sld [smem:$0x3FAA]  }
0x30: {  	s3 =	sld [smem:$0x3FAD]  }
0x31: {  	[smem:$0x3FB6] =	sst s10  }
0x32: {  	s10 =	sld [smem:$0x3FB4];
	_ =	sdelay $0x3  }
0x33: {  	p0 =	seq.s32 s10, $0x1;
	s10 =	sld [smem:$0x3FB6];
	_ =	sdelay $0x3  }
0x34: {  	[smem:$0x3FB6] =	sst s10  }
0x35: {  	s10 =	sld [smem:$0x3FB5];
	_ =	sdelay $0x3  }
0x36: {  	p1 =	seq.s32 s10, $0x1;
	s10 =	sld [smem:$0x3FB6];
	_ =	sdelay $0x3  }
0x37: {  	[smem:$0x3FB6] =	sst s10  }
0x38: {  	s10 =	sld [smem:$0x3FB7]  }
0x39: {  	_ = 	snop;
	(pc) =	sbr.ind lr, $3  }
0x3a: {  	_ = 	snop  }
0x3b: {  	_ = 	snop  }
0x3c: {  	p2 =	seq.s32 s10, $0x1;
	s10 =	sld [smem:$0x3FB6]  }
0x3d: {  	_ =	shalt  }
0x3e: {  	_ =	shalt  }
0x3f: {  	_ =	shalt  }
0x40: {  	_ =	shalt  }
0x41: {  	_ =	shalt  }
0x42: {  	_ =	shalt  }
0x43: {  	_ =	shalt  }
0x44: {  	_ =	shalt  }
0x45: {  	_ =	shalt  }
0x46: {  	_ =	shalt  }
0x47: {  	_ =	shalt  }
0x48: {  	_ =	shalt  }
0x49: {  	_ =	shalt  }
0x4a: {  	_ =	shalt  }
0x4b: {  	_ =	shalt  }
0x4c: {  	_ =	shalt  }
0x4d: {  	_ =	shalt  }
0x4e: {  	_ =	shalt  }
0x4f: {  	_ =	shalt  }
0x50: {  	_ =	shalt  }
0x51: {  	_ =	shalt  }
0x52: {  	_ =	shalt  }
0x53: {  	_ =	shalt  }
0x54: {  	_ =	shalt  }
0x55: {  	_ =	shalt  }
0x56: {  	_ =	shalt  }
0x57: {  	_ =	shalt  }
0x58: {  	_ =	shalt  }
0x59: {  	_ =	shalt  }
0x5a: {  	_ =	shalt  }
0x5b: {  	_ =	shalt  }
0x5c: {  	_ =	shalt  }
0x5d: {  	_ =	shalt  }
0x5e: {  	_ =	shalt  }
0x5f: {  	_ =	shalt  }
0x60: {  	_ =	shalt  }
0x61: {  	_ =	shalt  }
0x62: {  	_ =	shalt  }
0x63: {  	_ =	shalt  }
0x64: {  	_ =	shalt  }
0x65: {  	_ =	shalt  }
0x66: {  	_ =	shalt  }
0x67: {  	_ =	shalt  }
0x68: {  	_ =	shalt  }
0x69: {  	_ =	shalt  }
0x6a: {  	_ =	shalt  }
0x6b: {  	_ =	shalt  }
0x6c: {  	_ =	shalt  }
0x6d: {  	_ =	shalt  }
0x6e: {  	_ =	shalt  }
0x6f: {  	_ =	shalt  }
0x70: {  	_ =	shalt  }
0x71: {  	_ =	shalt  }
0x72: {  	_ =	shalt  }
0x73: {  	_ =	shalt  }
0x74: {  	_ =	shalt  }
0x75: {  	_ =	shalt  }
0x76: {  	_ =	shalt  }
0x77: {  	_ =	shalt  }
0x78: {  	_ =	shalt  }
0x79: {  	_ =	shalt  }
0x7a: {  	_ =	shalt  }
0x7b: {  	_ =	shalt  }
0x7c: {  	_ =	shalt  }
0x7d: {  	_ =	shalt  }
0x7e: {  	_ =	shalt  }
0x7f: {  	_ =	shalt  }
0x80: {  	_ =	shalt  }
0x81: {  	_ =	shalt  }
0x82: {  	_ =	shalt  }
0x83: {  	_ =	shalt  }
0x84: {  	_ =	shalt  }
0x85: {  	_ =	shalt  }
0x86: {  	_ =	shalt  }
0x87: {  	_ =	shalt  }
.Lfunc_end0:
.L_simem_size_0:
called_computation_lowered:
.L_overlay_start_0:
0x88: {  	s2 =	sld [smem:$0x3FD9]  }
0x89: {  	s3 =	sld [smem:$0x3FFE];
	_ =	sdelay $0x1  }
0x8a: {  	s1 =	srdreg.scid  }
0x8b: {  	s0 =	sand.u32 $0x1, s1  }
0x8c: {  	s17 =	sshll.u32 s0, $0xA;
	s2 =	sadd.s32 s3, s2  }
0x8d: {  	s2 =	sadd.s32 s2, s17  }
0x8e: {  	[smem:$0x3FC2] =	sst s2  }
0x8f: {  	_ = 	snop  }
0x90: {  	s2 =	sld [smem:$0x3FD0];
	(tm) =	ssettm $0x1  }
0x91: {  	s18 =	sld [smem:$0x3FFB];
	_ =	sdelay $0x3  }
0x92: {  	_ =	strace s18  }
0x93: {  	s3 =	sld [smem:$0x3FFC];
	_ =	sdelay $0x3  }
0x94: {  	_ =	strace s3  }
0x95: {  	s3 =	sld [smem:$0x3FFD];
	_ =	sdelay $0x3  }
0x96: {  	_ =	strace s3  }
0x97: {  	_ =	strace $0x8FFFFFFF  }
0x98: {  	s19 =	sld [smem:$0x3FDB];
	_ =	sdelay $0x1  }
0x99: {  	s4 =	simm.s32 $_scs_section_size  }
0x9a: {  	s5 =	simm.s32 $_size__tile_overlayer_lowered;
	s6 =	simm.s32 $_tile_overlayer_lowered  }
0x9b: {  	s22 =	simm.s32 $0x1BFF;
	s21 =	sshll.u32 s6, $0x1;
	s3 =	sadd.s32 s4, s19  }
0x9c: {  	s7 =	simm.s32 $0x0;
	s20 =	sshll.u32 s5, $0x1;
	s5 =	sadd.s32 s21, s3  }
0x9d: {  	[timem:s7], [sflag:s22] =	dma.local [hbm:s5], s20  }
0x9e: {  	_ =	swait.ge [sflag:s22], s20  }
0x9f: {  	s4 =	ssub.s32 $0x0, s20;
	[sflag:s22] =	ssyncset.done $0x0  }
0xa0: {  	[sflag:s22] =	ssyncadd.s32 s4;
	_ =	sdelay $0x1  }
0xa1: {  	s23 =	simm.s32 $0x1B8B  }
0xa2: {  	_ =	swait.ge [sflag:s23], $0x1  }
0xa3: {  	[sflag:s23] =	ssyncset.done $0x0  }
0xa4: {  	s25 =	simm.s32 $0x1B8E;
	s24 =	sld [smem:$0x3FFE];
	[sflag:s23] =	ssyncadd.s32 $0xFFFFFFFF  }
0xa5: {  	s26 =	simm.s32 $execute0_lowered;
	[smem:$0x3FD2] =	sst s25  }
0xa6: {  	s5 =	sshll.u32 s26, $0x1;
	_ =	strace $0x80000046;
	[dreg:$0x1] =	wrdreg $0xFFFFFFFF  }
0xa7: {  	s28 =	simm.s32 $_size_execute0_lowered;
	s3 =	sadd.s32 s3, s5;
	[dreg:$0x0] =	wrdreg $0x0  }
0xa8: {  	s5 =	sshll.u32 s28, $0x1;
	[dreg:$0x2] =	wrdreg s3  }
0xa9: {  	[dreg:$0x3] =	wrdreg s5  }
0xaa: {  	[dreg:$0x4] =	wrdreg $0xC0  }
0xab: {  	_ =	task [dreg:s7], $0x5FFFF  }
0xac: {  	[dreg:$0x1] =	wrdreg $0xFFFFFFFF  }
0xad: {  	[dreg:$0x0] =	wrdreg $0x60  }
0xae: {  	[dreg:$0x2] =	wrdreg s24  }
0xaf: {  	[dreg:$0x3] =	wrdreg s2  }
0xb0: {  	[dreg:$0x4] =	wrdreg $0x1C200  }
0xb1: {  	[dreg:$0x5] =	wrdreg $0x9  }
0xb2: {  	_ =	task.clear_ibuf [dreg:s7], $0x6FFFF;
	_ =	strace $0x90000046  }
0xb3: {  	s29 =	simm.s32 $0x9;
	_ =	strace $0x80000048  }
0xb4: {  	_ =	swait.ge [sflag:s29], $0x1  }
0xb5: {  	[sflag:s29] =	ssyncadd.s32 $0xFFFFFFFF  }
0xb6: {  	_ =	strace $0x90000048  }
0xb7: {  	_ =	sfence  }
0xb8: {  	s30 =	sld [smem:$0x0];
	_ =	sdelay $0x2  }
0xb9: {  	s31 =	sshll.u32 s1, $0xD;
	s1 =	sshrl.u32 s1, $0x2  }
0xba: {  	s3 =	sand.u32 $0x4000, s31;
	s1 =	sadd.s32 s1, s30  }
0xbb: {  	s0 =	sor.u32 s3, s0;
	s1 =	sshll.u32 s1, $0x11  }
0xbc: {  	s0 =	sor.u32 s1, s0  }
0xbd: {  	s0 =	sadd.s32 $0x8F2B, s0  }
0xbe: {  	[sflag:s0] =	ssyncadd.remote.s32 $0x1  }
0xbf: {  	_ =	sfence.sel $0xFFFF  }
0xc0: {  	[dreg:$0x0] =	wrdreg $0xFFFFFFFF;
	(pc) =	sbr.abs _section_cstart, $3  }
0xc1: {  	[dreg:$0x1] =	wrdreg $0xFFFFFFFF  }
0xc2: {  	_ =	task.clear_ibuf [dreg:s7], $0x2FFFF;
	_ =	strace $0x9FFFFFFF  }
0xc3: {  	(tm) =	ssettm $0x7FFFFFFF  }
tec
execute0_lowered:
.L_overlay_start_1:
0x0: {  	(tag) =	ssettag $0x1  }
0x1: {  	s6 =	rddreg [dreg:$0x0]  }
0x2: {  	s9 =	rddreg [dreg:$0x1]  }
0x3: {  	s1 =	rddreg [dreg:$0x2]  }
0x4: {  	s0 =	rddreg [dreg:$0x3]  }
0x5: {  	s3 =	simm.s32 $0x0;
	s4 =	srdreg.scid;
	s2 =	stileid.u32  }
0x6: {  	s16 =	simm.s32 $0x190;
	s17 =	simm.s32 $0x3;
	s18 =	simm.s32 $0x0  }
0x7: {  	[smem:$0x7FF] =	sst s3;
	s7 =	sand.u32 $0x1, s4;
	s8 =	smul.u32 $0x2800, s2  }
0x8: {  	s4 =	sadd.s32 $0xB400, s6;
	s5 =	sadd.s32 $0x1A200, s6;
	s31 =	smul.u32 $0x2710, s2  }
0x9: {  	s30 =	sshll.u32 s2, $0x6;
	_ =	strace $0x80000047;
	s28 =	smul.u32 $0x28000, s7  }
0xa: {  	s10 =	sshll.u32 s7, $0x4;
	s11 =	ssub.s32 $0x2, s7;
	s14 =	smul.u32 $0x27100, s7  }
0xb: {  	s7 =	sor.u32 $0x1C02, s30;
	s10 =	sor.u32 s2, s10;
	s12 =	sshrl.u32 s8, $0x3  }
0xc: {  	s13 =	sshrl.u32 s11, $0x1;
	s29 =	sadd.s32 s8, s1;
	s10 =	smul.u32 $0x2710, s10  }
0xd: {  	s6 =	sadd.s32 s12, s6;
	s11 =	ssub.s32 s11, s13;
	s8 =	sadd.s32 s8, s28  }
0xe: {  	s12 =	sadd.s32 s31, s14;
	s13 =	simm.s32 $0x2;
	s14 =	simm.s32 $0x320  }
0xf: {  	s6 =	sadd.s32 $0x15200, s6;
	s15 =	sshrl.u32 s8, $0x3;
	s10 =	sshrl.u32 s10, $0x3  }
0x10: {  	s9 =	sadd.s32 s9, s15;
	s15 =	simm.s32 $0x1;
	s8 =	sadd.s32 s4, s10  }
0x11: {  	s10 =	smax.u32 s11, $0x1;
	s11 =	sadd.s32 $0x190, s12;
	s12 =	sshrl.u32 s29, $0x3  }
.LBB2_1:
0x12: {  	[spmem:s12], [sflag:s7] =	dma.local [hbm:s6], $0x500  }
0x13: {  	_ =	swait.ge [sflag:s13], $0x500  }
0x14: {  	[sflag:s13] =	ssyncset.done $0x0  }
0x15: {  	[sflag:s13] =	ssyncadd.s32 $0xFFFFFB00  }
0x16: {  	[tilespmem:s14], [sflag:$0x2] =	stream.linear.gather [hbm4b:s5+s3], $0x1900, $0x38;
	[tilespmem:$0x4420] =	vst v63  }
0x17: {  	_ =	swait.ge [sflag:s13], $0x1900  }
0x18: {  	[sflag:s13] =	ssyncset.done $0x0  }
0x19: {  	[sflag:s13] =	ssyncadd.s32 $0xFFFFE700  }
0x1a: {  	s19 =	sand.u32 $0x1, s3;
	[bflag:$0x0] =	sbarrier.arrive $0xFFFF  }
0x1b: {  	[tilespmem:s3], [sflag:$0x1] =	stream.linear.gather [hbm4b:s8+s3], $0x190, $0x38;
	[tilespmem:$0x4420] =	vst v63  }
0x1c: {  	p0 =	seq.s32 s19, $0x1;
	_ =	swait.ge [sflag:s15], $0x190  }
0x1d: {  	s19 =	sshrl.u32 @p0 s11, $0x3;
	s20 =	sshrl.u32 @!p0 s11, $0x3;
	[sflag:s15] =	ssyncset.done $0x0  }
0x1e: {  	s21 =	simm.s32 @p0 $0x0;
	s19 =	sadd.s32 @p0 s4, s19;
	[sflag:s15] =	ssyncadd.s32 $0xFFFFFE70  }
0x1f: {  	[tilespmem:s21], [sflag:$0x1] =	stream.linear.gather @p0 [hbm4b:s19+s21], $0x190, $0x38;
	[tilespmem:$0x4420] =	vst v63  }
0x20: {  	s22 =	simm.s32 @!p0 $0x190;
	s19 =	simm.s32 @p0 $0x190;
	s21 =	simm.s32 @p0 $0x320  }
0x21: {  	[spmem:s1] =	stream.indirect.scatter.add.f32 @p0 [tilespmem:s21], [sflag:$0x2], $0x10, s19, s19, $0xb8;
	[tilespmem:$0x4420] =	vst v63  }
0x22: {  	s20 =	sadd.s32 @!p0 s4, s20;
	s19 =	simm.s32 @!p0 $0x0;
	s21 =	simm.s32 @!p0 $0x3  }
0x23: {  	[tilespmem:s22], [sflag:$0x1] =	stream.linear.gather @!p0 [hbm4b:s20+s19], $0x190, $0x38;
	[tilespmem:$0x4420] =	vst v63  }
0x24: {  	s21 =	simm.s32 @p0 $0x2;
	s20 =	simm.s32 @!p0 $0x320  }
0x25: {  	[spmem:s1] =	stream.indirect.scatter.add.f32 @!p0 [tilespmem:s20], [sflag:$0x3], $0x10, s19, s22, $0xb8;
	[tilespmem:$0x4420] =	vst v63  }
0x26: {  	_ =	swait.ge [sflag:s21], $0x1900  }
0x27: {  	s19 =	simm.s32 $0x1;
	s20 =	smov.u32 s11;
	[sflag:s21] =	ssyncset.done $0x0  }
.LBB2_2:
0x28: {  	[sflag:s21] =	ssyncadd.s32 $0xFFFFE700  }
0x29: {  	s20 =	sadd.s32 $0x190, s20;
	s21 =	smov.u32 s19;
	s19 =	sadd.s32 $0x1, s19  }
0x2a: {  	s21 =	sand.u32 $0x1, s21;
	p0 =	sne.s32 s19, $0x18  }
0x2b: {  	p1 =	seq.s32 s21, $0x1;
	_ =	swait.ge [sflag:s15], $0x190  }
0x2c: {  	[sflag:s15] =	ssyncset.done $0x0;
	s21 =	sshrl.u32 @p1 s20, $0x3;
	s22 =	sshrl.u32 @!p1 s20, $0x3  }
0x2d: {  	s23 =	simm.s32 @p1 $0x0;
	[sflag:s15] =	ssyncadd.s32 $0xFFFFFE70;
	s21 =	sadd.s32 @p1 s4, s21  }
0x2e: {  	[tilespmem:s23], [sflag:$0x1] =	stream.linear.gather @p1 [hbm4b:s21+s23], $0x190, $0x38;
	[tilespmem:$0x4420] =	vst v63  }
0x2f: {  	s22 =	sadd.s32 @!p1 s4, s22;
	s21 =	simm.s32 @p1 $0x190;
	s23 =	simm.s32 @p1 $0x320  }
0x30: {  	[spmem:s1] =	stream.indirect.scatter.add.f32 @p1 [tilespmem:s23], [sflag:$0x2], $0x10, s21, s21, $0xb8;
	[tilespmem:$0x4420] =	vst v63  }
0x31: {  	s24 =	simm.s32 @!p1 $0x190;
	s23 =	simm.s32 @!p1 $0x0;
	s21 =	simm.s32 @!p1 $0x3  }
0x32: {  	[tilespmem:s24], [sflag:$0x1] =	stream.linear.gather @!p1 [hbm4b:s22+s23], $0x190, $0x38;
	[tilespmem:$0x4420] =	vst v63  }
.Ltmp0:
0x33: {  	_ = 	snop;
	(pc) =	sbr.rel @p0 .LBB2_2-.Ltmp0, $4  }
0x34: {  	s21 =	simm.s32 @p1 $0x2;
	s22 =	simm.s32 @!p1 $0x320  }
0x35: {  	[spmem:s1] =	stream.indirect.scatter.add.f32 @!p1 [tilespmem:s22], [sflag:$0x3], $0x10, s23, s24, $0xb8;
	[tilespmem:$0x4420] =	vst v63  }
0x36: {  	_ =	swait.ge [sflag:s21], $0x1900  }
0x37: {  	[sflag:s21] =	ssyncset.done $0x0  }
0x38: {  	[sflag:s21] =	ssyncadd.s32 $0xFFFFE700  }
0x39: {  	_ =	swait.ge [sflag:s15], $0x190  }
0x3a: {  	[sflag:s15] =	ssyncset.done $0x0  }
0x3b: {  	[sflag:s15] =	ssyncadd.s32 $0xFFFFFE70  }
0x3c: {  	[spmem:s1] =	stream.indirect.scatter.add.f32 [tilespmem:s14], [sflag:$0x3], $0x10, s3, s16, $0xb8;
	[tilespmem:$0x4420] =	vst v63  }
0x3d: {  	_ =	swait.ge [sflag:s17], $0x1900  }
0x3e: {  	s18 =	sadd.s32 $0x1, s18;
	[sflag:s17] =	ssyncset.done $0x0  }
0x3f: {  	p0 =	sne.s32 s18, s10;
	[sflag:s17] =	ssyncadd.s32 $0xFFFFE700  }
.Ltmp1:
0x40: {  	[bflag:$0x0] =	sbarrier.arrive $0xFFFF;
	(pc) =	sbr.rel @p0 .LBB2_1-.Ltmp1, $4  }
0x41: {  	[hbm:s9], [sflag:s7] =	dma.local [spmem:s12], $0x500  }
0x42: {  	_ =	swait.ge [sflag:s13], $0x500  }
0x43: {  	[sflag:s13] =	ssyncset.done $0x0  }
0x44: {  	[sflag:s13] =	ssyncadd.s32 $0xFFFFFB00  }
0x45: {  	_ =	sfence.sel $0x180000  }
0x46: {  	[bflag:$0x0] =	sbarrier.arrive $0xFFFF  }
0x47: {  	p0 =	sne.s32 s2, $0x0;
	_ =	strace $0x90000047  }
0x48: {  	s0 =	sadd.s32 @!p0 $0x100000, s0;
	[bflag:$0x2] =	sbarrier.arrive $0xFFFF  }
0x49: {  	[sflag:s0] =	ssyncadd.tile.s32 @!p0 $0x1;
	_ =	shalt  }
.Lfunc_end2:
_tile_overlayer_lowered:
.L_overlay_start_2:
0x4a: {  	(tag) =	ssettag $0x2  }
0x4b: {  	s0 =	rddreg [dreg:$0x0];
	s2 =	stileid.u32  }
0x4c: {  	s1 =	rddreg [dreg:$0x1];
	p0 =	sne.s32 s2, $0x0  }
0x4d: {  	s3 =	rddreg [dreg:$0x2];
	[bflag:$0x3] =	sbarrier.arrive $0xFFFF;
	s2 =	simm.s32 @!p0 $0x1C02  }
0x4e: {  	[timem:s3], [sflag:s2] =	dma.local @!p0 [hbm:s0], s1  }
0x4f: {  	s0 =	simm.s32 @!p0 $0x2  }
0x50: {  	_ =	swait.ge @!p0 [sflag:s0], s1  }
0x51: {  	s1 =	ssub.s32 @!p0 $0x0, s1;
	[sflag:s0] =	ssyncset.done @!p0 $0x0  }
0x52: {  	[sflag:s0] =	ssyncadd.s32 @!p0 s1  }
0x53: {  	[bflag:$0x3] =	sbarrier.arrive $0xFFFF  }
0x54: {  	_ =	shalt  }

</sc_bundles>
